<compile_context>
chip_gen: v7x
topology: tpu7x:2x2x1
jax: 0.10.2.dev20260603
libtpu: 0.0.44.dev20260713+nightly
codegen_flags: <defaults>
</compile_context>

<pallas_src>
import jax
import jax.numpy as jnp
from jax import lax
from jax.experimental import pallas as pl
from jax.experimental.pallas import tpu as pltpu
from jax.experimental.pallas import tpu_sc as plsc

_ROWS = 4096
_COLS = 8192
_NC = 2
_NS = 16
_NW = _NC * _NS
_ROWS_PER_W = _ROWS // _NW
_CHUNK = 4
_NBUF = 3
_N_CHUNKS = _ROWS_PER_W // _CHUNK


def _sc_copy(x_hbm, out_hbm, shared, *sems):
    rsems = sems[:_NBUF]
    wsems = sems[_NBUF:]
    sid = lax.axis_index("s")
    wid = sid * _NC + lax.axis_index("c")
    base = wid * _ROWS_PER_W

    def rd(i):
        b = i % _NBUF
        return pltpu.make_async_copy(
            x_hbm.at[pl.ds(base + i * _CHUNK, _CHUNK), :],
            shared.at[sid, b],
            rsems[b],
        )

    def wr(i):
        b = i % _NBUF
        return pltpu.make_async_copy(
            shared.at[sid, b],
            out_hbm.at[pl.ds(base + i * _CHUNK, _CHUNK), :],
            wsems[b],
        )

    rd(0).start()
    for i in range(_N_CHUNKS):
        nxt = i + 1
        if nxt < _N_CHUNKS:
            if nxt >= _NBUF:
                wr(nxt - _NBUF).wait()
            rd(nxt).start()
        rd(i).wait()
        wr(i).start()
    for i in range(_N_CHUNKS - _NBUF, _N_CHUNKS):
        wr(i).wait()


def kernel(x):
    mesh = plsc.VectorSubcoreMesh(core_axis_name="c", subcore_axis_name="s")
    run = pl.kernel(
        _sc_copy,
        mesh=mesh,
        out_type=jax.ShapeDtypeStruct((_ROWS, _COLS), jnp.float32),
        scratch_types=(
            [pltpu.VMEM_SHARED((_NS, _NBUF, _CHUNK, _COLS), jnp.float32)]
            + [pltpu.SemaphoreType.DMA] * (2 * _NBUF)
        ),
    )
    return run(x)

# --- scband reference (transcript-rebuilt; emitter-appended) ---
"""Pipeline reference for scband-pruning-parametrization-25220047962451 (READ-ONLY COPY).

The authoritative reference and input builder live on the scoring server;
editing this copy changes nothing except your own understanding.
"""

import jax, jax.numpy as jnp
import numpy as np

ORIGINAL_OUTPUTS = 4096
AXIS = 0
# pruned_outputs is empty at init time, so valid_outputs == all original outputs.
# Python set of small ints iterates in ascending order (ints hash to themselves),
# so list(original_outputs - pruned_outputs) == sorted range.
VALID_OUTPUTS = jnp.arange(ORIGINAL_OUTPUTS, dtype=jnp.int32)


def setup_inputs(seed: int = 0) -> dict:
    key = jax.random.key(seed)
    x = jax.random.normal(key, (4096, 8192), dtype=jnp.float32)
    return {"x": x}


def reference(x):
    # Faithful translation of PruningParametrization.forward with axis=0:
    #   valid_outputs = list(original_outputs - pruned_outputs)
    #   return x[valid_outputs]
    if AXIS == 0:
        return jnp.take(x, VALID_OUTPUTS, axis=0)
    elif AXIS == 1:
        return jnp.take(x, VALID_OUTPUTS, axis=1)
    else:
        raise NotImplementedError('Only 0 or 1 is supported as axis')

if __name__ == "__main__":
    import jax
    _d = setup_inputs()
    print(jax.jit(kernel)(*tuple(_d.values())))

</pallas_src>

<mosaic_0001>
#map = affine_map<(d0, d1) -> (0, 0)>
module attributes {stable_mosaic.version = 14 : i64} {
  func.func @_sc_copy(%arg0: i32, %arg1: i32, %arg2: memref<4096x8192xf32, #tpu.memory_space<hbm>>, %arg3: memref<4096x8192xf32, #tpu.memory_space<hbm>>, %arg4: memref<16x3x4x8192xf32, #tpu.memory_space<vmem_shared>>, %arg5: memref<!tpu.dma_semaphore, #tpu.memory_space<semaphore_mem>>, %arg6: memref<!tpu.dma_semaphore, #tpu.memory_space<semaphore_mem>>, %arg7: memref<!tpu.dma_semaphore, #tpu.memory_space<semaphore_mem>>, %arg8: memref<!tpu.dma_semaphore, #tpu.memory_space<semaphore_mem>>, %arg9: memref<!tpu.dma_semaphore, #tpu.memory_space<semaphore_mem>>, %arg10: memref<!tpu.dma_semaphore, #tpu.memory_space<semaphore_mem>>) attributes {dimension_semantics = [#tpu.dimension_semantics<core_parallel>, #tpu.dimension_semantics<subcore_parallel>], iteration_bounds = array<i64: 2, 16>, scalar_prefetch = 0 : i64, scratch_operands = 7 : i64, tpu.core_type = #tpu.core_type<sc_vector_subcore>, window_params = [{transform_indices = #map}, {transform_indices = #map}]} {
    %mul3A = arith.constant 2 : i32
    %mul3A_0 = arith.muli %arg1, %mul3A : i32
    %add3A = arith.addi %mul3A_0, %arg0 : i32
    %mul3A_1 = arith.constant 128 : i32
    %mul3A_2 = arith.muli %add3A, %mul3A_1 : i32
    %add3A_3 = arith.constant 0 : i32
    %add3A_4 = arith.addi %mul3A_2, %add3A_3 : i32
    %dma_start3A = arith.constant 0 : i32
    %dma_start3A_5 = arith.constant 0 : i32
    %dma_start3A_6 = arith.constant 0 : i32
    %dma_start3A_7 = tpu.memref_slice %arg4[%arg1, %dma_start3A, %dma_start3A_5, %dma_start3A_6] : memref<16x3x4x8192xf32, #tpu.memory_space<vmem_shared>> -> memref<1x1x4x8192xf32, #tpu.memory_space<vmem_shared>>
    %dma_start3A_8 = tpu.memref_squeeze %dma_start3A_7 : memref<1x1x4x8192xf32, #tpu.memory_space<vmem_shared>> -> memref<4x8192xf32, #tpu.memory_space<vmem_shared>>
    %dma_start3A_9 = arith.constant 0 : i32
    %dma_start3A_10 = tpu.memref_slice %arg2[%add3A_4, %dma_start3A_9] : memref<4096x8192xf32, #tpu.memory_space<hbm>> -> memref<4x8192xf32, #tpu.memory_space<hbm>>
    tpu.enqueue_dma source(%dma_start3A_10 : memref<4x8192xf32, #tpu.memory_space<hbm>>) target(%dma_start3A_8 : memref<4x8192xf32, #tpu.memory_space<vmem_shared>>) target_semaphore(%arg5 : memref<!tpu.dma_semaphore, #tpu.memory_space<semaphore_mem>>)
    %add3A_11 = arith.constant 4 : i32
    %add3A_12 = arith.addi %mul3A_2, %add3A_11 : i32
    %dma_start3A_13 = arith.constant 1 : i32
    %dma_start3A_14 = arith.constant 0 : i32
    %dma_start3A_15 = arith.constant 0 : i32
    %dma_start3A_16 = tpu.memref_slice %arg4[%arg1, %dma_start3A_13, %dma_start3A_14, %dma_start3A_15] : memref<16x3x4x8192xf32, #tpu.memory_space<vmem_shared>> -> memref<1x1x4x8192xf32, #tpu.memory_space<vmem_shared>>
    %dma_start3A_17 = tpu.memref_squeeze %dma_start3A_16 : memref<1x1x4x8192xf32, #tpu.memory_space<vmem_shared>> -> memref<4x8192xf32, #tpu.memory_space<vmem_shared>>
    %dma_start3A_18 = arith.constant 0 : i32
    %dma_start3A_19 = tpu.memref_slice %arg2[%add3A_12, %dma_start3A_18] : memref<4096x8192xf32, #tpu.memory_space<hbm>> -> memref<4x8192xf32, #tpu.memory_space<hbm>>
    tpu.enqueue_dma source(%dma_start3A_19 : memref<4x8192xf32, #tpu.memory_space<hbm>>) target(%dma_start3A_17 : memref<4x8192xf32, #tpu.memory_space<vmem_shared>>) target_semaphore(%arg6 : memref<!tpu.dma_semaphore, #tpu.memory_space<semaphore_mem>>)
    %add3A_20 = arith.constant 0 : i32
    %add3A_21 = arith.addi %mul3A_2, %add3A_20 : i32
    %dma_wait3A = arith.constant 0 : i32
    %dma_wait3A_22 = arith.constant 0 : i32
    %dma_wait3A_23 = arith.constant 0 : i32
    %dma_wait3A_24 = tpu.memref_slice %arg4[%arg1, %dma_wait3A, %dma_wait3A_22, %dma_wait3A_23] : memref<16x3x4x8192xf32, #tpu.memory_space<vmem_shared>> -> memref<1x1x4x8192xf32, #tpu.memory_space<vmem_shared>>
    %dma_wait3A_25 = tpu.memref_squeeze %dma_wait3A_24 : memref<1x1x4x8192xf32, #tpu.memory_space<vmem_shared>> -> memref<4x8192xf32, #tpu.memory_space<vmem_shared>>
    %dma_wait3A_26 = arith.constant 0 : i32
    %dma_wait3A_27 = tpu.memref_slice %arg2[%add3A_21, %dma_wait3A_26] : memref<4096x8192xf32, #tpu.memory_space<hbm>> -> memref<4x8192xf32, #tpu.memory_space<hbm>>
    tpu.wait_dma2 semaphore(%arg5 : memref<!tpu.dma_semaphore, #tpu.memory_space<semaphore_mem>>) src(%dma_wait3A_27 : memref<4x8192xf32, #tpu.memory_space<hbm>>) dst(%dma_wait3A_25 : memref<4x8192xf32, #tpu.memory_space<vmem_shared>>)
    %add3A_28 = arith.constant 0 : i32
    %add3A_29 = arith.addi %mul3A_2, %add3A_28 : i32
    %dma_start3A_30 = arith.constant 0 : i32
    %dma_start3A_31 = arith.constant 0 : i32
    %dma_start3A_32 = tpu.memref_slice %arg3[%add3A_29, %dma_start3A_31] : memref<4096x8192xf32, #tpu.memory_space<hbm>> -> memref<4x8192xf32, #tpu.memory_space<hbm>>
    %dma_start3A_33 = arith.constant 0 : i32
    %dma_start3A_34 = arith.constant 0 : i32
    %dma_start3A_35 = tpu.memref_slice %arg4[%arg1, %dma_start3A_30, %dma_start3A_33, %dma_start3A_34] : memref<16x3x4x8192xf32, #tpu.memory_space<vmem_shared>> -> memref<1x1x4x8192xf32, #tpu.memory_space<vmem_shared>>
    %dma_start3A_36 = tpu.memref_squeeze %dma_start3A_35 : memref<1x1x4x8192xf32, #tpu.memory_space<vmem_shared>> -> memref<4x8192xf32, #tpu.memory_space<vmem_shared>>
    tpu.enqueue_dma source(%dma_start3A_36 : memref<4x8192xf32, #tpu.memory_space<vmem_shared>>) target(%dma_start3A_32 : memref<4x8192xf32, #tpu.memory_space<hbm>>) target_semaphore(%arg8 : memref<!tpu.dma_semaphore, #tpu.memory_space<semaphore_mem>>)
    %add3A_37 = arith.constant 8 : i32
    %add3A_38 = arith.addi %mul3A_2, %add3A_37 : i32
    %dma_start3A_39 = arith.constant 2 : i32
    %dma_start3A_40 = arith.constant 0 : i32
    %dma_start3A_41 = arith.constant 0 : i32
    %dma_start3A_42 = tpu.memref_slice %arg4[%arg1, %dma_start3A_39, %dma_start3A_40, %dma_start3A_41] : memref<16x3x4x8192xf32, #tpu.memory_space<vmem_shared>> -> memref<1x1x4x8192xf32, #tpu.memory_space<vmem_shared>>
    %dma_start3A_43 = tpu.memref_squeeze %dma_start3A_42 : memref<1x1x4x8192xf32, #tpu.memory_space<vmem_shared>> -> memref<4x8192xf32, #tpu.memory_space<vmem_shared>>
    %dma_start3A_44 = arith.constant 0 : i32
    %dma_start3A_45 = tpu.memref_slice %arg2[%add3A_38, %dma_start3A_44] : memref<4096x8192xf32, #tpu.memory_space<hbm>> -> memref<4x8192xf32, #tpu.memory_space<hbm>>
    tpu.enqueue_dma source(%dma_start3A_45 : memref<4x8192xf32, #tpu.memory_space<hbm>>) target(%dma_start3A_43 : memref<4x8192xf32, #tpu.memory_space<vmem_shared>>) target_semaphore(%arg7 : memref<!tpu.dma_semaphore, #tpu.memory_space<semaphore_mem>>)
    %add3A_46 = arith.constant 4 : i32
    %add3A_47 = arith.addi %mul3A_2, %add3A_46 : i32
    %dma_wait3A_48 = arith.constant 1 : i32
    %dma_wait3A_49 = arith.constant 0 : i32
    %dma_wait3A_50 = arith.constant 0 : i32
    %dma_wait3A_51 = tpu.memref_slice %arg4[%arg1, %dma_wait3A_48, %dma_wait3A_49, %dma_wait3A_50] : memref<16x3x4x8192xf32, #tpu.memory_space<vmem_shared>> -> memref<1x1x4x8192xf32, #tpu.memory_space<vmem_shared>>
    %dma_wait3A_52 = tpu.memref_squeeze %dma_wait3A_51 : memref<1x1x4x8192xf32, #tpu.memory_space<vmem_shared>> -> memref<4x8192xf32, #tpu.memory_space<vmem_shared>>
    %dma_wait3A_53 = arith.constant 0 : i32
    %dma_wait3A_54 = tpu.memref_slice %arg2[%add3A_47, %dma_wait3A_53] : memref<4096x8192xf32, #tpu.memory_space<hbm>> -> memref<4x8192xf32, #tpu.memory_space<hbm>>
    tpu.wait_dma2 semaphore(%arg6 : memref<!tpu.dma_semaphore, #tpu.memory_space<semaphore_mem>>) src(%dma_wait3A_54 : memref<4x8192xf32, #tpu.memory_space<hbm>>) dst(%dma_wait3A_52 : memref<4x8192xf32, #tpu.memory_space<vmem_shared>>)
    %add3A_55 = arith.constant 4 : i32
    %add3A_56 = arith.addi %mul3A_2, %add3A_55 : i32
    %dma_start3A_57 = arith.constant 1 : i32
    %dma_start3A_58 = arith.constant 0 : i32
    %dma_start3A_59 = tpu.memref_slice %arg3[%add3A_56, %dma_start3A_58] : memref<4096x8192xf32, #tpu.memory_space<hbm>> -> memref<4x8192xf32, #tpu.memory_space<hbm>>
    %dma_start3A_60 = arith.constant 0 : i32
    %dma_start3A_61 = arith.constant 0 : i32
    %dma_start3A_62 = tpu.memref_slice %arg4[%arg1, %dma_start3A_57, %dma_start3A_60, %dma_start3A_61] : memref<16x3x4x8192xf32, #tpu.memory_space<vmem_shared>> -> memref<1x1x4x8192xf32, #tpu.memory_space<vmem_shared>>
    %dma_start3A_63 = tpu.memref_squeeze %dma_start3A_62 : memref<1x1x4x8192xf32, #tpu.memory_space<vmem_shared>> -> memref<4x8192xf32, #tpu.memory_space<vmem_shared>>
    tpu.enqueue_dma source(%dma_start3A_63 : memref<4x8192xf32, #tpu.memory_space<vmem_shared>>) target(%dma_start3A_59 : memref<4x8192xf32, #tpu.memory_space<hbm>>) target_semaphore(%arg9 : memref<!tpu.dma_semaphore, #tpu.memory_space<semaphore_mem>>)
    %add3A_64 = arith.constant 0 : i32
    %add3A_65 = arith.addi %mul3A_2, %add3A_64 : i32
    %dma_wait3A_66 = arith.constant 0 : i32
    %dma_wait3A_67 = arith.constant 0 : i32
    %dma_wait3A_68 = tpu.memref_slice %arg3[%add3A_65, %dma_wait3A_67] : memref<4096x8192xf32, #tpu.memory_space<hbm>> -> memref<4x8192xf32, #tpu.memory_space<hbm>>
    %dma_wait3A_69 = arith.constant 0 : i32
    %dma_wait3A_70 = arith.constant 0 : i32
    %dma_wait3A_71 = tpu.memref_slice %arg4[%arg1, %dma_wait3A_66, %dma_wait3A_69, %dma_wait3A_70] : memref<16x3x4x8192xf32, #tpu.memory_space<vmem_shared>> -> memref<1x1x4x8192xf32, #tpu.memory_space<vmem_shared>>
    %dma_wait3A_72 = tpu.memref_squeeze %dma_wait3A_71 : memref<1x1x4x8192xf32, #tpu.memory_space<vmem_shared>> -> memref<4x8192xf32, #tpu.memory_space<vmem_shared>>
    tpu.wait_dma2 semaphore(%arg8 : memref<!tpu.dma_semaphore, #tpu.memory_space<semaphore_mem>>) src(%dma_wait3A_72 : memref<4x8192xf32, #tpu.memory_space<vmem_shared>>) dst(%dma_wait3A_68 : memref<4x8192xf32, #tpu.memory_space<hbm>>)
    %add3A_73 = arith.constant 12 : i32
    %add3A_74 = arith.addi %mul3A_2, %add3A_73 : i32
    %dma_start3A_75 = arith.constant 0 : i32
    %dma_start3A_76 = arith.constant 0 : i32
    %dma_start3A_77 = arith.constant 0 : i32
    %dma_start3A_78 = tpu.memref_slice %arg4[%arg1, %dma_start3A_75, %dma_start3A_76, %dma_start3A_77] : memref<16x3x4x8192xf32, #tpu.memory_space<vmem_shared>> -> memref<1x1x4x8192xf32, #tpu.memory_space<vmem_shared>>
    %dma_start3A_79 = tpu.memref_squeeze %dma_start3A_78 : memref<1x1x4x8192xf32, #tpu.memory_space<vmem_shared>> -> memref<4x8192xf32, #tpu.memory_space<vmem_shared>>
    %dma_start3A_80 = arith.constant 0 : i32
    %dma_start3A_81 = tpu.memref_slice %arg2[%add3A_74, %dma_start3A_80] : memref<4096x8192xf32, #tpu.memory_space<hbm>> -> memref<4x8192xf32, #tpu.memory_space<hbm>>
    tpu.enqueue_dma source(%dma_start3A_81 : memref<4x8192xf32, #tpu.memory_space<hbm>>) target(%dma_start3A_79 : memref<4x8192xf32, #tpu.memory_space<vmem_shared>>) target_semaphore(%arg5 : memref<!tpu.dma_semaphore, #tpu.memory_space<semaphore_mem>>)
    %add3A_82 = arith.constant 8 : i32
    %add3A_83 = arith.addi %mul3A_2, %add3A_82 : i32
    %dma_wait3A_84 = arith.constant 2 : i32
    %dma_wait3A_85 = arith.constant 0 : i32
    %dma_wait3A_86 = arith.constant 0 : i32
    %dma_wait3A_87 = tpu.memref_slice %arg4[%arg1, %dma_wait3A_84, %dma_wait3A_85, %dma_wait3A_86] : memref<16x3x4x8192xf32, #tpu.memory_space<vmem_shared>> -> memref<1x1x4x8192xf32, #tpu.memory_space<vmem_shared>>
    %dma_wait3A_88 = tpu.memref_squeeze %dma_wait3A_87 : memref<1x1x4x8192xf32, #tpu.memory_space<vmem_shared>> -> memref<4x8192xf32, #tpu.memory_space<vmem_shared>>
    %dma_wait3A_89 = arith.constant 0 : i32
    %dma_wait3A_90 = tpu.memref_slice %arg2[%add3A_83, %dma_wait3A_89] : memref<4096x8192xf32, #tpu.memory_space<hbm>> -> memref<4x8192xf32, #tpu.memory_space<hbm>>
    tpu.wait_dma2 semaphore(%arg7 : memref<!tpu.dma_semaphore, #tpu.memory_space<semaphore_mem>>) src(%dma_wait3A_90 : memref<4x8192xf32, #tpu.memory_space<hbm>>) dst(%dma_wait3A_88 : memref<4x8192xf32, #tpu.memory_space<vmem_shared>>)
    %add3A_91 = arith.constant 8 : i32
    %add3A_92 = arith.addi %mul3A_2, %add3A_91 : i32
    %dma_start3A_93 = arith.constant 2 : i32
    %dma_start3A_94 = arith.constant 0 : i32
    %dma_start3A_95 = tpu.memref_slice %arg3[%add3A_92, %dma_start3A_94] : memref<4096x8192xf32, #tpu.memory_space<hbm>> -> memref<4x8192xf32, #tpu.memory_space<hbm>>
    %dma_start3A_96 = arith.constant 0 : i32
    %dma_start3A_97 = arith.constant 0 : i32
    %dma_start3A_98 = tpu.memref_slice %arg4[%arg1, %dma_start3A_93, %dma_start3A_96, %dma_start3A_97] : memref<16x3x4x8192xf32, #tpu.memory_space<vmem_shared>> -> memref<1x1x4x8192xf32, #tpu.memory_space<vmem_shared>>
    %dma_start3A_99 = tpu.memref_squeeze %dma_start3A_98 : memref<1x1x4x8192xf32, #tpu.memory_space<vmem_shared>> -> memref<4x8192xf32, #tpu.memory_space<vmem_shared>>
    tpu.enqueue_dma source(%dma_start3A_99 : memref<4x8192xf32, #tpu.memory_space<vmem_shared>>) target(%dma_start3A_95 : memref<4x8192xf32, #tpu.memory_space<hbm>>) target_semaphore(%arg10 : memref<!tpu.dma_semaphore, #tpu.memory_space<semaphore_mem>>)
    %add3A_100 = arith.constant 4 : i32
    %add3A_101 = arith.addi %mul3A_2, %add3A_100 : i32
    %dma_wait3A_102 = arith.constant 1 : i32
    %dma_wait3A_103 = arith.constant 0 : i32
    %dma_wait3A_104 = tpu.memref_slice %arg3[%add3A_101, %dma_wait3A_103] : memref<4096x8192xf32, #tpu.memory_space<hbm>> -> memref<4x8192xf32, #tpu.memory_space<hbm>>
    %dma_wait3A_105 = arith.constant 0 : i32
    %dma_wait3A_106 = arith.constant 0 : i32
    %dma_wait3A_107 = tpu.memref_slice %arg4[%arg1, %dma_wait3A_102, %dma_wait3A_105, %dma_wait3A_106] : memref<16x3x4x8192xf32, #tpu.memory_space<vmem_shared>> -> memref<1x1x4x8192xf32, #tpu.memory_space<vmem_shared>>
    %dma_wait3A_108 = tpu.memref_squeeze %dma_wait3A_107 : memref<1x1x4x8192xf32, #tpu.memory_space<vmem_shared>> -> memref<4x8192xf32, #tpu.memory_space<vmem_shared>>
    tpu.wait_dma2 semaphore(%arg9 : memref<!tpu.dma_semaphore, #tpu.memory_space<semaphore_mem>>) src(%dma_wait3A_108 : memref<4x8192xf32, #tpu.memory_space<vmem_shared>>) dst(%dma_wait3A_104 : memref<4x8192xf32, #tpu.memory_space<hbm>>)
    %add3A_109 = arith.constant 16 : i32
    %add3A_110 = arith.addi %mul3A_2, %add3A_109 : i32
    %dma_start3A_111 = arith.constant 1 : i32
    %dma_start3A_112 = arith.constant 0 : i32
    %dma_start3A_113 = arith.constant 0 : i32
    %dma_start3A_114 = tpu.memref_slice %arg4[%arg1, %dma_start3A_111, %dma_start3A_112, %dma_start3A_113] : memref<16x3x4x8192xf32, #tpu.memory_space<vmem_shared>> -> memref<1x1x4x8192xf32, #tpu.memory_space<vmem_shared>>
    %dma_start3A_115 = tpu.memref_squeeze %dma_start3A_114 : memref<1x1x4x8192xf32, #tpu.memory_space<vmem_shared>> -> memref<4x8192xf32, #tpu.memory_space<vmem_shared>>
    %dma_start3A_116 = arith.constant 0 : i32
    %dma_start3A_117 = tpu.memref_slice %arg2[%add3A_110, %dma_start3A_116] : memref<4096x8192xf32, #tpu.memory_space<hbm>> -> memref<4x8192xf32, #tpu.memory_space<hbm>>
    tpu.enqueue_dma source(%dma_start3A_117 : memref<4x8192xf32, #tpu.memory_space<hbm>>) target(%dma_start3A_115 : memref<4x8192xf32, #tpu.memory_space<vmem_shared>>) target_semaphore(%arg6 : memref<!tpu.dma_semaphore, #tpu.memory_space<semaphore_mem>>)
    %add3A_118 = arith.constant 12 : i32
    %add3A_119 = arith.addi %mul3A_2, %add3A_118 : i32
    %dma_wait3A_120 = arith.constant 0 : i32
    %dma_wait3A_121 = arith.constant 0 : i32
    %dma_wait3A_122 = arith.constant 0 : i32
    %dma_wait3A_123 = tpu.memref_slice %arg4[%arg1, %dma_wait3A_120, %dma_wait3A_121, %dma_wait3A_122] : memref<16x3x4x8192xf32, #tpu.memory_space<vmem_shared>> -> memref<1x1x4x8192xf32, #tpu.memory_space<vmem_shared>>
    %dma_wait3A_124 = tpu.memref_squeeze %dma_wait3A_123 : memref<1x1x4x8192xf32, #tpu.memory_space<vmem_shared>> -> memref<4x8192xf32, #tpu.memory_space<vmem_shared>>
    %dma_wait3A_125 = arith.constant 0 : i32
    %dma_wait3A_126 = tpu.memref_slice %arg2[%add3A_119, %dma_wait3A_125] : memref<4096x8192xf32, #tpu.memory_space<hbm>> -> memref<4x8192xf32, #tpu.memory_space<hbm>>
    tpu.wait_dma2 semaphore(%arg5 : memref<!tpu.dma_semaphore, #tpu.memory_space<semaphore_mem>>) src(%dma_wait3A_126 : memref<4x8192xf32, #tpu.memory_space<hbm>>) dst(%dma_wait3A_124 : memref<4x8192xf32, #tpu.memory_space<vmem_shared>>)
    %add3A_127 = arith.constant 12 : i32
    %add3A_128 = arith.addi %mul3A_2, %add3A_127 : i32
    %dma_start3A_129 = arith.constant 0 : i32
    %dma_start3A_130 = arith.constant 0 : i32
    %dma_start3A_131 = tpu.memref_slice %arg3[%add3A_128, %dma_start3A_130] : memref<4096x8192xf32, #tpu.memory_space<hbm>> -> memref<4x8192xf32, #tpu.memory_space<hbm>>
    %dma_start3A_132 = arith.constant 0 : i32
    %dma_start3A_133 = arith.constant 0 : i32
    %dma_start3A_134 = tpu.memref_slice %arg4[%arg1, %dma_start3A_129, %dma_start3A_132, %dma_start3A_133] : memref<16x3x4x8192xf32, #tpu.memory_space<vmem_shared>> -> memref<1x1x4x8192xf32, #tpu.memory_space<vmem_shared>>
    %dma_start3A_135 = tpu.memref_squeeze %dma_start3A_134 : memref<1x1x4x8192xf32, #tpu.memory_space<vmem_shared>> -> memref<4x8192xf32, #tpu.memory_space<vmem_shared>>
    tpu.enqueue_dma source(%dma_start3A_135 : memref<4x8192xf32, #tpu.memory_space<vmem_shared>>) target(%dma_start3A_131 : memref<4x8192xf32, #tpu.memory_space<hbm>>) target_semaphore(%arg8 : memref<!tpu.dma_semaphore, #tpu.memory_space<semaphore_mem>>)
    %add3A_136 = arith.constant 8 : i32
    %add3A_137 = arith.addi %mul3A_2, %add3A_136 : i32
    %dma_wait3A_138 = arith.constant 2 : i32
    %dma_wait3A_139 = arith.constant 0 : i32
    %dma_wait3A_140 = tpu.memref_slice %arg3[%add3A_137, %dma_wait3A_139] : memref<4096x8192xf32, #tpu.memory_space<hbm>> -> memref<4x8192xf32, #tpu.memory_space<hbm>>
    %dma_wait3A_141 = arith.constant 0 : i32
    %dma_wait3A_142 = arith.constant 0 : i32
    %dma_wait3A_143 = tpu.memref_slice %arg4[%arg1, %dma_wait3A_138, %dma_wait3A_141, %dma_wait3A_142] : memref<16x3x4x8192xf32, #tpu.memory_space<vmem_shared>> -> memref<1x1x4x8192xf32, #tpu.memory_space<vmem_shared>>
    %dma_wait3A_144 = tpu.memref_squeeze %dma_wait3A_143 : memref<1x1x4x8192xf32, #tpu.memory_space<vmem_shared>> -> memref<4x8192xf32, #tpu.memory_space<vmem_shared>>
    tpu.wait_dma2 semaphore(%arg10 : memref<!tpu.dma_semaphore, #tpu.memory_space<semaphore_mem>>) src(%dma_wait3A_144 : memref<4x8192xf32, #tpu.memory_space<vmem_shared>>) dst(%dma_wait3A_140 : memref<4x8192xf32, #tpu.memory_space<hbm>>)
    %add3A_145 = arith.constant 20 : i32
    %add3A_146 = arith.addi %mul3A_2, %add3A_145 : i32
    %dma_start3A_147 = arith.constant 2 : i32
    %dma_start3A_148 = arith.constant 0 : i32
    %dma_start3A_149 = arith.constant 0 : i32
    %dma_start3A_150 = tpu.memref_slice %arg4[%arg1, %dma_start3A_147, %dma_start3A_148, %dma_start3A_149] : memref<16x3x4x8192xf32, #tpu.memory_space<vmem_shared>> -> memref<1x1x4x8192xf32, #tpu.memory_space<vmem_shared>>
    %dma_start3A_151 = tpu.memref_squeeze %dma_start3A_150 : memref<1x1x4x8192xf32, #tpu.memory_space<vmem_shared>> -> memref<4x8192xf32, #tpu.memory_space<vmem_shared>>
    %dma_start3A_152 = arith.constant 0 : i32
    %dma_start3A_153 = tpu.memref_slice %arg2[%add3A_146, %dma_start3A_152] : memref<4096x8192xf32, #tpu.memory_space<hbm>> -> memref<4x8192xf32, #tpu.memory_space<hbm>>
    tpu.enqueue_dma source(%dma_start3A_153 : memref<4x8192xf32, #tpu.memory_space<hbm>>) target(%dma_start3A_151 : memref<4x8192xf32, #tpu.memory_space<vmem_shared>>) target_semaphore(%arg7 : memref<!tpu.dma_semaphore, #tpu.memory_space<semaphore_mem>>)
    %add3A_154 = arith.constant 16 : i32
    %add3A_155 = arith.addi %mul3A_2, %add3A_154 : i32
    %dma_wait3A_156 = arith.constant 1 : i32
    %dma_wait3A_157 = arith.constant 0 : i32
    %dma_wait3A_158 = arith.constant 0 : i32
    %dma_wait3A_159 = tpu.memref_slice %arg4[%arg1, %dma_wait3A_156, %dma_wait3A_157, %dma_wait3A_158] : memref<16x3x4x8192xf32, #tpu.memory_space<vmem_shared>> -> memref<1x1x4x8192xf32, #tpu.memory_space<vmem_shared>>
    %dma_wait3A_160 = tpu.memref_squeeze %dma_wait3A_159 : memref<1x1x4x8192xf32, #tpu.memory_space<vmem_shared>> -> memref<4x8192xf32, #tpu.memory_space<vmem_shared>>
    %dma_wait3A_161 = arith.constant 0 : i32
    %dma_wait3A_162 = tpu.memref_slice %arg2[%add3A_155, %dma_wait3A_161] : memref<4096x8192xf32, #tpu.memory_space<hbm>> -> memref<4x8192xf32, #tpu.memory_space<hbm>>
    tpu.wait_dma2 semaphore(%arg6 : memref<!tpu.dma_semaphore, #tpu.memory_space<semaphore_mem>>) src(%dma_wait3A_162 : memref<4x8192xf32, #tpu.memory_space<hbm>>) dst(%dma_wait3A_160 : memref<4x8192xf32, #tpu.memory_space<vmem_shared>>)
    %add3A_163 = arith.constant 16 : i32
    %add3A_164 = arith.addi %mul3A_2, %add3A_163 : i32
    %dma_start3A_165 = arith.constant 1 : i32
    %dma_start3A_166 = arith.constant 0 : i32
    %dma_start3A_167 = tpu.memref_slice %arg3[%add3A_164, %dma_start3A_166] : memref<4096x8192xf32, #tpu.memory_space<hbm>> -> memref<4x8192xf32, #tpu.memory_space<hbm>>
    %dma_start3A_168 = arith.constant 0 : i32
    %dma_start3A_169 = arith.constant 0 : i32
    %dma_start3A_170 = tpu.memref_slice %arg4[%arg1, %dma_start3A_165, %dma_start3A_168, %dma_start3A_169] : memref<16x3x4x8192xf32, #tpu.memory_space<vmem_shared>> -> memref<1x1x4x8192xf32, #tpu.memory_space<vmem_shared>>
    %dma_start3A_171 = tpu.memref_squeeze %dma_start3A_170 : memref<1x1x4x8192xf32, #tpu.memory_space<vmem_shared>> -> memref<4x8192xf32, #tpu.memory_space<vmem_shared>>
    tpu.enqueue_dma source(%dma_start3A_171 : memref<4x8192xf32, #tpu.memory_space<vmem_shared>>) target(%dma_start3A_167 : memref<4x8192xf32, #tpu.memory_space<hbm>>) target_semaphore(%arg9 : memref<!tpu.dma_semaphore, #tpu.memory_space<semaphore_mem>>)
    %add3A_172 = arith.constant 12 : i32
    %add3A_173 = arith.addi %mul3A_2, %add3A_172 : i32
    %dma_wait3A_174 = arith.constant 0 : i32
    %dma_wait3A_175 = arith.constant 0 : i32
    %dma_wait3A_176 = tpu.memref_slice %arg3[%add3A_173, %dma_wait3A_175] : memref<4096x8192xf32, #tpu.memory_space<hbm>> -> memref<4x8192xf32, #tpu.memory_space<hbm>>
    %dma_wait3A_177 = arith.constant 0 : i32
    %dma_wait3A_178 = arith.constant 0 : i32
    %dma_wait3A_179 = tpu.memref_slice %arg4[%arg1, %dma_wait3A_174, %dma_wait3A_177, %dma_wait3A_178] : memref<16x3x4x8192xf32, #tpu.memory_space<vmem_shared>> -> memref<1x1x4x8192xf32, #tpu.memory_space<vmem_shared>>
    %dma_wait3A_180 = tpu.memref_squeeze %dma_wait3A_179 : memref<1x1x4x8192xf32, #tpu.memory_space<vmem_shared>> -> memref<4x8192xf32, #tpu.memory_space<vmem_shared>>
    tpu.wait_dma2 semaphore(%arg8 : memref<!tpu.dma_semaphore, #tpu.memory_space<semaphore_mem>>) src(%dma_wait3A_180 : memref<4x8192xf32, #tpu.memory_space<vmem_shared>>) dst(%dma_wait3A_176 : memref<4x8192xf32, #tpu.memory_space<hbm>>)
    %add3A_181 = arith.constant 24 : i32
    %add3A_182 = arith.addi %mul3A_2, %add3A_181 : i32
    %dma_start3A_183 = arith.constant 0 : i32
    %dma_start3A_184 = arith.constant 0 : i32
    %dma_start3A_185 = arith.constant 0 : i32
    %dma_start3A_186 = tpu.memref_slice %arg4[%arg1, %dma_start3A_183, %dma_start3A_184, %dma_start3A_185] : memref<16x3x4x8192xf32, #tpu.memory_space<vmem_shared>> -> memref<1x1x4x8192xf32, #tpu.memory_space<vmem_shared>>
    %dma_start3A_187 = tpu.memref_squeeze %dma_start3A_186 : memref<1x1x4x8192xf32, #tpu.memory_space<vmem_shared>> -> memref<4x8192xf32, #tpu.memory_space<vmem_shared>>
    %dma_start3A_188 = arith.constant 0 : i32
    %dma_start3A_189 = tpu.memref_slice %arg2[%add3A_182, %dma_start3A_188] : memref<4096x8192xf32, #tpu.memory_space<hbm>> -> memref<4x8192xf32, #tpu.memory_space<hbm>>
    tpu.enqueue_dma source(%dma_start3A_189 : memref<4x8192xf32, #tpu.memory_space<hbm>>) target(%dma_start3A_187 : memref<4x8192xf32, #tpu.memory_space<vmem_shared>>) target_semaphore(%arg5 : memref<!tpu.dma_semaphore, #tpu.memory_space<semaphore_mem>>)
    %add3A_190 = arith.constant 20 : i32
    %add3A_191 = arith.addi %mul3A_2, %add3A_190 : i32
    %dma_wait3A_192 = arith.constant 2 : i32
    %dma_wait3A_193 = arith.constant 0 : i32
    %dma_wait3A_194 = arith.constant 0 : i32
    %dma_wait3A_195 = tpu.memref_slice %arg4[%arg1, %dma_wait3A_192, %dma_wait3A_193, %dma_wait3A_194] : memref<16x3x4x8192xf32, #tpu.memory_space<vmem_shared>> -> memref<1x1x4x8192xf32, #tpu.memory_space<vmem_shared>>
    %dma_wait3A_196 = tpu.memref_squeeze %dma_wait3A_195 : memref<1x1x4x8192xf32, #tpu.memory_space<vmem_shared>> -> memref<4x8192xf32, #tpu.memory_space<vmem_shared>>
    %dma_wait3A_197 = arith.constant 0 : i32
    %dma_wait3A_198 = tpu.memref_slice %arg2[%add3A_191, %dma_wait3A_197] : memref<4096x8192xf32, #tpu.memory_space<hbm>> -> memref<4x8192xf32, #tpu.memory_space<hbm>>
    tpu.wait_dma2 semaphore(%arg7 : memref<!tpu.dma_semaphore, #tpu.memory_space<semaphore_mem>>) src(%dma_wait3A_198 : memref<4x8192xf32, #tpu.memory_space<hbm>>) dst(%dma_wait3A_196 : memref<4x8192xf32, #tpu.memory_space<vmem_shared>>)
    %add3A_199 = arith.constant 20 : i32
    %add3A_200 = arith.addi %mul3A_2, %add3A_199 : i32
    %dma_start3A_201 = arith.constant 2 : i32
    %dma_start3A_202 = arith.constant 0 : i32
    %dma_start3A_203 = tpu.memref_slice %arg3[%add3A_200, %dma_start3A_202] : memref<4096x8192xf32, #tpu.memory_space<hbm>> -> memref<4x8192xf32, #tpu.memory_space<hbm>>
    %dma_start3A_204 = arith.constant 0 : i32
    %dma_start3A_205 = arith.constant 0 : i32
    %dma_start3A_206 = tpu.memref_slice %arg4[%arg1, %dma_start3A_201, %dma_start3A_204, %dma_start3A_205] : memref<16x3x4x8192xf32, #tpu.memory_space<vmem_shared>> -> memref<1x1x4x8192xf32, #tpu.memory_space<vmem_shared>>
    %dma_start3A_207 = tpu.memref_squeeze %dma_start3A_206 : memref<1x1x4x8192xf32, #tpu.memory_space<vmem_shared>> -> memref<4x8192xf32, #tpu.memory_space<vmem_shared>>
    tpu.enqueue_dma source(%dma_start3A_207 : memref<4x8192xf32, #tpu.memory_space<vmem_shared>>) target(%dma_start3A_203 : memref<4x8192xf32, #tpu.memory_space<hbm>>) target_semaphore(%arg10 : memref<!tpu.dma_semaphore, #tpu.memory_space<semaphore_mem>>)
    %add3A_208 = arith.constant 16 : i32
    %add3A_209 = arith.addi %mul3A_2, %add3A_208 : i32
    %dma_wait3A_210 = arith.constant 1 : i32
    %dma_wait3A_211 = arith.constant 0 : i32
    %dma_wait3A_212 = tpu.memref_slice %arg3[%add3A_209, %dma_wait3A_211] : memref<4096x8192xf32, #tpu.memory_space<hbm>> -> memref<4x8192xf32, #tpu.memory_space<hbm>>
    %dma_wait3A_213 = arith.constant 0 : i32
    %dma_wait3A_214 = arith.constant 0 : i32
    %dma_wait3A_215 = tpu.memref_slice %arg4[%arg1, %dma_wait3A_210, %dma_wait3A_213, %dma_wait3A_214] : memref<16x3x4x8192xf32, #tpu.memory_space<vmem_shared>> -> memref<1x1x4x8192xf32, #tpu.memory_space<vmem_shared>>
    %dma_wait3A_216 = tpu.memref_squeeze %dma_wait3A_215 : memref<1x1x4x8192xf32, #tpu.memory_space<vmem_shared>> -> memref<4x8192xf32, #tpu.memory_space<vmem_shared>>
    tpu.wait_dma2 semaphore(%arg9 : memref<!tpu.dma_semaphore, #tpu.memory_space<semaphore_mem>>) src(%dma_wait3A_216 : memref<4x8192xf32, #tpu.memory_space<vmem_shared>>) dst(%dma_wait3A_212 : memref<4x8192xf32, #tpu.memory_space<hbm>>)
    %add3A_217 = arith.constant 28 : i32
    %add3A_218 = arith.addi %mul3A_2, %add3A_217 : i32
    %dma_start3A_219 = arith.constant 1 : i32
    %dma_start3A_220 = arith.constant 0 : i32
    %dma_start3A_221 = arith.constant 0 : i32
    %dma_start3A_222 = tpu.memref_slice %arg4[%arg1, %dma_start3A_219, %dma_start3A_220, %dma_start3A_221] : memref<16x3x4x8192xf32, #tpu.memory_space<vmem_shared>> -> memref<1x1x4x8192xf32, #tpu.memory_space<vmem_shared>>
    %dma_start3A_223 = tpu.memref_squeeze %dma_start3A_222 : memref<1x1x4x8192xf32, #tpu.memory_space<vmem_shared>> -> memref<4x8192xf32, #tpu.memory_space<vmem_shared>>
    %dma_start3A_224 = arith.constant 0 : i32
    %dma_start3A_225 = tpu.memref_slice %arg2[%add3A_218, %dma_start3A_224] : memref<4096x8192xf32, #tpu.memory_space<hbm>> -> memref<4x8192xf32, #tpu.memory_space<hbm>>
    tpu.enqueue_dma source(%dma_start3A_225 : memref<4x8192xf32, #tpu.memory_space<hbm>>) target(%dma_start3A_223 : memref<4x8192xf32, #tpu.memory_space<vmem_shared>>) target_semaphore(%arg6 : memref<!tpu.dma_semaphore, #tpu.memory_space<semaphore_mem>>)
    %add3A_226 = arith.constant 24 : i32
    %add3A_227 = arith.addi %mul3A_2, %add3A_226 : i32
    %dma_wait3A_228 = arith.constant 0 : i32
    %dma_wait3A_229 = arith.constant 0 : i32
    %dma_wait3A_230 = arith.constant 0 : i32
    %dma_wait3A_231 = tpu.memref_slice %arg4[%arg1, %dma_wait3A_228, %dma_wait3A_229, %dma_wait3A_230] : memref<16x3x4x8192xf32, #tpu.memory_space<vmem_shared>> -> memref<1x1x4x8192xf32, #tpu.memory_space<vmem_shared>>
    %dma_wait3A_232 = tpu.memref_squeeze %dma_wait3A_231 : memref<1x1x4x8192xf32, #tpu.memory_space<vmem_shared>> -> memref<4x8192xf32, #tpu.memory_space<vmem_shared>>
    %dma_wait3A_233 = arith.constant 0 : i32
    %dma_wait3A_234 = tpu.memref_slice %arg2[%add3A_227, %dma_wait3A_233] : memref<4096x8192xf32, #tpu.memory_space<hbm>> -> memref<4x8192xf32, #tpu.memory_space<hbm>>
    tpu.wait_dma2 semaphore(%arg5 : memref<!tpu.dma_semaphore, #tpu.memory_space<semaphore_mem>>) src(%dma_wait3A_234 : memref<4x8192xf32, #tpu.memory_space<hbm>>) dst(%dma_wait3A_232 : memref<4x8192xf32, #tpu.memory_space<vmem_shared>>)
    %add3A_235 = arith.constant 24 : i32
    %add3A_236 = arith.addi %mul3A_2, %add3A_235 : i32
    %dma_start3A_237 = arith.constant 0 : i32
    %dma_start3A_238 = arith.constant 0 : i32
    %dma_start3A_239 = tpu.memref_slice %arg3[%add3A_236, %dma_start3A_238] : memref<4096x8192xf32, #tpu.memory_space<hbm>> -> memref<4x8192xf32, #tpu.memory_space<hbm>>
    %dma_start3A_240 = arith.constant 0 : i32
    %dma_start3A_241 = arith.constant 0 : i32
    %dma_start3A_242 = tpu.memref_slice %arg4[%arg1, %dma_start3A_237, %dma_start3A_240, %dma_start3A_241] : memref<16x3x4x8192xf32, #tpu.memory_space<vmem_shared>> -> memref<1x1x4x8192xf32, #tpu.memory_space<vmem_shared>>
    %dma_start3A_243 = tpu.memref_squeeze %dma_start3A_242 : memref<1x1x4x8192xf32, #tpu.memory_space<vmem_shared>> -> memref<4x8192xf32, #tpu.memory_space<vmem_shared>>
    tpu.enqueue_dma source(%dma_start3A_243 : memref<4x8192xf32, #tpu.memory_space<vmem_shared>>) target(%dma_start3A_239 : memref<4x8192xf32, #tpu.memory_space<hbm>>) target_semaphore(%arg8 : memref<!tpu.dma_semaphore, #tpu.memory_space<semaphore_mem>>)
    %add3A_244 = arith.constant 20 : i32
    %add3A_245 = arith.addi %mul3A_2, %add3A_244 : i32
    %dma_wait3A_246 = arith.constant 2 : i32
    %dma_wait3A_247 = arith.constant 0 : i32
    %dma_wait3A_248 = tpu.memref_slice %arg3[%add3A_245, %dma_wait3A_247] : memref<4096x8192xf32, #tpu.memory_space<hbm>> -> memref<4x8192xf32, #tpu.memory_space<hbm>>
    %dma_wait3A_249 = arith.constant 0 : i32
    %dma_wait3A_250 = arith.constant 0 : i32
    %dma_wait3A_251 = tpu.memref_slice %arg4[%arg1, %dma_wait3A_246, %dma_wait3A_249, %dma_wait3A_250] : memref<16x3x4x8192xf32, #tpu.memory_space<vmem_shared>> -> memref<1x1x4x8192xf32, #tpu.memory_space<vmem_shared>>
    %dma_wait3A_252 = tpu.memref_squeeze %dma_wait3A_251 : memref<1x1x4x8192xf32, #tpu.memory_space<vmem_shared>> -> memref<4x8192xf32, #tpu.memory_space<vmem_shared>>
    tpu.wait_dma2 semaphore(%arg10 : memref<!tpu.dma_semaphore, #tpu.memory_space<semaphore_mem>>) src(%dma_wait3A_252 : memref<4x8192xf32, #tpu.memory_space<vmem_shared>>) dst(%dma_wait3A_248 : memref<4x8192xf32, #tpu.memory_space<hbm>>)
    %add3A_253 = arith.constant 32 : i32
    %add3A_254 = arith.addi %mul3A_2, %add3A_253 : i32
    %dma_start3A_255 = arith.constant 2 : i32
    %dma_start3A_256 = arith.constant 0 : i32
    %dma_start3A_257 = arith.constant 0 : i32
    %dma_start3A_258 = tpu.memref_slice %arg4[%arg1, %dma_start3A_255, %dma_start3A_256, %dma_start3A_257] : memref<16x3x4x8192xf32, #tpu.memory_space<vmem_shared>> -> memref<1x1x4x8192xf32, #tpu.memory_space<vmem_shared>>
    %dma_start3A_259 = tpu.memref_squeeze %dma_start3A_258 : memref<1x1x4x8192xf32, #tpu.memory_space<vmem_shared>> -> memref<4x8192xf32, #tpu.memory_space<vmem_shared>>
    %dma_start3A_260 = arith.constant 0 : i32
    %dma_start3A_261 = tpu.memref_slice %arg2[%add3A_254, %dma_start3A_260] : memref<4096x8192xf32, #tpu.memory_space<hbm>> -> memref<4x8192xf32, #tpu.memory_space<hbm>>
    tpu.enqueue_dma source(%dma_start3A_261 : memref<4x8192xf32, #tpu.memory_space<hbm>>) target(%dma_start3A_259 : memref<4x8192xf32, #tpu.memory_space<vmem_shared>>) target_semaphore(%arg7 : memref<!tpu.dma_semaphore, #tpu.memory_space<semaphore_mem>>)
    %add3A_262 = arith.constant 28 : i32
    %add3A_263 = arith.addi %mul3A_2, %add3A_262 : i32
    %dma_wait3A_264 = arith.constant 1 : i32
    %dma_wait3A_265 = arith.constant 0 : i32
    %dma_wait3A_266 = arith.constant 0 : i32
    %dma_wait3A_267 = tpu.memref_slice %arg4[%arg1, %dma_wait3A_264, %dma_wait3A_265, %dma_wait3A_266] : memref<16x3x4x8192xf32, #tpu.memory_space<vmem_shared>> -> memref<1x1x4x8192xf32, #tpu.memory_space<vmem_shared>>
    %dma_wait3A_268 = tpu.memref_squeeze %dma_wait3A_267 : memref<1x1x4x8192xf32, #tpu.memory_space<vmem_shared>> -> memref<4x8192xf32, #tpu.memory_space<vmem_shared>>
    %dma_wait3A_269 = arith.constant 0 : i32
    %dma_wait3A_270 = tpu.memref_slice %arg2[%add3A_263, %dma_wait3A_269] : memref<4096x8192xf32, #tpu.memory_space<hbm>> -> memref<4x8192xf32, #tpu.memory_space<hbm>>
    tpu.wait_dma2 semaphore(%arg6 : memref<!tpu.dma_semaphore, #tpu.memory_space<semaphore_mem>>) src(%dma_wait3A_270 : memref<4x8192xf32, #tpu.memory_space<hbm>>) dst(%dma_wait3A_268 : memref<4x8192xf32, #tpu.memory_space<vmem_shared>>)
    %add3A_271 = arith.constant 28 : i32
    %add3A_272 = arith.addi %mul3A_2, %add3A_271 : i32
    %dma_start3A_273 = arith.constant 1 : i32
    %dma_start3A_274 = arith.constant 0 : i32
    %dma_start3A_275 = tpu.memref_slice %arg3[%add3A_272, %dma_start3A_274] : memref<4096x8192xf32, #tpu.memory_space<hbm>> -> memref<4x8192xf32, #tpu.memory_space<hbm>>
    %dma_start3A_276 = arith.constant 0 : i32
    %dma_start3A_277 = arith.constant 0 : i32
    %dma_start3A_278 = tpu.memref_slice %arg4[%arg1, %dma_start3A_273, %dma_start3A_276, %dma_start3A_277] : memref<16x3x4x8192xf32, #tpu.memory_space<vmem_shared>> -> memref<1x1x4x8192xf32, #tpu.memory_space<vmem_shared>>
    %dma_start3A_279 = tpu.memref_squeeze %dma_start3A_278 : memref<1x1x4x8192xf32, #tpu.memory_space<vmem_shared>> -> memref<4x8192xf32, #tpu.memory_space<vmem_shared>>
    tpu.enqueue_dma source(%dma_start3A_279 : memref<4x8192xf32, #tpu.memory_space<vmem_shared>>) target(%dma_start3A_275 : memref<4x8192xf32, #tpu.memory_space<hbm>>) target_semaphore(%arg9 : memref<!tpu.dma_semaphore, #tpu.memory_space<semaphore_mem>>)
    %add3A_280 = arith.constant 24 : i32
    %add3A_281 = arith.addi %mul3A_2, %add3A_280 : i32
    %dma_wait3A_282 = arith.constant 0 : i32
    %dma_wait3A_283 = arith.constant 0 : i32
    %dma_wait3A_284 = tpu.memref_slice %arg3[%add3A_281, %dma_wait3A_283] : memref<4096x8192xf32, #tpu.memory_space<hbm>> -> memref<4x8192xf32, #tpu.memory_space<hbm>>
    %dma_wait3A_285 = arith.constant 0 : i32
    %dma_wait3A_286 = arith.constant 0 : i32
    %dma_wait3A_287 = tpu.memref_slice %arg4[%arg1, %dma_wait3A_282, %dma_wait3A_285, %dma_wait3A_286] : memref<16x3x4x8192xf32, #tpu.memory_space<vmem_shared>> -> memref<1x1x4x8192xf32, #tpu.memory_space<vmem_shared>>
    %dma_wait3A_288 = tpu.memref_squeeze %dma_wait3A_287 : memref<1x1x4x8192xf32, #tpu.memory_space<vmem_shared>> -> memref<4x8192xf32, #tpu.memory_space<vmem_shared>>
    tpu.wait_dma2 semaphore(%arg8 : memref<!tpu.dma_semaphore, #tpu.memory_space<semaphore_mem>>) src(%dma_wait3A_288 : memref<4x8192xf32, #tpu.memory_space<vmem_shared>>) dst(%dma_wait3A_284 : memref<4x8192xf32, #tpu.memory_space<hbm>>)
    %add3A_289 = arith.constant 36 : i32
    %add3A_290 = arith.addi %mul3A_2, %add3A_289 : i32
    %dma_start3A_291 = arith.constant 0 : i32
    %dma_start3A_292 = arith.constant 0 : i32
    %dma_start3A_293 = arith.constant 0 : i32
    %dma_start3A_294 = tpu.memref_slice %arg4[%arg1, %dma_start3A_291, %dma_start3A_292, %dma_start3A_293] : memref<16x3x4x8192xf32, #tpu.memory_space<vmem_shared>> -> memref<1x1x4x8192xf32, #tpu.memory_space<vmem_shared>>
    %dma_start3A_295 = tpu.memref_squeeze %dma_start3A_294 : memref<1x1x4x8192xf32, #tpu.memory_space<vmem_shared>> -> memref<4x8192xf32, #tpu.memory_space<vmem_shared>>
    %dma_start3A_296 = arith.constant 0 : i32
    %dma_start3A_297 = tpu.memref_slice %arg2[%add3A_290, %dma_start3A_296] : memref<4096x8192xf32, #tpu.memory_space<hbm>> -> memref<4x8192xf32, #tpu.memory_space<hbm>>
    tpu.enqueue_dma source(%dma_start3A_297 : memref<4x8192xf32, #tpu.memory_space<hbm>>) target(%dma_start3A_295 : memref<4x8192xf32, #tpu.memory_space<vmem_shared>>) target_semaphore(%arg5 : memref<!tpu.dma_semaphore, #tpu.memory_space<semaphore_mem>>)
    %add3A_298 = arith.constant 32 : i32
    %add3A_299 = arith.addi %mul3A_2, %add3A_298 : i32
    %dma_wait3A_300 = arith.constant 2 : i32
    %dma_wait3A_301 = arith.constant 0 : i32
    %dma_wait3A_302 = arith.constant 0 : i32
    %dma_wait3A_303 = tpu.memref_slice %arg4[%arg1, %dma_wait3A_300, %dma_wait3A_301, %dma_wait3A_302] : memref<16x3x4x8192xf32, #tpu.memory_space<vmem_shared>> -> memref<1x1x4x8192xf32, #tpu.memory_space<vmem_shared>>
    %dma_wait3A_304 = tpu.memref_squeeze %dma_wait3A_303 : memref<1x1x4x8192xf32, #tpu.memory_space<vmem_shared>> -> memref<4x8192xf32, #tpu.memory_space<vmem_shared>>
    %dma_wait3A_305 = arith.constant 0 : i32
    %dma_wait3A_306 = tpu.memref_slice %arg2[%add3A_299, %dma_wait3A_305] : memref<4096x8192xf32, #tpu.memory_space<hbm>> -> memref<4x8192xf32, #tpu.memory_space<hbm>>
    tpu.wait_dma2 semaphore(%arg7 : memref<!tpu.dma_semaphore, #tpu.memory_space<semaphore_mem>>) src(%dma_wait3A_306 : memref<4x8192xf32, #tpu.memory_space<hbm>>) dst(%dma_wait3A_304 : memref<4x8192xf32, #tpu.memory_space<vmem_shared>>)
    %add3A_307 = arith.constant 32 : i32
    %add3A_308 = arith.addi %mul3A_2, %add3A_307 : i32
    %dma_start3A_309 = arith.constant 2 : i32
    %dma_start3A_310 = arith.constant 0 : i32
    %dma_start3A_311 = tpu.memref_slice %arg3[%add3A_308, %dma_start3A_310] : memref<4096x8192xf32, #tpu.memory_space<hbm>> -> memref<4x8192xf32, #tpu.memory_space<hbm>>
    %dma_start3A_312 = arith.constant 0 : i32
    %dma_start3A_313 = arith.constant 0 : i32
    %dma_start3A_314 = tpu.memref_slice %arg4[%arg1, %dma_start3A_309, %dma_start3A_312, %dma_start3A_313] : memref<16x3x4x8192xf32, #tpu.memory_space<vmem_shared>> -> memref<1x1x4x8192xf32, #tpu.memory_space<vmem_shared>>
    %dma_start3A_315 = tpu.memref_squeeze %dma_start3A_314 : memref<1x1x4x8192xf32, #tpu.memory_space<vmem_shared>> -> memref<4x8192xf32, #tpu.memory_space<vmem_shared>>
    tpu.enqueue_dma source(%dma_start3A_315 : memref<4x8192xf32, #tpu.memory_space<vmem_shared>>) target(%dma_start3A_311 : memref<4x8192xf32, #tpu.memory_space<hbm>>) target_semaphore(%arg10 : memref<!tpu.dma_semaphore, #tpu.memory_space<semaphore_mem>>)
    %add3A_316 = arith.constant 28 : i32
    %add3A_317 = arith.addi %mul3A_2, %add3A_316 : i32
    %dma_wait3A_318 = arith.constant 1 : i32
    %dma_wait3A_319 = arith.constant 0 : i32
    %dma_wait3A_320 = tpu.memref_slice %arg3[%add3A_317, %dma_wait3A_319] : memref<4096x8192xf32, #tpu.memory_space<hbm>> -> memref<4x8192xf32, #tpu.memory_space<hbm>>
    %dma_wait3A_321 = arith.constant 0 : i32
    %dma_wait3A_322 = arith.constant 0 : i32
    %dma_wait3A_323 = tpu.memref_slice %arg4[%arg1, %dma_wait3A_318, %dma_wait3A_321, %dma_wait3A_322] : memref<16x3x4x8192xf32, #tpu.memory_space<vmem_shared>> -> memref<1x1x4x8192xf32, #tpu.memory_space<vmem_shared>>
    %dma_wait3A_324 = tpu.memref_squeeze %dma_wait3A_323 : memref<1x1x4x8192xf32, #tpu.memory_space<vmem_shared>> -> memref<4x8192xf32, #tpu.memory_space<vmem_shared>>
    tpu.wait_dma2 semaphore(%arg9 : memref<!tpu.dma_semaphore, #tpu.memory_space<semaphore_mem>>) src(%dma_wait3A_324 : memref<4x8192xf32, #tpu.memory_space<vmem_shared>>) dst(%dma_wait3A_320 : memref<4x8192xf32, #tpu.memory_space<hbm>>)
    %add3A_325 = arith.constant 40 : i32
    %add3A_326 = arith.addi %mul3A_2, %add3A_325 : i32
    %dma_start3A_327 = arith.constant 1 : i32
    %dma_start3A_328 = arith.constant 0 : i32
    %dma_start3A_329 = arith.constant 0 : i32
    %dma_start3A_330 = tpu.memref_slice %arg4[%arg1, %dma_start3A_327, %dma_start3A_328, %dma_start3A_329] : memref<16x3x4x8192xf32, #tpu.memory_space<vmem_shared>> -> memref<1x1x4x8192xf32, #tpu.memory_space<vmem_shared>>
    %dma_start3A_331 = tpu.memref_squeeze %dma_start3A_330 : memref<1x1x4x8192xf32, #tpu.memory_space<vmem_shared>> -> memref<4x8192xf32, #tpu.memory_space<vmem_shared>>
    %dma_start3A_332 = arith.constant 0 : i32
    %dma_start3A_333 = tpu.memref_slice %arg2[%add3A_326, %dma_start3A_332] : memref<4096x8192xf32, #tpu.memory_space<hbm>> -> memref<4x8192xf32, #tpu.memory_space<hbm>>
    tpu.enqueue_dma source(%dma_start3A_333 : memref<4x8192xf32, #tpu.memory_space<hbm>>) target(%dma_start3A_331 : memref<4x8192xf32, #tpu.memory_space<vmem_shared>>) target_semaphore(%arg6 : memref<!tpu.dma_semaphore, #tpu.memory_space<semaphore_mem>>)
    %add3A_334 = arith.constant 36 : i32
    %add3A_335 = arith.addi %mul3A_2, %add3A_334 : i32
    %dma_wait3A_336 = arith.constant 0 : i32
    %dma_wait3A_337 = arith.constant 0 : i32
    %dma_wait3A_338 = arith.constant 0 : i32
    %dma_wait3A_339 = tpu.memref_slice %arg4[%arg1, %dma_wait3A_336, %dma_wait3A_337, %dma_wait3A_338] : memref<16x3x4x8192xf32, #tpu.memory_space<vmem_shared>> -> memref<1x1x4x8192xf32, #tpu.memory_space<vmem_shared>>
    %dma_wait3A_340 = tpu.memref_squeeze %dma_wait3A_339 : memref<1x1x4x8192xf32, #tpu.memory_space<vmem_shared>> -> memref<4x8192xf32, #tpu.memory_space<vmem_shared>>
    %dma_wait3A_341 = arith.constant 0 : i32
    %dma_wait3A_342 = tpu.memref_slice %arg2[%add3A_335, %dma_wait3A_341] : memref<4096x8192xf32, #tpu.memory_space<hbm>> -> memref<4x8192xf32, #tpu.memory_space<hbm>>
    tpu.wait_dma2 semaphore(%arg5 : memref<!tpu.dma_semaphore, #tpu.memory_space<semaphore_mem>>) src(%dma_wait3A_342 : memref<4x8192xf32, #tpu.memory_space<hbm>>) dst(%dma_wait3A_340 : memref<4x8192xf32, #tpu.memory_space<vmem_shared>>)
    %add3A_343 = arith.constant 36 : i32
    %add3A_344 = arith.addi %mul3A_2, %add3A_343 : i32
    %dma_start3A_345 = arith.constant 0 : i32
    %dma_start3A_346 = arith.constant 0 : i32
    %dma_start3A_347 = tpu.memref_slice %arg3[%add3A_344, %dma_start3A_346] : memref<4096x8192xf32, #tpu.memory_space<hbm>> -> memref<4x8192xf32, #tpu.memory_space<hbm>>
    %dma_start3A_348 = arith.constant 0 : i32
    %dma_start3A_349 = arith.constant 0 : i32
    %dma_start3A_350 = tpu.memref_slice %arg4[%arg1, %dma_start3A_345, %dma_start3A_348, %dma_start3A_349] : memref<16x3x4x8192xf32, #tpu.memory_space<vmem_shared>> -> memref<1x1x4x8192xf32, #tpu.memory_space<vmem_shared>>
    %dma_start3A_351 = tpu.memref_squeeze %dma_start3A_350 : memref<1x1x4x8192xf32, #tpu.memory_space<vmem_shared>> -> memref<4x8192xf32, #tpu.memory_space<vmem_shared>>
    tpu.enqueue_dma source(%dma_start3A_351 : memref<4x8192xf32, #tpu.memory_space<vmem_shared>>) target(%dma_start3A_347 : memref<4x8192xf32, #tpu.memory_space<hbm>>) target_semaphore(%arg8 : memref<!tpu.dma_semaphore, #tpu.memory_space<semaphore_mem>>)
    %add3A_352 = arith.constant 32 : i32
    %add3A_353 = arith.addi %mul3A_2, %add3A_352 : i32
    %dma_wait3A_354 = arith.constant 2 : i32
    %dma_wait3A_355 = arith.constant 0 : i32
    %dma_wait3A_356 = tpu.memref_slice %arg3[%add3A_353, %dma_wait3A_355] : memref<4096x8192xf32, #tpu.memory_space<hbm>> -> memref<4x8192xf32, #tpu.memory_space<hbm>>
    %dma_wait3A_357 = arith.constant 0 : i32
    %dma_wait3A_358 = arith.constant 0 : i32
    %dma_wait3A_359 = tpu.memref_slice %arg4[%arg1, %dma_wait3A_354, %dma_wait3A_357, %dma_wait3A_358] : memref<16x3x4x8192xf32, #tpu.memory_space<vmem_shared>> -> memref<1x1x4x8192xf32, #tpu.memory_space<vmem_shared>>
    %dma_wait3A_360 = tpu.memref_squeeze %dma_wait3A_359 : memref<1x1x4x8192xf32, #tpu.memory_space<vmem_shared>> -> memref<4x8192xf32, #tpu.memory_space<vmem_shared>>
    tpu.wait_dma2 semaphore(%arg10 : memref<!tpu.dma_semaphore, #tpu.memory_space<semaphore_mem>>) src(%dma_wait3A_360 : memref<4x8192xf32, #tpu.memory_space<vmem_shared>>) dst(%dma_wait3A_356 : memref<4x8192xf32, #tpu.memory_space<hbm>>)
    %add3A_361 = arith.constant 44 : i32
    %add3A_362 = arith.addi %mul3A_2, %add3A_361 : i32
    %dma_start3A_363 = arith.constant 2 : i32
    %dma_start3A_364 = arith.constant 0 : i32
    %dma_start3A_365 = arith.constant 0 : i32
    %dma_start3A_366 = tpu.memref_slice %arg4[%arg1, %dma_start3A_363, %dma_start3A_364, %dma_start3A_365] : memref<16x3x4x8192xf32, #tpu.memory_space<vmem_shared>> -> memref<1x1x4x8192xf32, #tpu.memory_space<vmem_shared>>
    %dma_start3A_367 = tpu.memref_squeeze %dma_start3A_366 : memref<1x1x4x8192xf32, #tpu.memory_space<vmem_shared>> -> memref<4x8192xf32, #tpu.memory_space<vmem_shared>>
    %dma_start3A_368 = arith.constant 0 : i32
    %dma_start3A_369 = tpu.memref_slice %arg2[%add3A_362, %dma_start3A_368] : memref<4096x8192xf32, #tpu.memory_space<hbm>> -> memref<4x8192xf32, #tpu.memory_space<hbm>>
    tpu.enqueue_dma source(%dma_start3A_369 : memref<4x8192xf32, #tpu.memory_space<hbm>>) target(%dma_start3A_367 : memref<4x8192xf32, #tpu.memory_space<vmem_shared>>) target_semaphore(%arg7 : memref<!tpu.dma_semaphore, #tpu.memory_space<semaphore_mem>>)
    %add3A_370 = arith.constant 40 : i32
    %add3A_371 = arith.addi %mul3A_2, %add3A_370 : i32
    %dma_wait3A_372 = arith.constant 1 : i32
    %dma_wait3A_373 = arith.constant 0 : i32
    %dma_wait3A_374 = arith.constant 0 : i32
    %dma_wait3A_375 = tpu.memref_slice %arg4[%arg1, %dma_wait3A_372, %dma_wait3A_373, %dma_wait3A_374] : memref<16x3x4x8192xf32, #tpu.memory_space<vmem_shared>> -> memref<1x1x4x8192xf32, #tpu.memory_space<vmem_shared>>
    %dma_wait3A_376 = tpu.memref_squeeze %dma_wait3A_375 : memref<1x1x4x8192xf32, #tpu.memory_space<vmem_shared>> -> memref<4x8192xf32, #tpu.memory_space<vmem_shared>>
    %dma_wait3A_377 = arith.constant 0 : i32
    %dma_wait3A_378 = tpu.memref_slice %arg2[%add3A_371, %dma_wait3A_377] : memref<4096x8192xf32, #tpu.memory_space<hbm>> -> memref<4x8192xf32, #tpu.memory_space<hbm>>
    tpu.wait_dma2 semaphore(%arg6 : memref<!tpu.dma_semaphore, #tpu.memory_space<semaphore_mem>>) src(%dma_wait3A_378 : memref<4x8192xf32, #tpu.memory_space<hbm>>) dst(%dma_wait3A_376 : memref<4x8192xf32, #tpu.memory_space<vmem_shared>>)
    %add3A_379 = arith.constant 40 : i32
    %add3A_380 = arith.addi %mul3A_2, %add3A_379 : i32
    %dma_start3A_381 = arith.constant 1 : i32
    %dma_start3A_382 = arith.constant 0 : i32
    %dma_start3A_383 = tpu.memref_slice %arg3[%add3A_380, %dma_start3A_382] : memref<4096x8192xf32, #tpu.memory_space<hbm>> -> memref<4x8192xf32, #tpu.memory_space<hbm>>
    %dma_start3A_384 = arith.constant 0 : i32
    %dma_start3A_385 = arith.constant 0 : i32
    %dma_start3A_386 = tpu.memref_slice %arg4[%arg1, %dma_start3A_381, %dma_start3A_384, %dma_start3A_385] : memref<16x3x4x8192xf32, #tpu.memory_space<vmem_shared>> -> memref<1x1x4x8192xf32, #tpu.memory_space<vmem_shared>>
    %dma_start3A_387 = tpu.memref_squeeze %dma_start3A_386 : memref<1x1x4x8192xf32, #tpu.memory_space<vmem_shared>> -> memref<4x8192xf32, #tpu.memory_space<vmem_shared>>
    tpu.enqueue_dma source(%dma_start3A_387 : memref<4x8192xf32, #tpu.memory_space<vmem_shared>>) target(%dma_start3A_383 : memref<4x8192xf32, #tpu.memory_space<hbm>>) target_semaphore(%arg9 : memref<!tpu.dma_semaphore, #tpu.memory_space<semaphore_mem>>)
    %add3A_388 = arith.constant 36 : i32
    %add3A_389 = arith.addi %mul3A_2, %add3A_388 : i32
    %dma_wait3A_390 = arith.constant 0 : i32
    %dma_wait3A_391 = arith.constant 0 : i32
    %dma_wait3A_392 = tpu.memref_slice %arg3[%add3A_389, %dma_wait3A_391] : memref<4096x8192xf32, #tpu.memory_space<hbm>> -> memref<4x8192xf32, #tpu.memory_space<hbm>>
    %dma_wait3A_393 = arith.constant 0 : i32
    %dma_wait3A_394 = arith.constant 0 : i32
    %dma_wait3A_395 = tpu.memref_slice %arg4[%arg1, %dma_wait3A_390, %dma_wait3A_393, %dma_wait3A_394] : memref<16x3x4x8192xf32, #tpu.memory_space<vmem_shared>> -> memref<1x1x4x8192xf32, #tpu.memory_space<vmem_shared>>
    %dma_wait3A_396 = tpu.memref_squeeze %dma_wait3A_395 : memref<1x1x4x8192xf32, #tpu.memory_space<vmem_shared>> -> memref<4x8192xf32, #tpu.memory_space<vmem_shared>>
    tpu.wait_dma2 semaphore(%arg8 : memref<!tpu.dma_semaphore, #tpu.memory_space<semaphore_mem>>) src(%dma_wait3A_396 : memref<4x8192xf32, #tpu.memory_space<vmem_shared>>) dst(%dma_wait3A_392 : memref<4x8192xf32, #tpu.memory_space<hbm>>)
    %add3A_397 = arith.constant 48 : i32
    %add3A_398 = arith.addi %mul3A_2, %add3A_397 : i32
    %dma_start3A_399 = arith.constant 0 : i32
    %dma_start3A_400 = arith.constant 0 : i32
    %dma_start3A_401 = arith.constant 0 : i32
    %dma_start3A_402 = tpu.memref_slice %arg4[%arg1, %dma_start3A_399, %dma_start3A_400, %dma_start3A_401] : memref<16x3x4x8192xf32, #tpu.memory_space<vmem_shared>> -> memref<1x1x4x8192xf32, #tpu.memory_space<vmem_shared>>
    %dma_start3A_403 = tpu.memref_squeeze %dma_start3A_402 : memref<1x1x4x8192xf32, #tpu.memory_space<vmem_shared>> -> memref<4x8192xf32, #tpu.memory_space<vmem_shared>>
    %dma_start3A_404 = arith.constant 0 : i32
    %dma_start3A_405 = tpu.memref_slice %arg2[%add3A_398, %dma_start3A_404] : memref<4096x8192xf32, #tpu.memory_space<hbm>> -> memref<4x8192xf32, #tpu.memory_space<hbm>>
    tpu.enqueue_dma source(%dma_start3A_405 : memref<4x8192xf32, #tpu.memory_space<hbm>>) target(%dma_start3A_403 : memref<4x8192xf32, #tpu.memory_space<vmem_shared>>) target_semaphore(%arg5 : memref<!tpu.dma_semaphore, #tpu.memory_space<semaphore_mem>>)
    %add3A_406 = arith.constant 44 : i32
    %add3A_407 = arith.addi %mul3A_2, %add3A_406 : i32
    %dma_wait3A_408 = arith.constant 2 : i32
    %dma_wait3A_409 = arith.constant 0 : i32
    %dma_wait3A_410 = arith.constant 0 : i32
    %dma_wait3A_411 = tpu.memref_slice %arg4[%arg1, %dma_wait3A_408, %dma_wait3A_409, %dma_wait3A_410] : memref<16x3x4x8192xf32, #tpu.memory_space<vmem_shared>> -> memref<1x1x4x8192xf32, #tpu.memory_space<vmem_shared>>
    %dma_wait3A_412 = tpu.memref_squeeze %dma_wait3A_411 : memref<1x1x4x8192xf32, #tpu.memory_space<vmem_shared>> -> memref<4x8192xf32, #tpu.memory_space<vmem_shared>>
    %dma_wait3A_413 = arith.constant 0 : i32
    %dma_wait3A_414 = tpu.memref_slice %arg2[%add3A_407, %dma_wait3A_413] : memref<4096x8192xf32, #tpu.memory_space<hbm>> -> memref<4x8192xf32, #tpu.memory_space<hbm>>
    tpu.wait_dma2 semaphore(%arg7 : memref<!tpu.dma_semaphore, #tpu.memory_space<semaphore_mem>>) src(%dma_wait3A_414 : memref<4x8192xf32, #tpu.memory_space<hbm>>) dst(%dma_wait3A_412 : memref<4x8192xf32, #tpu.memory_space<vmem_shared>>)
    %add3A_415 = arith.constant 44 : i32
    %add3A_416 = arith.addi %mul3A_2, %add3A_415 : i32
    %dma_start3A_417 = arith.constant 2 : i32
    %dma_start3A_418 = arith.constant 0 : i32
    %dma_start3A_419 = tpu.memref_slice %arg3[%add3A_416, %dma_start3A_418] : memref<4096x8192xf32, #tpu.memory_space<hbm>> -> memref<4x8192xf32, #tpu.memory_space<hbm>>
    %dma_start3A_420 = arith.constant 0 : i32
    %dma_start3A_421 = arith.constant 0 : i32
    %dma_start3A_422 = tpu.memref_slice %arg4[%arg1, %dma_start3A_417, %dma_start3A_420, %dma_start3A_421] : memref<16x3x4x8192xf32, #tpu.memory_space<vmem_shared>> -> memref<1x1x4x8192xf32, #tpu.memory_space<vmem_shared>>
    %dma_start3A_423 = tpu.memref_squeeze %dma_start3A_422 : memref<1x1x4x8192xf32, #tpu.memory_space<vmem_shared>> -> memref<4x8192xf32, #tpu.memory_space<vmem_shared>>
    tpu.enqueue_dma source(%dma_start3A_423 : memref<4x8192xf32, #tpu.memory_space<vmem_shared>>) target(%dma_start3A_419 : memref<4x8192xf32, #tpu.memory_space<hbm>>) target_semaphore(%arg10 : memref<!tpu.dma_semaphore, #tpu.memory_space<semaphore_mem>>)
    %add3A_424 = arith.constant 40 : i32
    %add3A_425 = arith.addi %mul3A_2, %add3A_424 : i32
    %dma_wait3A_426 = arith.constant 1 : i32
    %dma_wait3A_427 = arith.constant 0 : i32
    %dma_wait3A_428 = tpu.memref_slice %arg3[%add3A_425, %dma_wait3A_427] : memref<4096x8192xf32, #tpu.memory_space<hbm>> -> memref<4x8192xf32, #tpu.memory_space<hbm>>
    %dma_wait3A_429 = arith.constant 0 : i32
    %dma_wait3A_430 = arith.constant 0 : i32
    %dma_wait3A_431 = tpu.memref_slice %arg4[%arg1, %dma_wait3A_426, %dma_wait3A_429, %dma_wait3A_430] : memref<16x3x4x8192xf32, #tpu.memory_space<vmem_shared>> -> memref<1x1x4x8192xf32, #tpu.memory_space<vmem_shared>>
    %dma_wait3A_432 = tpu.memref_squeeze %dma_wait3A_431 : memref<1x1x4x8192xf32, #tpu.memory_space<vmem_shared>> -> memref<4x8192xf32, #tpu.memory_space<vmem_shared>>
    tpu.wait_dma2 semaphore(%arg9 : memref<!tpu.dma_semaphore, #tpu.memory_space<semaphore_mem>>) src(%dma_wait3A_432 : memref<4x8192xf32, #tpu.memory_space<vmem_shared>>) dst(%dma_wait3A_428 : memref<4x8192xf32, #tpu.memory_space<hbm>>)
    %add3A_433 = arith.constant 52 : i32
    %add3A_434 = arith.addi %mul3A_2, %add3A_433 : i32
    %dma_start3A_435 = arith.constant 1 : i32
    %dma_start3A_436 = arith.constant 0 : i32
    %dma_start3A_437 = arith.constant 0 : i32
    %dma_start3A_438 = tpu.memref_slice %arg4[%arg1, %dma_start3A_435, %dma_start3A_436, %dma_start3A_437] : memref<16x3x4x8192xf32, #tpu.memory_space<vmem_shared>> -> memref<1x1x4x8192xf32, #tpu.memory_space<vmem_shared>>
    %dma_start3A_439 = tpu.memref_squeeze %dma_start3A_438 : memref<1x1x4x8192xf32, #tpu.memory_space<vmem_shared>> -> memref<4x8192xf32, #tpu.memory_space<vmem_shared>>
    %dma_start3A_440 = arith.constant 0 : i32
    %dma_start3A_441 = tpu.memref_slice %arg2[%add3A_434, %dma_start3A_440] : memref<4096x8192xf32, #tpu.memory_space<hbm>> -> memref<4x8192xf32, #tpu.memory_space<hbm>>
    tpu.enqueue_dma source(%dma_start3A_441 : memref<4x8192xf32, #tpu.memory_space<hbm>>) target(%dma_start3A_439 : memref<4x8192xf32, #tpu.memory_space<vmem_shared>>) target_semaphore(%arg6 : memref<!tpu.dma_semaphore, #tpu.memory_space<semaphore_mem>>)
    %add3A_442 = arith.constant 48 : i32
    %add3A_443 = arith.addi %mul3A_2, %add3A_442 : i32
    %dma_wait3A_444 = arith.constant 0 : i32
    %dma_wait3A_445 = arith.constant 0 : i32
    %dma_wait3A_446 = arith.constant 0 : i32
    %dma_wait3A_447 = tpu.memref_slice %arg4[%arg1, %dma_wait3A_444, %dma_wait3A_445, %dma_wait3A_446] : memref<16x3x4x8192xf32, #tpu.memory_space<vmem_shared>> -> memref<1x1x4x8192xf32, #tpu.memory_space<vmem_shared>>
    %dma_wait3A_448 = tpu.memref_squeeze %dma_wait3A_447 : memref<1x1x4x8192xf32, #tpu.memory_space<vmem_shared>> -> memref<4x8192xf32, #tpu.memory_space<vmem_shared>>
    %dma_wait3A_449 = arith.constant 0 : i32
    %dma_wait3A_450 = tpu.memref_slice %arg2[%add3A_443, %dma_wait3A_449] : memref<4096x8192xf32, #tpu.memory_space<hbm>> -> memref<4x8192xf32, #tpu.memory_space<hbm>>
    tpu.wait_dma2 semaphore(%arg5 : memref<!tpu.dma_semaphore, #tpu.memory_space<semaphore_mem>>) src(%dma_wait3A_450 : memref<4x8192xf32, #tpu.memory_space<hbm>>) dst(%dma_wait3A_448 : memref<4x8192xf32, #tpu.memory_space<vmem_shared>>)
    %add3A_451 = arith.constant 48 : i32
    %add3A_452 = arith.addi %mul3A_2, %add3A_451 : i32
    %dma_start3A_453 = arith.constant 0 : i32
    %dma_start3A_454 = arith.constant 0 : i32
    %dma_start3A_455 = tpu.memref_slice %arg3[%add3A_452, %dma_start3A_454] : memref<4096x8192xf32, #tpu.memory_space<hbm>> -> memref<4x8192xf32, #tpu.memory_space<hbm>>
    %dma_start3A_456 = arith.constant 0 : i32
    %dma_start3A_457 = arith.constant 0 : i32
    %dma_start3A_458 = tpu.memref_slice %arg4[%arg1, %dma_start3A_453, %dma_start3A_456, %dma_start3A_457] : memref<16x3x4x8192xf32, #tpu.memory_space<vmem_shared>> -> memref<1x1x4x8192xf32, #tpu.memory_space<vmem_shared>>
    %dma_start3A_459 = tpu.memref_squeeze %dma_start3A_458 : memref<1x1x4x8192xf32, #tpu.memory_space<vmem_shared>> -> memref<4x8192xf32, #tpu.memory_space<vmem_shared>>
    tpu.enqueue_dma source(%dma_start3A_459 : memref<4x8192xf32, #tpu.memory_space<vmem_shared>>) target(%dma_start3A_455 : memref<4x8192xf32, #tpu.memory_space<hbm>>) target_semaphore(%arg8 : memref<!tpu.dma_semaphore, #tpu.memory_space<semaphore_mem>>)
    %add3A_460 = arith.constant 44 : i32
    %add3A_461 = arith.addi %mul3A_2, %add3A_460 : i32
    %dma_wait3A_462 = arith.constant 2 : i32
    %dma_wait3A_463 = arith.constant 0 : i32
    %dma_wait3A_464 = tpu.memref_slice %arg3[%add3A_461, %dma_wait3A_463] : memref<4096x8192xf32, #tpu.memory_space<hbm>> -> memref<4x8192xf32, #tpu.memory_space<hbm>>
    %dma_wait3A_465 = arith.constant 0 : i32
    %dma_wait3A_466 = arith.constant 0 : i32
    %dma_wait3A_467 = tpu.memref_slice %arg4[%arg1, %dma_wait3A_462, %dma_wait3A_465, %dma_wait3A_466] : memref<16x3x4x8192xf32, #tpu.memory_space<vmem_shared>> -> memref<1x1x4x8192xf32, #tpu.memory_space<vmem_shared>>
    %dma_wait3A_468 = tpu.memref_squeeze %dma_wait3A_467 : memref<1x1x4x8192xf32, #tpu.memory_space<vmem_shared>> -> memref<4x8192xf32, #tpu.memory_space<vmem_shared>>
    tpu.wait_dma2 semaphore(%arg10 : memref<!tpu.dma_semaphore, #tpu.memory_space<semaphore_mem>>) src(%dma_wait3A_468 : memref<4x8192xf32, #tpu.memory_space<vmem_shared>>) dst(%dma_wait3A_464 : memref<4x8192xf32, #tpu.memory_space<hbm>>)
    %add3A_469 = arith.constant 56 : i32
    %add3A_470 = arith.addi %mul3A_2, %add3A_469 : i32
    %dma_start3A_471 = arith.constant 2 : i32
    %dma_start3A_472 = arith.constant 0 : i32
    %dma_start3A_473 = arith.constant 0 : i32
    %dma_start3A_474 = tpu.memref_slice %arg4[%arg1, %dma_start3A_471, %dma_start3A_472, %dma_start3A_473] : memref<16x3x4x8192xf32, #tpu.memory_space<vmem_shared>> -> memref<1x1x4x8192xf32, #tpu.memory_space<vmem_shared>>
    %dma_start3A_475 = tpu.memref_squeeze %dma_start3A_474 : memref<1x1x4x8192xf32, #tpu.memory_space<vmem_shared>> -> memref<4x8192xf32, #tpu.memory_space<vmem_shared>>
    %dma_start3A_476 = arith.constant 0 : i32
    %dma_start3A_477 = tpu.memref_slice %arg2[%add3A_470, %dma_start3A_476] : memref<4096x8192xf32, #tpu.memory_space<hbm>> -> memref<4x8192xf32, #tpu.memory_space<hbm>>
    tpu.enqueue_dma source(%dma_start3A_477 : memref<4x8192xf32, #tpu.memory_space<hbm>>) target(%dma_start3A_475 : memref<4x8192xf32, #tpu.memory_space<vmem_shared>>) target_semaphore(%arg7 : memref<!tpu.dma_semaphore, #tpu.memory_space<semaphore_mem>>)
    %add3A_478 = arith.constant 52 : i32
    %add3A_479 = arith.addi %mul3A_2, %add3A_478 : i32
    %dma_wait3A_480 = arith.constant 1 : i32
    %dma_wait3A_481 = arith.constant 0 : i32
    %dma_wait3A_482 = arith.constant 0 : i32
    %dma_wait3A_483 = tpu.memref_slice %arg4[%arg1, %dma_wait3A_480, %dma_wait3A_481, %dma_wait3A_482] : memref<16x3x4x8192xf32, #tpu.memory_space<vmem_shared>> -> memref<1x1x4x8192xf32, #tpu.memory_space<vmem_shared>>
    %dma_wait3A_484 = tpu.memref_squeeze %dma_wait3A_483 : memref<1x1x4x8192xf32, #tpu.memory_space<vmem_shared>> -> memref<4x8192xf32, #tpu.memory_space<vmem_shared>>
    %dma_wait3A_485 = arith.constant 0 : i32
    %dma_wait3A_486 = tpu.memref_slice %arg2[%add3A_479, %dma_wait3A_485] : memref<4096x8192xf32, #tpu.memory_space<hbm>> -> memref<4x8192xf32, #tpu.memory_space<hbm>>
    tpu.wait_dma2 semaphore(%arg6 : memref<!tpu.dma_semaphore, #tpu.memory_space<semaphore_mem>>) src(%dma_wait3A_486 : memref<4x8192xf32, #tpu.memory_space<hbm>>) dst(%dma_wait3A_484 : memref<4x8192xf32, #tpu.memory_space<vmem_shared>>)
    %add3A_487 = arith.constant 52 : i32
    %add3A_488 = arith.addi %mul3A_2, %add3A_487 : i32
    %dma_start3A_489 = arith.constant 1 : i32
    %dma_start3A_490 = arith.constant 0 : i32
    %dma_start3A_491 = tpu.memref_slice %arg3[%add3A_488, %dma_start3A_490] : memref<4096x8192xf32, #tpu.memory_space<hbm>> -> memref<4x8192xf32, #tpu.memory_space<hbm>>
    %dma_start3A_492 = arith.constant 0 : i32
    %dma_start3A_493 = arith.constant 0 : i32
    %dma_start3A_494 = tpu.memref_slice %arg4[%arg1, %dma_start3A_489, %dma_start3A_492, %dma_start3A_493] : memref<16x3x4x8192xf32, #tpu.memory_space<vmem_shared>> -> memref<1x1x4x8192xf32, #tpu.memory_space<vmem_shared>>
    %dma_start3A_495 = tpu.memref_squeeze %dma_start3A_494 : memref<1x1x4x8192xf32, #tpu.memory_space<vmem_shared>> -> memref<4x8192xf32, #tpu.memory_space<vmem_shared>>
    tpu.enqueue_dma source(%dma_start3A_495 : memref<4x8192xf32, #tpu.memory_space<vmem_shared>>) target(%dma_start3A_491 : memref<4x8192xf32, #tpu.memory_space<hbm>>) target_semaphore(%arg9 : memref<!tpu.dma_semaphore, #tpu.memory_space<semaphore_mem>>)
    %add3A_496 = arith.constant 48 : i32
    %add3A_497 = arith.addi %mul3A_2, %add3A_496 : i32
    %dma_wait3A_498 = arith.constant 0 : i32
    %dma_wait3A_499 = arith.constant 0 : i32
    %dma_wait3A_500 = tpu.memref_slice %arg3[%add3A_497, %dma_wait3A_499] : memref<4096x8192xf32, #tpu.memory_space<hbm>> -> memref<4x8192xf32, #tpu.memory_space<hbm>>
    %dma_wait3A_501 = arith.constant 0 : i32
    %dma_wait3A_502 = arith.constant 0 : i32
    %dma_wait3A_503 = tpu.memref_slice %arg4[%arg1, %dma_wait3A_498, %dma_wait3A_501, %dma_wait3A_502] : memref<16x3x4x8192xf32, #tpu.memory_space<vmem_shared>> -> memref<1x1x4x8192xf32, #tpu.memory_space<vmem_shared>>
    %dma_wait3A_504 = tpu.memref_squeeze %dma_wait3A_503 : memref<1x1x4x8192xf32, #tpu.memory_space<vmem_shared>> -> memref<4x8192xf32, #tpu.memory_space<vmem_shared>>
    tpu.wait_dma2 semaphore(%arg8 : memref<!tpu.dma_semaphore, #tpu.memory_space<semaphore_mem>>) src(%dma_wait3A_504 : memref<4x8192xf32, #tpu.memory_space<vmem_shared>>) dst(%dma_wait3A_500 : memref<4x8192xf32, #tpu.memory_space<hbm>>)
    %add3A_505 = arith.constant 60 : i32
    %add3A_506 = arith.addi %mul3A_2, %add3A_505 : i32
    %dma_start3A_507 = arith.constant 0 : i32
    %dma_start3A_508 = arith.constant 0 : i32
    %dma_start3A_509 = arith.constant 0 : i32
    %dma_start3A_510 = tpu.memref_slice %arg4[%arg1, %dma_start3A_507, %dma_start3A_508, %dma_start3A_509] : memref<16x3x4x8192xf32, #tpu.memory_space<vmem_shared>> -> memref<1x1x4x8192xf32, #tpu.memory_space<vmem_shared>>
    %dma_start3A_511 = tpu.memref_squeeze %dma_start3A_510 : memref<1x1x4x8192xf32, #tpu.memory_space<vmem_shared>> -> memref<4x8192xf32, #tpu.memory_space<vmem_shared>>
    %dma_start3A_512 = arith.constant 0 : i32
    %dma_start3A_513 = tpu.memref_slice %arg2[%add3A_506, %dma_start3A_512] : memref<4096x8192xf32, #tpu.memory_space<hbm>> -> memref<4x8192xf32, #tpu.memory_space<hbm>>
    tpu.enqueue_dma source(%dma_start3A_513 : memref<4x8192xf32, #tpu.memory_space<hbm>>) target(%dma_start3A_511 : memref<4x8192xf32, #tpu.memory_space<vmem_shared>>) target_semaphore(%arg5 : memref<!tpu.dma_semaphore, #tpu.memory_space<semaphore_mem>>)
    %add3A_514 = arith.constant 56 : i32
    %add3A_515 = arith.addi %mul3A_2, %add3A_514 : i32
    %dma_wait3A_516 = arith.constant 2 : i32
    %dma_wait3A_517 = arith.constant 0 : i32
    %dma_wait3A_518 = arith.constant 0 : i32
    %dma_wait3A_519 = tpu.memref_slice %arg4[%arg1, %dma_wait3A_516, %dma_wait3A_517, %dma_wait3A_518] : memref<16x3x4x8192xf32, #tpu.memory_space<vmem_shared>> -> memref<1x1x4x8192xf32, #tpu.memory_space<vmem_shared>>
    %dma_wait3A_520 = tpu.memref_squeeze %dma_wait3A_519 : memref<1x1x4x8192xf32, #tpu.memory_space<vmem_shared>> -> memref<4x8192xf32, #tpu.memory_space<vmem_shared>>
    %dma_wait3A_521 = arith.constant 0 : i32
    %dma_wait3A_522 = tpu.memref_slice %arg2[%add3A_515, %dma_wait3A_521] : memref<4096x8192xf32, #tpu.memory_space<hbm>> -> memref<4x8192xf32, #tpu.memory_space<hbm>>
    tpu.wait_dma2 semaphore(%arg7 : memref<!tpu.dma_semaphore, #tpu.memory_space<semaphore_mem>>) src(%dma_wait3A_522 : memref<4x8192xf32, #tpu.memory_space<hbm>>) dst(%dma_wait3A_520 : memref<4x8192xf32, #tpu.memory_space<vmem_shared>>)
    %add3A_523 = arith.constant 56 : i32
    %add3A_524 = arith.addi %mul3A_2, %add3A_523 : i32
    %dma_start3A_525 = arith.constant 2 : i32
    %dma_start3A_526 = arith.constant 0 : i32
    %dma_start3A_527 = tpu.memref_slice %arg3[%add3A_524, %dma_start3A_526] : memref<4096x8192xf32, #tpu.memory_space<hbm>> -> memref<4x8192xf32, #tpu.memory_space<hbm>>
    %dma_start3A_528 = arith.constant 0 : i32
    %dma_start3A_529 = arith.constant 0 : i32
    %dma_start3A_530 = tpu.memref_slice %arg4[%arg1, %dma_start3A_525, %dma_start3A_528, %dma_start3A_529] : memref<16x3x4x8192xf32, #tpu.memory_space<vmem_shared>> -> memref<1x1x4x8192xf32, #tpu.memory_space<vmem_shared>>
    %dma_start3A_531 = tpu.memref_squeeze %dma_start3A_530 : memref<1x1x4x8192xf32, #tpu.memory_space<vmem_shared>> -> memref<4x8192xf32, #tpu.memory_space<vmem_shared>>
    tpu.enqueue_dma source(%dma_start3A_531 : memref<4x8192xf32, #tpu.memory_space<vmem_shared>>) target(%dma_start3A_527 : memref<4x8192xf32, #tpu.memory_space<hbm>>) target_semaphore(%arg10 : memref<!tpu.dma_semaphore, #tpu.memory_space<semaphore_mem>>)
    %add3A_532 = arith.constant 52 : i32
    %add3A_533 = arith.addi %mul3A_2, %add3A_532 : i32
    %dma_wait3A_534 = arith.constant 1 : i32
    %dma_wait3A_535 = arith.constant 0 : i32
    %dma_wait3A_536 = tpu.memref_slice %arg3[%add3A_533, %dma_wait3A_535] : memref<4096x8192xf32, #tpu.memory_space<hbm>> -> memref<4x8192xf32, #tpu.memory_space<hbm>>
    %dma_wait3A_537 = arith.constant 0 : i32
    %dma_wait3A_538 = arith.constant 0 : i32
    %dma_wait3A_539 = tpu.memref_slice %arg4[%arg1, %dma_wait3A_534, %dma_wait3A_537, %dma_wait3A_538] : memref<16x3x4x8192xf32, #tpu.memory_space<vmem_shared>> -> memref<1x1x4x8192xf32, #tpu.memory_space<vmem_shared>>
    %dma_wait3A_540 = tpu.memref_squeeze %dma_wait3A_539 : memref<1x1x4x8192xf32, #tpu.memory_space<vmem_shared>> -> memref<4x8192xf32, #tpu.memory_space<vmem_shared>>
    tpu.wait_dma2 semaphore(%arg9 : memref<!tpu.dma_semaphore, #tpu.memory_space<semaphore_mem>>) src(%dma_wait3A_540 : memref<4x8192xf32, #tpu.memory_space<vmem_shared>>) dst(%dma_wait3A_536 : memref<4x8192xf32, #tpu.memory_space<hbm>>)
    %add3A_541 = arith.constant 64 : i32
    %add3A_542 = arith.addi %mul3A_2, %add3A_541 : i32
    %dma_start3A_543 = arith.constant 1 : i32
    %dma_start3A_544 = arith.constant 0 : i32
    %dma_start3A_545 = arith.constant 0 : i32
    %dma_start3A_546 = tpu.memref_slice %arg4[%arg1, %dma_start3A_543, %dma_start3A_544, %dma_start3A_545] : memref<16x3x4x8192xf32, #tpu.memory_space<vmem_shared>> -> memref<1x1x4x8192xf32, #tpu.memory_space<vmem_shared>>
    %dma_start3A_547 = tpu.memref_squeeze %dma_start3A_546 : memref<1x1x4x8192xf32, #tpu.memory_space<vmem_shared>> -> memref<4x8192xf32, #tpu.memory_space<vmem_shared>>
    %dma_start3A_548 = arith.constant 0 : i32
    %dma_start3A_549 = tpu.memref_slice %arg2[%add3A_542, %dma_start3A_548] : memref<4096x8192xf32, #tpu.memory_space<hbm>> -> memref<4x8192xf32, #tpu.memory_space<hbm>>
    tpu.enqueue_dma source(%dma_start3A_549 : memref<4x8192xf32, #tpu.memory_space<hbm>>) target(%dma_start3A_547 : memref<4x8192xf32, #tpu.memory_space<vmem_shared>>) target_semaphore(%arg6 : memref<!tpu.dma_semaphore, #tpu.memory_space<semaphore_mem>>)
    %add3A_550 = arith.constant 60 : i32
    %add3A_551 = arith.addi %mul3A_2, %add3A_550 : i32
    %dma_wait3A_552 = arith.constant 0 : i32
    %dma_wait3A_553 = arith.constant 0 : i32
    %dma_wait3A_554 = arith.constant 0 : i32
    %dma_wait3A_555 = tpu.memref_slice %arg4[%arg1, %dma_wait3A_552, %dma_wait3A_553, %dma_wait3A_554] : memref<16x3x4x8192xf32, #tpu.memory_space<vmem_shared>> -> memref<1x1x4x8192xf32, #tpu.memory_space<vmem_shared>>
    %dma_wait3A_556 = tpu.memref_squeeze %dma_wait3A_555 : memref<1x1x4x8192xf32, #tpu.memory_space<vmem_shared>> -> memref<4x8192xf32, #tpu.memory_space<vmem_shared>>
    %dma_wait3A_557 = arith.constant 0 : i32
    %dma_wait3A_558 = tpu.memref_slice %arg2[%add3A_551, %dma_wait3A_557] : memref<4096x8192xf32, #tpu.memory_space<hbm>> -> memref<4x8192xf32, #tpu.memory_space<hbm>>
    tpu.wait_dma2 semaphore(%arg5 : memref<!tpu.dma_semaphore, #tpu.memory_space<semaphore_mem>>) src(%dma_wait3A_558 : memref<4x8192xf32, #tpu.memory_space<hbm>>) dst(%dma_wait3A_556 : memref<4x8192xf32, #tpu.memory_space<vmem_shared>>)
    %add3A_559 = arith.constant 60 : i32
    %add3A_560 = arith.addi %mul3A_2, %add3A_559 : i32
    %dma_start3A_561 = arith.constant 0 : i32
    %dma_start3A_562 = arith.constant 0 : i32
    %dma_start3A_563 = tpu.memref_slice %arg3[%add3A_560, %dma_start3A_562] : memref<4096x8192xf32, #tpu.memory_space<hbm>> -> memref<4x8192xf32, #tpu.memory_space<hbm>>
    %dma_start3A_564 = arith.constant 0 : i32
    %dma_start3A_565 = arith.constant 0 : i32
    %dma_start3A_566 = tpu.memref_slice %arg4[%arg1, %dma_start3A_561, %dma_start3A_564, %dma_start3A_565] : memref<16x3x4x8192xf32, #tpu.memory_space<vmem_shared>> -> memref<1x1x4x8192xf32, #tpu.memory_space<vmem_shared>>
    %dma_start3A_567 = tpu.memref_squeeze %dma_start3A_566 : memref<1x1x4x8192xf32, #tpu.memory_space<vmem_shared>> -> memref<4x8192xf32, #tpu.memory_space<vmem_shared>>
    tpu.enqueue_dma source(%dma_start3A_567 : memref<4x8192xf32, #tpu.memory_space<vmem_shared>>) target(%dma_start3A_563 : memref<4x8192xf32, #tpu.memory_space<hbm>>) target_semaphore(%arg8 : memref<!tpu.dma_semaphore, #tpu.memory_space<semaphore_mem>>)
    %add3A_568 = arith.constant 56 : i32
    %add3A_569 = arith.addi %mul3A_2, %add3A_568 : i32
    %dma_wait3A_570 = arith.constant 2 : i32
    %dma_wait3A_571 = arith.constant 0 : i32
    %dma_wait3A_572 = tpu.memref_slice %arg3[%add3A_569, %dma_wait3A_571] : memref<4096x8192xf32, #tpu.memory_space<hbm>> -> memref<4x8192xf32, #tpu.memory_space<hbm>>
    %dma_wait3A_573 = arith.constant 0 : i32
    %dma_wait3A_574 = arith.constant 0 : i32
    %dma_wait3A_575 = tpu.memref_slice %arg4[%arg1, %dma_wait3A_570, %dma_wait3A_573, %dma_wait3A_574] : memref<16x3x4x8192xf32, #tpu.memory_space<vmem_shared>> -> memref<1x1x4x8192xf32, #tpu.memory_space<vmem_shared>>
    %dma_wait3A_576 = tpu.memref_squeeze %dma_wait3A_575 : memref<1x1x4x8192xf32, #tpu.memory_space<vmem_shared>> -> memref<4x8192xf32, #tpu.memory_space<vmem_shared>>
    tpu.wait_dma2 semaphore(%arg10 : memref<!tpu.dma_semaphore, #tpu.memory_space<semaphore_mem>>) src(%dma_wait3A_576 : memref<4x8192xf32, #tpu.memory_space<vmem_shared>>) dst(%dma_wait3A_572 : memref<4x8192xf32, #tpu.memory_space<hbm>>)
    %add3A_577 = arith.constant 68 : i32
    %add3A_578 = arith.addi %mul3A_2, %add3A_577 : i32
    %dma_start3A_579 = arith.constant 2 : i32
    %dma_start3A_580 = arith.constant 0 : i32
    %dma_start3A_581 = arith.constant 0 : i32
    %dma_start3A_582 = tpu.memref_slice %arg4[%arg1, %dma_start3A_579, %dma_start3A_580, %dma_start3A_581] : memref<16x3x4x8192xf32, #tpu.memory_space<vmem_shared>> -> memref<1x1x4x8192xf32, #tpu.memory_space<vmem_shared>>
    %dma_start3A_583 = tpu.memref_squeeze %dma_start3A_582 : memref<1x1x4x8192xf32, #tpu.memory_space<vmem_shared>> -> memref<4x8192xf32, #tpu.memory_space<vmem_shared>>
    %dma_start3A_584 = arith.constant 0 : i32
    %dma_start3A_585 = tpu.memref_slice %arg2[%add3A_578, %dma_start3A_584] : memref<4096x8192xf32, #tpu.memory_space<hbm>> -> memref<4x8192xf32, #tpu.memory_space<hbm>>
    tpu.enqueue_dma source(%dma_start3A_585 : memref<4x8192xf32, #tpu.memory_space<hbm>>) target(%dma_start3A_583 : memref<4x8192xf32, #tpu.memory_space<vmem_shared>>) target_semaphore(%arg7 : memref<!tpu.dma_semaphore, #tpu.memory_space<semaphore_mem>>)
    %add3A_586 = arith.constant 64 : i32
    %add3A_587 = arith.addi %mul3A_2, %add3A_586 : i32
    %dma_wait3A_588 = arith.constant 1 : i32
    %dma_wait3A_589 = arith.constant 0 : i32
    %dma_wait3A_590 = arith.constant 0 : i32
    %dma_wait3A_591 = tpu.memref_slice %arg4[%arg1, %dma_wait3A_588, %dma_wait3A_589, %dma_wait3A_590] : memref<16x3x4x8192xf32, #tpu.memory_space<vmem_shared>> -> memref<1x1x4x8192xf32, #tpu.memory_space<vmem_shared>>
    %dma_wait3A_592 = tpu.memref_squeeze %dma_wait3A_591 : memref<1x1x4x8192xf32, #tpu.memory_space<vmem_shared>> -> memref<4x8192xf32, #tpu.memory_space<vmem_shared>>
    %dma_wait3A_593 = arith.constant 0 : i32
    %dma_wait3A_594 = tpu.memref_slice %arg2[%add3A_587, %dma_wait3A_593] : memref<4096x8192xf32, #tpu.memory_space<hbm>> -> memref<4x8192xf32, #tpu.memory_space<hbm>>
    tpu.wait_dma2 semaphore(%arg6 : memref<!tpu.dma_semaphore, #tpu.memory_space<semaphore_mem>>) src(%dma_wait3A_594 : memref<4x8192xf32, #tpu.memory_space<hbm>>) dst(%dma_wait3A_592 : memref<4x8192xf32, #tpu.memory_space<vmem_shared>>)
    %add3A_595 = arith.constant 64 : i32
    %add3A_596 = arith.addi %mul3A_2, %add3A_595 : i32
    %dma_start3A_597 = arith.constant 1 : i32
    %dma_start3A_598 = arith.constant 0 : i32
    %dma_start3A_599 = tpu.memref_slice %arg3[%add3A_596, %dma_start3A_598] : memref<4096x8192xf32, #tpu.memory_space<hbm>> -> memref<4x8192xf32, #tpu.memory_space<hbm>>
    %dma_start3A_600 = arith.constant 0 : i32
    %dma_start3A_601 = arith.constant 0 : i32
    %dma_start3A_602 = tpu.memref_slice %arg4[%arg1, %dma_start3A_597, %dma_start3A_600, %dma_start3A_601] : memref<16x3x4x8192xf32, #tpu.memory_space<vmem_shared>> -> memref<1x1x4x8192xf32, #tpu.memory_space<vmem_shared>>
    %dma_start3A_603 = tpu.memref_squeeze %dma_start3A_602 : memref<1x1x4x8192xf32, #tpu.memory_space<vmem_shared>> -> memref<4x8192xf32, #tpu.memory_space<vmem_shared>>
    tpu.enqueue_dma source(%dma_start3A_603 : memref<4x8192xf32, #tpu.memory_space<vmem_shared>>) target(%dma_start3A_599 : memref<4x8192xf32, #tpu.memory_space<hbm>>) target_semaphore(%arg9 : memref<!tpu.dma_semaphore, #tpu.memory_space<semaphore_mem>>)
    %add3A_604 = arith.constant 60 : i32
    %add3A_605 = arith.addi %mul3A_2, %add3A_604 : i32
    %dma_wait3A_606 = arith.constant 0 : i32
    %dma_wait3A_607 = arith.constant 0 : i32
    %dma_wait3A_608 = tpu.memref_slice %arg3[%add3A_605, %dma_wait3A_607] : memref<4096x8192xf32, #tpu.memory_space<hbm>> -> memref<4x8192xf32, #tpu.memory_space<hbm>>
    %dma_wait3A_609 = arith.constant 0 : i32
    %dma_wait3A_610 = arith.constant 0 : i32
    %dma_wait3A_611 = tpu.memref_slice %arg4[%arg1, %dma_wait3A_606, %dma_wait3A_609, %dma_wait3A_610] : memref<16x3x4x8192xf32, #tpu.memory_space<vmem_shared>> -> memref<1x1x4x8192xf32, #tpu.memory_space<vmem_shared>>
    %dma_wait3A_612 = tpu.memref_squeeze %dma_wait3A_611 : memref<1x1x4x8192xf32, #tpu.memory_space<vmem_shared>> -> memref<4x8192xf32, #tpu.memory_space<vmem_shared>>
    tpu.wait_dma2 semaphore(%arg8 : memref<!tpu.dma_semaphore, #tpu.memory_space<semaphore_mem>>) src(%dma_wait3A_612 : memref<4x8192xf32, #tpu.memory_space<vmem_shared>>) dst(%dma_wait3A_608 : memref<4x8192xf32, #tpu.memory_space<hbm>>)
    %add3A_613 = arith.constant 72 : i32
    %add3A_614 = arith.addi %mul3A_2, %add3A_613 : i32
    %dma_start3A_615 = arith.constant 0 : i32
    %dma_start3A_616 = arith.constant 0 : i32
    %dma_start3A_617 = arith.constant 0 : i32
    %dma_start3A_618 = tpu.memref_slice %arg4[%arg1, %dma_start3A_615, %dma_start3A_616, %dma_start3A_617] : memref<16x3x4x8192xf32, #tpu.memory_space<vmem_shared>> -> memref<1x1x4x8192xf32, #tpu.memory_space<vmem_shared>>
    %dma_start3A_619 = tpu.memref_squeeze %dma_start3A_618 : memref<1x1x4x8192xf32, #tpu.memory_space<vmem_shared>> -> memref<4x8192xf32, #tpu.memory_space<vmem_shared>>
    %dma_start3A_620 = arith.constant 0 : i32
    %dma_start3A_621 = tpu.memref_slice %arg2[%add3A_614, %dma_start3A_620] : memref<4096x8192xf32, #tpu.memory_space<hbm>> -> memref<4x8192xf32, #tpu.memory_space<hbm>>
    tpu.enqueue_dma source(%dma_start3A_621 : memref<4x8192xf32, #tpu.memory_space<hbm>>) target(%dma_start3A_619 : memref<4x8192xf32, #tpu.memory_space<vmem_shared>>) target_semaphore(%arg5 : memref<!tpu.dma_semaphore, #tpu.memory_space<semaphore_mem>>)
    %add3A_622 = arith.constant 68 : i32
    %add3A_623 = arith.addi %mul3A_2, %add3A_622 : i32
    %dma_wait3A_624 = arith.constant 2 : i32
    %dma_wait3A_625 = arith.constant 0 : i32
    %dma_wait3A_626 = arith.constant 0 : i32
    %dma_wait3A_627 = tpu.memref_slice %arg4[%arg1, %dma_wait3A_624, %dma_wait3A_625, %dma_wait3A_626] : memref<16x3x4x8192xf32, #tpu.memory_space<vmem_shared>> -> memref<1x1x4x8192xf32, #tpu.memory_space<vmem_shared>>
    %dma_wait3A_628 = tpu.memref_squeeze %dma_wait3A_627 : memref<1x1x4x8192xf32, #tpu.memory_space<vmem_shared>> -> memref<4x8192xf32, #tpu.memory_space<vmem_shared>>
    %dma_wait3A_629 = arith.constant 0 : i32
    %dma_wait3A_630 = tpu.memref_slice %arg2[%add3A_623, %dma_wait3A_629] : memref<4096x8192xf32, #tpu.memory_space<hbm>> -> memref<4x8192xf32, #tpu.memory_space<hbm>>
    tpu.wait_dma2 semaphore(%arg7 : memref<!tpu.dma_semaphore, #tpu.memory_space<semaphore_mem>>) src(%dma_wait3A_630 : memref<4x8192xf32, #tpu.memory_space<hbm>>) dst(%dma_wait3A_628 : memref<4x8192xf32, #tpu.memory_space<vmem_shared>>)
    %add3A_631 = arith.constant 68 : i32
    %add3A_632 = arith.addi %mul3A_2, %add3A_631 : i32
    %dma_start3A_633 = arith.constant 2 : i32
    %dma_start3A_634 = arith.constant 0 : i32
    %dma_start3A_635 = tpu.memref_slice %arg3[%add3A_632, %dma_start3A_634] : memref<4096x8192xf32, #tpu.memory_space<hbm>> -> memref<4x8192xf32, #tpu.memory_space<hbm>>
    %dma_start3A_636 = arith.constant 0 : i32
    %dma_start3A_637 = arith.constant 0 : i32
    %dma_start3A_638 = tpu.memref_slice %arg4[%arg1, %dma_start3A_633, %dma_start3A_636, %dma_start3A_637] : memref<16x3x4x8192xf32, #tpu.memory_space<vmem_shared>> -> memref<1x1x4x8192xf32, #tpu.memory_space<vmem_shared>>
    %dma_start3A_639 = tpu.memref_squeeze %dma_start3A_638 : memref<1x1x4x8192xf32, #tpu.memory_space<vmem_shared>> -> memref<4x8192xf32, #tpu.memory_space<vmem_shared>>
    tpu.enqueue_dma source(%dma_start3A_639 : memref<4x8192xf32, #tpu.memory_space<vmem_shared>>) target(%dma_start3A_635 : memref<4x8192xf32, #tpu.memory_space<hbm>>) target_semaphore(%arg10 : memref<!tpu.dma_semaphore, #tpu.memory_space<semaphore_mem>>)
    %add3A_640 = arith.constant 64 : i32
    %add3A_641 = arith.addi %mul3A_2, %add3A_640 : i32
    %dma_wait3A_642 = arith.constant 1 : i32
    %dma_wait3A_643 = arith.constant 0 : i32
    %dma_wait3A_644 = tpu.memref_slice %arg3[%add3A_641, %dma_wait3A_643] : memref<4096x8192xf32, #tpu.memory_space<hbm>> -> memref<4x8192xf32, #tpu.memory_space<hbm>>
    %dma_wait3A_645 = arith.constant 0 : i32
    %dma_wait3A_646 = arith.constant 0 : i32
    %dma_wait3A_647 = tpu.memref_slice %arg4[%arg1, %dma_wait3A_642, %dma_wait3A_645, %dma_wait3A_646] : memref<16x3x4x8192xf32, #tpu.memory_space<vmem_shared>> -> memref<1x1x4x8192xf32, #tpu.memory_space<vmem_shared>>
    %dma_wait3A_648 = tpu.memref_squeeze %dma_wait3A_647 : memref<1x1x4x8192xf32, #tpu.memory_space<vmem_shared>> -> memref<4x8192xf32, #tpu.memory_space<vmem_shared>>
    tpu.wait_dma2 semaphore(%arg9 : memref<!tpu.dma_semaphore, #tpu.memory_space<semaphore_mem>>) src(%dma_wait3A_648 : memref<4x8192xf32, #tpu.memory_space<vmem_shared>>) dst(%dma_wait3A_644 : memref<4x8192xf32, #tpu.memory_space<hbm>>)
    %add3A_649 = arith.constant 76 : i32
    %add3A_650 = arith.addi %mul3A_2, %add3A_649 : i32
    %dma_start3A_651 = arith.constant 1 : i32
    %dma_start3A_652 = arith.constant 0 : i32
    %dma_start3A_653 = arith.constant 0 : i32
    %dma_start3A_654 = tpu.memref_slice %arg4[%arg1, %dma_start3A_651, %dma_start3A_652, %dma_start3A_653] : memref<16x3x4x8192xf32, #tpu.memory_space<vmem_shared>> -> memref<1x1x4x8192xf32, #tpu.memory_space<vmem_shared>>
    %dma_start3A_655 = tpu.memref_squeeze %dma_start3A_654 : memref<1x1x4x8192xf32, #tpu.memory_space<vmem_shared>> -> memref<4x8192xf32, #tpu.memory_space<vmem_shared>>
    %dma_start3A_656 = arith.constant 0 : i32
    %dma_start3A_657 = tpu.memref_slice %arg2[%add3A_650, %dma_start3A_656] : memref<4096x8192xf32, #tpu.memory_space<hbm>> -> memref<4x8192xf32, #tpu.memory_space<hbm>>
    tpu.enqueue_dma source(%dma_start3A_657 : memref<4x8192xf32, #tpu.memory_space<hbm>>) target(%dma_start3A_655 : memref<4x8192xf32, #tpu.memory_space<vmem_shared>>) target_semaphore(%arg6 : memref<!tpu.dma_semaphore, #tpu.memory_space<semaphore_mem>>)
    %add3A_658 = arith.constant 72 : i32
    %add3A_659 = arith.addi %mul3A_2, %add3A_658 : i32
    %dma_wait3A_660 = arith.constant 0 : i32
    %dma_wait3A_661 = arith.constant 0 : i32
    %dma_wait3A_662 = arith.constant 0 : i32
    %dma_wait3A_663 = tpu.memref_slice %arg4[%arg1, %dma_wait3A_660, %dma_wait3A_661, %dma_wait3A_662] : memref<16x3x4x8192xf32, #tpu.memory_space<vmem_shared>> -> memref<1x1x4x8192xf32, #tpu.memory_space<vmem_shared>>
    %dma_wait3A_664 = tpu.memref_squeeze %dma_wait3A_663 : memref<1x1x4x8192xf32, #tpu.memory_space<vmem_shared>> -> memref<4x8192xf32, #tpu.memory_space<vmem_shared>>
    %dma_wait3A_665 = arith.constant 0 : i32
    %dma_wait3A_666 = tpu.memref_slice %arg2[%add3A_659, %dma_wait3A_665] : memref<4096x8192xf32, #tpu.memory_space<hbm>> -> memref<4x8192xf32, #tpu.memory_space<hbm>>
    tpu.wait_dma2 semaphore(%arg5 : memref<!tpu.dma_semaphore, #tpu.memory_space<semaphore_mem>>) src(%dma_wait3A_666 : memref<4x8192xf32, #tpu.memory_space<hbm>>) dst(%dma_wait3A_664 : memref<4x8192xf32, #tpu.memory_space<vmem_shared>>)
    %add3A_667 = arith.constant 72 : i32
    %add3A_668 = arith.addi %mul3A_2, %add3A_667 : i32
    %dma_start3A_669 = arith.constant 0 : i32
    %dma_start3A_670 = arith.constant 0 : i32
    %dma_start3A_671 = tpu.memref_slice %arg3[%add3A_668, %dma_start3A_670] : memref<4096x8192xf32, #tpu.memory_space<hbm>> -> memref<4x8192xf32, #tpu.memory_space<hbm>>
    %dma_start3A_672 = arith.constant 0 : i32
    %dma_start3A_673 = arith.constant 0 : i32
    %dma_start3A_674 = tpu.memref_slice %arg4[%arg1, %dma_start3A_669, %dma_start3A_672, %dma_start3A_673] : memref<16x3x4x8192xf32, #tpu.memory_space<vmem_shared>> -> memref<1x1x4x8192xf32, #tpu.memory_space<vmem_shared>>
    %dma_start3A_675 = tpu.memref_squeeze %dma_start3A_674 : memref<1x1x4x8192xf32, #tpu.memory_space<vmem_shared>> -> memref<4x8192xf32, #tpu.memory_space<vmem_shared>>
    tpu.enqueue_dma source(%dma_start3A_675 : memref<4x8192xf32, #tpu.memory_space<vmem_shared>>) target(%dma_start3A_671 : memref<4x8192xf32, #tpu.memory_space<hbm>>) target_semaphore(%arg8 : memref<!tpu.dma_semaphore, #tpu.memory_space<semaphore_mem>>)
    %add3A_676 = arith.constant 68 : i32
    %add3A_677 = arith.addi %mul3A_2, %add3A_676 : i32
    %dma_wait3A_678 = arith.constant 2 : i32
    %dma_wait3A_679 = arith.constant 0 : i32
    %dma_wait3A_680 = tpu.memref_slice %arg3[%add3A_677, %dma_wait3A_679] : memref<4096x8192xf32, #tpu.memory_space<hbm>> -> memref<4x8192xf32, #tpu.memory_space<hbm>>
    %dma_wait3A_681 = arith.constant 0 : i32
    %dma_wait3A_682 = arith.constant 0 : i32
    %dma_wait3A_683 = tpu.memref_slice %arg4[%arg1, %dma_wait3A_678, %dma_wait3A_681, %dma_wait3A_682] : memref<16x3x4x8192xf32, #tpu.memory_space<vmem_shared>> -> memref<1x1x4x8192xf32, #tpu.memory_space<vmem_shared>>
    %dma_wait3A_684 = tpu.memref_squeeze %dma_wait3A_683 : memref<1x1x4x8192xf32, #tpu.memory_space<vmem_shared>> -> memref<4x8192xf32, #tpu.memory_space<vmem_shared>>
    tpu.wait_dma2 semaphore(%arg10 : memref<!tpu.dma_semaphore, #tpu.memory_space<semaphore_mem>>) src(%dma_wait3A_684 : memref<4x8192xf32, #tpu.memory_space<vmem_shared>>) dst(%dma_wait3A_680 : memref<4x8192xf32, #tpu.memory_space<hbm>>)
    %add3A_685 = arith.constant 80 : i32
    %add3A_686 = arith.addi %mul3A_2, %add3A_685 : i32
    %dma_start3A_687 = arith.constant 2 : i32
    %dma_start3A_688 = arith.constant 0 : i32
    %dma_start3A_689 = arith.constant 0 : i32
    %dma_start3A_690 = tpu.memref_slice %arg4[%arg1, %dma_start3A_687, %dma_start3A_688, %dma_start3A_689] : memref<16x3x4x8192xf32, #tpu.memory_space<vmem_shared>> -> memref<1x1x4x8192xf32, #tpu.memory_space<vmem_shared>>
    %dma_start3A_691 = tpu.memref_squeeze %dma_start3A_690 : memref<1x1x4x8192xf32, #tpu.memory_space<vmem_shared>> -> memref<4x8192xf32, #tpu.memory_space<vmem_shared>>
    %dma_start3A_692 = arith.constant 0 : i32
    %dma_start3A_693 = tpu.memref_slice %arg2[%add3A_686, %dma_start3A_692] : memref<4096x8192xf32, #tpu.memory_space<hbm>> -> memref<4x8192xf32, #tpu.memory_space<hbm>>
    tpu.enqueue_dma source(%dma_start3A_693 : memref<4x8192xf32, #tpu.memory_space<hbm>>) target(%dma_start3A_691 : memref<4x8192xf32, #tpu.memory_space<vmem_shared>>) target_semaphore(%arg7 : memref<!tpu.dma_semaphore, #tpu.memory_space<semaphore_mem>>)
    %add3A_694 = arith.constant 76 : i32
    %add3A_695 = arith.addi %mul3A_2, %add3A_694 : i32
    %dma_wait3A_696 = arith.constant 1 : i32
    %dma_wait3A_697 = arith.constant 0 : i32
    %dma_wait3A_698 = arith.constant 0 : i32
    %dma_wait3A_699 = tpu.memref_slice %arg4[%arg1, %dma_wait3A_696, %dma_wait3A_697, %dma_wait3A_698] : memref<16x3x4x8192xf32, #tpu.memory_space<vmem_shared>> -> memref<1x1x4x8192xf32, #tpu.memory_space<vmem_shared>>
    %dma_wait3A_700 = tpu.memref_squeeze %dma_wait3A_699 : memref<1x1x4x8192xf32, #tpu.memory_space<vmem_shared>> -> memref<4x8192xf32, #tpu.memory_space<vmem_shared>>
    %dma_wait3A_701 = arith.constant 0 : i32
    %dma_wait3A_702 = tpu.memref_slice %arg2[%add3A_695, %dma_wait3A_701] : memref<4096x8192xf32, #tpu.memory_space<hbm>> -> memref<4x8192xf32, #tpu.memory_space<hbm>>
    tpu.wait_dma2 semaphore(%arg6 : memref<!tpu.dma_semaphore, #tpu.memory_space<semaphore_mem>>) src(%dma_wait3A_702 : memref<4x8192xf32, #tpu.memory_space<hbm>>) dst(%dma_wait3A_700 : memref<4x8192xf32, #tpu.memory_space<vmem_shared>>)
    %add3A_703 = arith.constant 76 : i32
    %add3A_704 = arith.addi %mul3A_2, %add3A_703 : i32
    %dma_start3A_705 = arith.constant 1 : i32
    %dma_start3A_706 = arith.constant 0 : i32
    %dma_start3A_707 = tpu.memref_slice %arg3[%add3A_704, %dma_start3A_706] : memref<4096x8192xf32, #tpu.memory_space<hbm>> -> memref<4x8192xf32, #tpu.memory_space<hbm>>
    %dma_start3A_708 = arith.constant 0 : i32
    %dma_start3A_709 = arith.constant 0 : i32
    %dma_start3A_710 = tpu.memref_slice %arg4[%arg1, %dma_start3A_705, %dma_start3A_708, %dma_start3A_709] : memref<16x3x4x8192xf32, #tpu.memory_space<vmem_shared>> -> memref<1x1x4x8192xf32, #tpu.memory_space<vmem_shared>>
    %dma_start3A_711 = tpu.memref_squeeze %dma_start3A_710 : memref<1x1x4x8192xf32, #tpu.memory_space<vmem_shared>> -> memref<4x8192xf32, #tpu.memory_space<vmem_shared>>
    tpu.enqueue_dma source(%dma_start3A_711 : memref<4x8192xf32, #tpu.memory_space<vmem_shared>>) target(%dma_start3A_707 : memref<4x8192xf32, #tpu.memory_space<hbm>>) target_semaphore(%arg9 : memref<!tpu.dma_semaphore, #tpu.memory_space<semaphore_mem>>)
    %add3A_712 = arith.constant 72 : i32
    %add3A_713 = arith.addi %mul3A_2, %add3A_712 : i32
    %dma_wait3A_714 = arith.constant 0 : i32
    %dma_wait3A_715 = arith.constant 0 : i32
    %dma_wait3A_716 = tpu.memref_slice %arg3[%add3A_713, %dma_wait3A_715] : memref<4096x8192xf32, #tpu.memory_space<hbm>> -> memref<4x8192xf32, #tpu.memory_space<hbm>>
    %dma_wait3A_717 = arith.constant 0 : i32
    %dma_wait3A_718 = arith.constant 0 : i32
    %dma_wait3A_719 = tpu.memref_slice %arg4[%arg1, %dma_wait3A_714, %dma_wait3A_717, %dma_wait3A_718] : memref<16x3x4x8192xf32, #tpu.memory_space<vmem_shared>> -> memref<1x1x4x8192xf32, #tpu.memory_space<vmem_shared>>
    %dma_wait3A_720 = tpu.memref_squeeze %dma_wait3A_719 : memref<1x1x4x8192xf32, #tpu.memory_space<vmem_shared>> -> memref<4x8192xf32, #tpu.memory_space<vmem_shared>>
    tpu.wait_dma2 semaphore(%arg8 : memref<!tpu.dma_semaphore, #tpu.memory_space<semaphore_mem>>) src(%dma_wait3A_720 : memref<4x8192xf32, #tpu.memory_space<vmem_shared>>) dst(%dma_wait3A_716 : memref<4x8192xf32, #tpu.memory_space<hbm>>)
    %add3A_721 = arith.constant 84 : i32
    %add3A_722 = arith.addi %mul3A_2, %add3A_721 : i32
    %dma_start3A_723 = arith.constant 0 : i32
    %dma_start3A_724 = arith.constant 0 : i32
    %dma_start3A_725 = arith.constant 0 : i32
    %dma_start3A_726 = tpu.memref_slice %arg4[%arg1, %dma_start3A_723, %dma_start3A_724, %dma_start3A_725] : memref<16x3x4x8192xf32, #tpu.memory_space<vmem_shared>> -> memref<1x1x4x8192xf32, #tpu.memory_space<vmem_shared>>
    %dma_start3A_727 = tpu.memref_squeeze %dma_start3A_726 : memref<1x1x4x8192xf32, #tpu.memory_space<vmem_shared>> -> memref<4x8192xf32, #tpu.memory_space<vmem_shared>>
    %dma_start3A_728 = arith.constant 0 : i32
    %dma_start3A_729 = tpu.memref_slice %arg2[%add3A_722, %dma_start3A_728] : memref<4096x8192xf32, #tpu.memory_space<hbm>> -> memref<4x8192xf32, #tpu.memory_space<hbm>>
    tpu.enqueue_dma source(%dma_start3A_729 : memref<4x8192xf32, #tpu.memory_space<hbm>>) target(%dma_start3A_727 : memref<4x8192xf32, #tpu.memory_space<vmem_shared>>) target_semaphore(%arg5 : memref<!tpu.dma_semaphore, #tpu.memory_space<semaphore_mem>>)
    %add3A_730 = arith.constant 80 : i32
    %add3A_731 = arith.addi %mul3A_2, %add3A_730 : i32
    %dma_wait3A_732 = arith.constant 2 : i32
    %dma_wait3A_733 = arith.constant 0 : i32
    %dma_wait3A_734 = arith.constant 0 : i32
    %dma_wait3A_735 = tpu.memref_slice %arg4[%arg1, %dma_wait3A_732, %dma_wait3A_733, %dma_wait3A_734] : memref<16x3x4x8192xf32, #tpu.memory_space<vmem_shared>> -> memref<1x1x4x8192xf32, #tpu.memory_space<vmem_shared>>
    %dma_wait3A_736 = tpu.memref_squeeze %dma_wait3A_735 : memref<1x1x4x8192xf32, #tpu.memory_space<vmem_shared>> -> memref<4x8192xf32, #tpu.memory_space<vmem_shared>>
    %dma_wait3A_737 = arith.constant 0 : i32
    %dma_wait3A_738 = tpu.memref_slice %arg2[%add3A_731, %dma_wait3A_737] : memref<4096x8192xf32, #tpu.memory_space<hbm>> -> memref<4x8192xf32, #tpu.memory_space<hbm>>
    tpu.wait_dma2 semaphore(%arg7 : memref<!tpu.dma_semaphore, #tpu.memory_space<semaphore_mem>>) src(%dma_wait3A_738 : memref<4x8192xf32, #tpu.memory_space<hbm>>) dst(%dma_wait3A_736 : memref<4x8192xf32, #tpu.memory_space<vmem_shared>>)
    %add3A_739 = arith.constant 80 : i32
    %add3A_740 = arith.addi %mul3A_2, %add3A_739 : i32
    %dma_start3A_741 = arith.constant 2 : i32
    %dma_start3A_742 = arith.constant 0 : i32
    %dma_start3A_743 = tpu.memref_slice %arg3[%add3A_740, %dma_start3A_742] : memref<4096x8192xf32, #tpu.memory_space<hbm>> -> memref<4x8192xf32, #tpu.memory_space<hbm>>
    %dma_start3A_744 = arith.constant 0 : i32
    %dma_start3A_745 = arith.constant 0 : i32
    %dma_start3A_746 = tpu.memref_slice %arg4[%arg1, %dma_start3A_741, %dma_start3A_744, %dma_start3A_745] : memref<16x3x4x8192xf32, #tpu.memory_space<vmem_shared>> -> memref<1x1x4x8192xf32, #tpu.memory_space<vmem_shared>>
    %dma_start3A_747 = tpu.memref_squeeze %dma_start3A_746 : memref<1x1x4x8192xf32, #tpu.memory_space<vmem_shared>> -> memref<4x8192xf32, #tpu.memory_space<vmem_shared>>
    tpu.enqueue_dma source(%dma_start3A_747 : memref<4x8192xf32, #tpu.memory_space<vmem_shared>>) target(%dma_start3A_743 : memref<4x8192xf32, #tpu.memory_space<hbm>>) target_semaphore(%arg10 : memref<!tpu.dma_semaphore, #tpu.memory_space<semaphore_mem>>)
    %add3A_748 = arith.constant 76 : i32
    %add3A_749 = arith.addi %mul3A_2, %add3A_748 : i32
    %dma_wait3A_750 = arith.constant 1 : i32
    %dma_wait3A_751 = arith.constant 0 : i32
    %dma_wait3A_752 = tpu.memref_slice %arg3[%add3A_749, %dma_wait3A_751] : memref<4096x8192xf32, #tpu.memory_space<hbm>> -> memref<4x8192xf32, #tpu.memory_space<hbm>>
    %dma_wait3A_753 = arith.constant 0 : i32
    %dma_wait3A_754 = arith.constant 0 : i32
    %dma_wait3A_755 = tpu.memref_slice %arg4[%arg1, %dma_wait3A_750, %dma_wait3A_753, %dma_wait3A_754] : memref<16x3x4x8192xf32, #tpu.memory_space<vmem_shared>> -> memref<1x1x4x8192xf32, #tpu.memory_space<vmem_shared>>
    %dma_wait3A_756 = tpu.memref_squeeze %dma_wait3A_755 : memref<1x1x4x8192xf32, #tpu.memory_space<vmem_shared>> -> memref<4x8192xf32, #tpu.memory_space<vmem_shared>>
    tpu.wait_dma2 semaphore(%arg9 : memref<!tpu.dma_semaphore, #tpu.memory_space<semaphore_mem>>) src(%dma_wait3A_756 : memref<4x8192xf32, #tpu.memory_space<vmem_shared>>) dst(%dma_wait3A_752 : memref<4x8192xf32, #tpu.memory_space<hbm>>)
    %add3A_757 = arith.constant 88 : i32
    %add3A_758 = arith.addi %mul3A_2, %add3A_757 : i32
    %dma_start3A_759 = arith.constant 1 : i32
    %dma_start3A_760 = arith.constant 0 : i32
    %dma_start3A_761 = arith.constant 0 : i32
    %dma_start3A_762 = tpu.memref_slice %arg4[%arg1, %dma_start3A_759, %dma_start3A_760, %dma_start3A_761] : memref<16x3x4x8192xf32, #tpu.memory_space<vmem_shared>> -> memref<1x1x4x8192xf32, #tpu.memory_space<vmem_shared>>
    %dma_start3A_763 = tpu.memref_squeeze %dma_start3A_762 : memref<1x1x4x8192xf32, #tpu.memory_space<vmem_shared>> -> memref<4x8192xf32, #tpu.memory_space<vmem_shared>>
    %dma_start3A_764 = arith.constant 0 : i32
    %dma_start3A_765 = tpu.memref_slice %arg2[%add3A_758, %dma_start3A_764] : memref<4096x8192xf32, #tpu.memory_space<hbm>> -> memref<4x8192xf32, #tpu.memory_space<hbm>>
    tpu.enqueue_dma source(%dma_start3A_765 : memref<4x8192xf32, #tpu.memory_space<hbm>>) target(%dma_start3A_763 : memref<4x8192xf32, #tpu.memory_space<vmem_shared>>) target_semaphore(%arg6 : memref<!tpu.dma_semaphore, #tpu.memory_space<semaphore_mem>>)
    %add3A_766 = arith.constant 84 : i32
    %add3A_767 = arith.addi %mul3A_2, %add3A_766 : i32
    %dma_wait3A_768 = arith.constant 0 : i32
    %dma_wait3A_769 = arith.constant 0 : i32
    %dma_wait3A_770 = arith.constant 0 : i32
    %dma_wait3A_771 = tpu.memref_slice %arg4[%arg1, %dma_wait3A_768, %dma_wait3A_769, %dma_wait3A_770] : memref<16x3x4x8192xf32, #tpu.memory_space<vmem_shared>> -> memref<1x1x4x8192xf32, #tpu.memory_space<vmem_shared>>
    %dma_wait3A_772 = tpu.memref_squeeze %dma_wait3A_771 : memref<1x1x4x8192xf32, #tpu.memory_space<vmem_shared>> -> memref<4x8192xf32, #tpu.memory_space<vmem_shared>>
    %dma_wait3A_773 = arith.constant 0 : i32
    %dma_wait3A_774 = tpu.memref_slice %arg2[%add3A_767, %dma_wait3A_773] : memref<4096x8192xf32, #tpu.memory_space<hbm>> -> memref<4x8192xf32, #tpu.memory_space<hbm>>
    tpu.wait_dma2 semaphore(%arg5 : memref<!tpu.dma_semaphore, #tpu.memory_space<semaphore_mem>>) src(%dma_wait3A_774 : memref<4x8192xf32, #tpu.memory_space<hbm>>) dst(%dma_wait3A_772 : memref<4x8192xf32, #tpu.memory_space<vmem_shared>>)
    %add3A_775 = arith.constant 84 : i32
    %add3A_776 = arith.addi %mul3A_2, %add3A_775 : i32
    %dma_start3A_777 = arith.constant 0 : i32
    %dma_start3A_778 = arith.constant 0 : i32
    %dma_start3A_779 = tpu.memref_slice %arg3[%add3A_776, %dma_start3A_778] : memref<4096x8192xf32, #tpu.memory_space<hbm>> -> memref<4x8192xf32, #tpu.memory_space<hbm>>
    %dma_start3A_780 = arith.constant 0 : i32
    %dma_start3A_781 = arith.constant 0 : i32
    %dma_start3A_782 = tpu.memref_slice %arg4[%arg1, %dma_start3A_777, %dma_start3A_780, %dma_start3A_781] : memref<16x3x4x8192xf32, #tpu.memory_space<vmem_shared>> -> memref<1x1x4x8192xf32, #tpu.memory_space<vmem_shared>>
    %dma_start3A_783 = tpu.memref_squeeze %dma_start3A_782 : memref<1x1x4x8192xf32, #tpu.memory_space<vmem_shared>> -> memref<4x8192xf32, #tpu.memory_space<vmem_shared>>
    tpu.enqueue_dma source(%dma_start3A_783 : memref<4x8192xf32, #tpu.memory_space<vmem_shared>>) target(%dma_start3A_779 : memref<4x8192xf32, #tpu.memory_space<hbm>>) target_semaphore(%arg8 : memref<!tpu.dma_semaphore, #tpu.memory_space<semaphore_mem>>)
    %add3A_784 = arith.constant 80 : i32
    %add3A_785 = arith.addi %mul3A_2, %add3A_784 : i32
    %dma_wait3A_786 = arith.constant 2 : i32
    %dma_wait3A_787 = arith.constant 0 : i32
    %dma_wait3A_788 = tpu.memref_slice %arg3[%add3A_785, %dma_wait3A_787] : memref<4096x8192xf32, #tpu.memory_space<hbm>> -> memref<4x8192xf32, #tpu.memory_space<hbm>>
    %dma_wait3A_789 = arith.constant 0 : i32
    %dma_wait3A_790 = arith.constant 0 : i32
    %dma_wait3A_791 = tpu.memref_slice %arg4[%arg1, %dma_wait3A_786, %dma_wait3A_789, %dma_wait3A_790] : memref<16x3x4x8192xf32, #tpu.memory_space<vmem_shared>> -> memref<1x1x4x8192xf32, #tpu.memory_space<vmem_shared>>
    %dma_wait3A_792 = tpu.memref_squeeze %dma_wait3A_791 : memref<1x1x4x8192xf32, #tpu.memory_space<vmem_shared>> -> memref<4x8192xf32, #tpu.memory_space<vmem_shared>>
    tpu.wait_dma2 semaphore(%arg10 : memref<!tpu.dma_semaphore, #tpu.memory_space<semaphore_mem>>) src(%dma_wait3A_792 : memref<4x8192xf32, #tpu.memory_space<vmem_shared>>) dst(%dma_wait3A_788 : memref<4x8192xf32, #tpu.memory_space<hbm>>)
    %add3A_793 = arith.constant 92 : i32
    %add3A_794 = arith.addi %mul3A_2, %add3A_793 : i32
    %dma_start3A_795 = arith.constant 2 : i32
    %dma_start3A_796 = arith.constant 0 : i32
    %dma_start3A_797 = arith.constant 0 : i32
    %dma_start3A_798 = tpu.memref_slice %arg4[%arg1, %dma_start3A_795, %dma_start3A_796, %dma_start3A_797] : memref<16x3x4x8192xf32, #tpu.memory_space<vmem_shared>> -> memref<1x1x4x8192xf32, #tpu.memory_space<vmem_shared>>
    %dma_start3A_799 = tpu.memref_squeeze %dma_start3A_798 : memref<1x1x4x8192xf32, #tpu.memory_space<vmem_shared>> -> memref<4x8192xf32, #tpu.memory_space<vmem_shared>>
    %dma_start3A_800 = arith.constant 0 : i32
    %dma_start3A_801 = tpu.memref_slice %arg2[%add3A_794, %dma_start3A_800] : memref<4096x8192xf32, #tpu.memory_space<hbm>> -> memref<4x8192xf32, #tpu.memory_space<hbm>>
    tpu.enqueue_dma source(%dma_start3A_801 : memref<4x8192xf32, #tpu.memory_space<hbm>>) target(%dma_start3A_799 : memref<4x8192xf32, #tpu.memory_space<vmem_shared>>) target_semaphore(%arg7 : memref<!tpu.dma_semaphore, #tpu.memory_space<semaphore_mem>>)
    %add3A_802 = arith.constant 88 : i32
    %add3A_803 = arith.addi %mul3A_2, %add3A_802 : i32
    %dma_wait3A_804 = arith.constant 1 : i32
    %dma_wait3A_805 = arith.constant 0 : i32
    %dma_wait3A_806 = arith.constant 0 : i32
    %dma_wait3A_807 = tpu.memref_slice %arg4[%arg1, %dma_wait3A_804, %dma_wait3A_805, %dma_wait3A_806] : memref<16x3x4x8192xf32, #tpu.memory_space<vmem_shared>> -> memref<1x1x4x8192xf32, #tpu.memory_space<vmem_shared>>
    %dma_wait3A_808 = tpu.memref_squeeze %dma_wait3A_807 : memref<1x1x4x8192xf32, #tpu.memory_space<vmem_shared>> -> memref<4x8192xf32, #tpu.memory_space<vmem_shared>>
    %dma_wait3A_809 = arith.constant 0 : i32
    %dma_wait3A_810 = tpu.memref_slice %arg2[%add3A_803, %dma_wait3A_809] : memref<4096x8192xf32, #tpu.memory_space<hbm>> -> memref<4x8192xf32, #tpu.memory_space<hbm>>
    tpu.wait_dma2 semaphore(%arg6 : memref<!tpu.dma_semaphore, #tpu.memory_space<semaphore_mem>>) src(%dma_wait3A_810 : memref<4x8192xf32, #tpu.memory_space<hbm>>) dst(%dma_wait3A_808 : memref<4x8192xf32, #tpu.memory_space<vmem_shared>>)
    %add3A_811 = arith.constant 88 : i32
    %add3A_812 = arith.addi %mul3A_2, %add3A_811 : i32
    %dma_start3A_813 = arith.constant 1 : i32
    %dma_start3A_814 = arith.constant 0 : i32
    %dma_start3A_815 = tpu.memref_slice %arg3[%add3A_812, %dma_start3A_814] : memref<4096x8192xf32, #tpu.memory_space<hbm>> -> memref<4x8192xf32, #tpu.memory_space<hbm>>
    %dma_start3A_816 = arith.constant 0 : i32
    %dma_start3A_817 = arith.constant 0 : i32
    %dma_start3A_818 = tpu.memref_slice %arg4[%arg1, %dma_start3A_813, %dma_start3A_816, %dma_start3A_817] : memref<16x3x4x8192xf32, #tpu.memory_space<vmem_shared>> -> memref<1x1x4x8192xf32, #tpu.memory_space<vmem_shared>>
    %dma_start3A_819 = tpu.memref_squeeze %dma_start3A_818 : memref<1x1x4x8192xf32, #tpu.memory_space<vmem_shared>> -> memref<4x8192xf32, #tpu.memory_space<vmem_shared>>
    tpu.enqueue_dma source(%dma_start3A_819 : memref<4x8192xf32, #tpu.memory_space<vmem_shared>>) target(%dma_start3A_815 : memref<4x8192xf32, #tpu.memory_space<hbm>>) target_semaphore(%arg9 : memref<!tpu.dma_semaphore, #tpu.memory_space<semaphore_mem>>)
    %add3A_820 = arith.constant 84 : i32
    %add3A_821 = arith.addi %mul3A_2, %add3A_820 : i32
    %dma_wait3A_822 = arith.constant 0 : i32
    %dma_wait3A_823 = arith.constant 0 : i32
    %dma_wait3A_824 = tpu.memref_slice %arg3[%add3A_821, %dma_wait3A_823] : memref<4096x8192xf32, #tpu.memory_space<hbm>> -> memref<4x8192xf32, #tpu.memory_space<hbm>>
    %dma_wait3A_825 = arith.constant 0 : i32
    %dma_wait3A_826 = arith.constant 0 : i32
    %dma_wait3A_827 = tpu.memref_slice %arg4[%arg1, %dma_wait3A_822, %dma_wait3A_825, %dma_wait3A_826] : memref<16x3x4x8192xf32, #tpu.memory_space<vmem_shared>> -> memref<1x1x4x8192xf32, #tpu.memory_space<vmem_shared>>
    %dma_wait3A_828 = tpu.memref_squeeze %dma_wait3A_827 : memref<1x1x4x8192xf32, #tpu.memory_space<vmem_shared>> -> memref<4x8192xf32, #tpu.memory_space<vmem_shared>>
    tpu.wait_dma2 semaphore(%arg8 : memref<!tpu.dma_semaphore, #tpu.memory_space<semaphore_mem>>) src(%dma_wait3A_828 : memref<4x8192xf32, #tpu.memory_space<vmem_shared>>) dst(%dma_wait3A_824 : memref<4x8192xf32, #tpu.memory_space<hbm>>)
    %add3A_829 = arith.constant 96 : i32
    %add3A_830 = arith.addi %mul3A_2, %add3A_829 : i32
    %dma_start3A_831 = arith.constant 0 : i32
    %dma_start3A_832 = arith.constant 0 : i32
    %dma_start3A_833 = arith.constant 0 : i32
    %dma_start3A_834 = tpu.memref_slice %arg4[%arg1, %dma_start3A_831, %dma_start3A_832, %dma_start3A_833] : memref<16x3x4x8192xf32, #tpu.memory_space<vmem_shared>> -> memref<1x1x4x8192xf32, #tpu.memory_space<vmem_shared>>
    %dma_start3A_835 = tpu.memref_squeeze %dma_start3A_834 : memref<1x1x4x8192xf32, #tpu.memory_space<vmem_shared>> -> memref<4x8192xf32, #tpu.memory_space<vmem_shared>>
    %dma_start3A_836 = arith.constant 0 : i32
    %dma_start3A_837 = tpu.memref_slice %arg2[%add3A_830, %dma_start3A_836] : memref<4096x8192xf32, #tpu.memory_space<hbm>> -> memref<4x8192xf32, #tpu.memory_space<hbm>>
    tpu.enqueue_dma source(%dma_start3A_837 : memref<4x8192xf32, #tpu.memory_space<hbm>>) target(%dma_start3A_835 : memref<4x8192xf32, #tpu.memory_space<vmem_shared>>) target_semaphore(%arg5 : memref<!tpu.dma_semaphore, #tpu.memory_space<semaphore_mem>>)
    %add3A_838 = arith.constant 92 : i32
    %add3A_839 = arith.addi %mul3A_2, %add3A_838 : i32
    %dma_wait3A_840 = arith.constant 2 : i32
    %dma_wait3A_841 = arith.constant 0 : i32
    %dma_wait3A_842 = arith.constant 0 : i32
    %dma_wait3A_843 = tpu.memref_slice %arg4[%arg1, %dma_wait3A_840, %dma_wait3A_841, %dma_wait3A_842] : memref<16x3x4x8192xf32, #tpu.memory_space<vmem_shared>> -> memref<1x1x4x8192xf32, #tpu.memory_space<vmem_shared>>
    %dma_wait3A_844 = tpu.memref_squeeze %dma_wait3A_843 : memref<1x1x4x8192xf32, #tpu.memory_space<vmem_shared>> -> memref<4x8192xf32, #tpu.memory_space<vmem_shared>>
    %dma_wait3A_845 = arith.constant 0 : i32
    %dma_wait3A_846 = tpu.memref_slice %arg2[%add3A_839, %dma_wait3A_845] : memref<4096x8192xf32, #tpu.memory_space<hbm>> -> memref<4x8192xf32, #tpu.memory_space<hbm>>
    tpu.wait_dma2 semaphore(%arg7 : memref<!tpu.dma_semaphore, #tpu.memory_space<semaphore_mem>>) src(%dma_wait3A_846 : memref<4x8192xf32, #tpu.memory_space<hbm>>) dst(%dma_wait3A_844 : memref<4x8192xf32, #tpu.memory_space<vmem_shared>>)
    %add3A_847 = arith.constant 92 : i32
    %add3A_848 = arith.addi %mul3A_2, %add3A_847 : i32
    %dma_start3A_849 = arith.constant 2 : i32
    %dma_start3A_850 = arith.constant 0 : i32
    %dma_start3A_851 = tpu.memref_slice %arg3[%add3A_848, %dma_start3A_850] : memref<4096x8192xf32, #tpu.memory_space<hbm>> -> memref<4x8192xf32, #tpu.memory_space<hbm>>
    %dma_start3A_852 = arith.constant 0 : i32
    %dma_start3A_853 = arith.constant 0 : i32
    %dma_start3A_854 = tpu.memref_slice %arg4[%arg1, %dma_start3A_849, %dma_start3A_852, %dma_start3A_853] : memref<16x3x4x8192xf32, #tpu.memory_space<vmem_shared>> -> memref<1x1x4x8192xf32, #tpu.memory_space<vmem_shared>>
    %dma_start3A_855 = tpu.memref_squeeze %dma_start3A_854 : memref<1x1x4x8192xf32, #tpu.memory_space<vmem_shared>> -> memref<4x8192xf32, #tpu.memory_space<vmem_shared>>
    tpu.enqueue_dma source(%dma_start3A_855 : memref<4x8192xf32, #tpu.memory_space<vmem_shared>>) target(%dma_start3A_851 : memref<4x8192xf32, #tpu.memory_space<hbm>>) target_semaphore(%arg10 : memref<!tpu.dma_semaphore, #tpu.memory_space<semaphore_mem>>)
    %add3A_856 = arith.constant 88 : i32
    %add3A_857 = arith.addi %mul3A_2, %add3A_856 : i32
    %dma_wait3A_858 = arith.constant 1 : i32
    %dma_wait3A_859 = arith.constant 0 : i32
    %dma_wait3A_860 = tpu.memref_slice %arg3[%add3A_857, %dma_wait3A_859] : memref<4096x8192xf32, #tpu.memory_space<hbm>> -> memref<4x8192xf32, #tpu.memory_space<hbm>>
    %dma_wait3A_861 = arith.constant 0 : i32
    %dma_wait3A_862 = arith.constant 0 : i32
    %dma_wait3A_863 = tpu.memref_slice %arg4[%arg1, %dma_wait3A_858, %dma_wait3A_861, %dma_wait3A_862] : memref<16x3x4x8192xf32, #tpu.memory_space<vmem_shared>> -> memref<1x1x4x8192xf32, #tpu.memory_space<vmem_shared>>
    %dma_wait3A_864 = tpu.memref_squeeze %dma_wait3A_863 : memref<1x1x4x8192xf32, #tpu.memory_space<vmem_shared>> -> memref<4x8192xf32, #tpu.memory_space<vmem_shared>>
    tpu.wait_dma2 semaphore(%arg9 : memref<!tpu.dma_semaphore, #tpu.memory_space<semaphore_mem>>) src(%dma_wait3A_864 : memref<4x8192xf32, #tpu.memory_space<vmem_shared>>) dst(%dma_wait3A_860 : memref<4x8192xf32, #tpu.memory_space<hbm>>)
    %add3A_865 = arith.constant 100 : i32
    %add3A_866 = arith.addi %mul3A_2, %add3A_865 : i32
    %dma_start3A_867 = arith.constant 1 : i32
    %dma_start3A_868 = arith.constant 0 : i32
    %dma_start3A_869 = arith.constant 0 : i32
    %dma_start3A_870 = tpu.memref_slice %arg4[%arg1, %dma_start3A_867, %dma_start3A_868, %dma_start3A_869] : memref<16x3x4x8192xf32, #tpu.memory_space<vmem_shared>> -> memref<1x1x4x8192xf32, #tpu.memory_space<vmem_shared>>
    %dma_start3A_871 = tpu.memref_squeeze %dma_start3A_870 : memref<1x1x4x8192xf32, #tpu.memory_space<vmem_shared>> -> memref<4x8192xf32, #tpu.memory_space<vmem_shared>>
    %dma_start3A_872 = arith.constant 0 : i32
    %dma_start3A_873 = tpu.memref_slice %arg2[%add3A_866, %dma_start3A_872] : memref<4096x8192xf32, #tpu.memory_space<hbm>> -> memref<4x8192xf32, #tpu.memory_space<hbm>>
    tpu.enqueue_dma source(%dma_start3A_873 : memref<4x8192xf32, #tpu.memory_space<hbm>>) target(%dma_start3A_871 : memref<4x8192xf32, #tpu.memory_space<vmem_shared>>) target_semaphore(%arg6 : memref<!tpu.dma_semaphore, #tpu.memory_space<semaphore_mem>>)
    %add3A_874 = arith.constant 96 : i32
    %add3A_875 = arith.addi %mul3A_2, %add3A_874 : i32
    %dma_wait3A_876 = arith.constant 0 : i32
    %dma_wait3A_877 = arith.constant 0 : i32
    %dma_wait3A_878 = arith.constant 0 : i32
    %dma_wait3A_879 = tpu.memref_slice %arg4[%arg1, %dma_wait3A_876, %dma_wait3A_877, %dma_wait3A_878] : memref<16x3x4x8192xf32, #tpu.memory_space<vmem_shared>> -> memref<1x1x4x8192xf32, #tpu.memory_space<vmem_shared>>
    %dma_wait3A_880 = tpu.memref_squeeze %dma_wait3A_879 : memref<1x1x4x8192xf32, #tpu.memory_space<vmem_shared>> -> memref<4x8192xf32, #tpu.memory_space<vmem_shared>>
    %dma_wait3A_881 = arith.constant 0 : i32
    %dma_wait3A_882 = tpu.memref_slice %arg2[%add3A_875, %dma_wait3A_881] : memref<4096x8192xf32, #tpu.memory_space<hbm>> -> memref<4x8192xf32, #tpu.memory_space<hbm>>
    tpu.wait_dma2 semaphore(%arg5 : memref<!tpu.dma_semaphore, #tpu.memory_space<semaphore_mem>>) src(%dma_wait3A_882 : memref<4x8192xf32, #tpu.memory_space<hbm>>) dst(%dma_wait3A_880 : memref<4x8192xf32, #tpu.memory_space<vmem_shared>>)
    %add3A_883 = arith.constant 96 : i32
    %add3A_884 = arith.addi %mul3A_2, %add3A_883 : i32
    %dma_start3A_885 = arith.constant 0 : i32
    %dma_start3A_886 = arith.constant 0 : i32
    %dma_start3A_887 = tpu.memref_slice %arg3[%add3A_884, %dma_start3A_886] : memref<4096x8192xf32, #tpu.memory_space<hbm>> -> memref<4x8192xf32, #tpu.memory_space<hbm>>
    %dma_start3A_888 = arith.constant 0 : i32
    %dma_start3A_889 = arith.constant 0 : i32
    %dma_start3A_890 = tpu.memref_slice %arg4[%arg1, %dma_start3A_885, %dma_start3A_888, %dma_start3A_889] : memref<16x3x4x8192xf32, #tpu.memory_space<vmem_shared>> -> memref<1x1x4x8192xf32, #tpu.memory_space<vmem_shared>>
    %dma_start3A_891 = tpu.memref_squeeze %dma_start3A_890 : memref<1x1x4x8192xf32, #tpu.memory_space<vmem_shared>> -> memref<4x8192xf32, #tpu.memory_space<vmem_shared>>
    tpu.enqueue_dma source(%dma_start3A_891 : memref<4x8192xf32, #tpu.memory_space<vmem_shared>>) target(%dma_start3A_887 : memref<4x8192xf32, #tpu.memory_space<hbm>>) target_semaphore(%arg8 : memref<!tpu.dma_semaphore, #tpu.memory_space<semaphore_mem>>)
    %add3A_892 = arith.constant 92 : i32
    %add3A_893 = arith.addi %mul3A_2, %add3A_892 : i32
    %dma_wait3A_894 = arith.constant 2 : i32
    %dma_wait3A_895 = arith.constant 0 : i32
    %dma_wait3A_896 = tpu.memref_slice %arg3[%add3A_893, %dma_wait3A_895] : memref<4096x8192xf32, #tpu.memory_space<hbm>> -> memref<4x8192xf32, #tpu.memory_space<hbm>>
    %dma_wait3A_897 = arith.constant 0 : i32
    %dma_wait3A_898 = arith.constant 0 : i32
    %dma_wait3A_899 = tpu.memref_slice %arg4[%arg1, %dma_wait3A_894, %dma_wait3A_897, %dma_wait3A_898] : memref<16x3x4x8192xf32, #tpu.memory_space<vmem_shared>> -> memref<1x1x4x8192xf32, #tpu.memory_space<vmem_shared>>
    %dma_wait3A_900 = tpu.memref_squeeze %dma_wait3A_899 : memref<1x1x4x8192xf32, #tpu.memory_space<vmem_shared>> -> memref<4x8192xf32, #tpu.memory_space<vmem_shared>>
    tpu.wait_dma2 semaphore(%arg10 : memref<!tpu.dma_semaphore, #tpu.memory_space<semaphore_mem>>) src(%dma_wait3A_900 : memref<4x8192xf32, #tpu.memory_space<vmem_shared>>) dst(%dma_wait3A_896 : memref<4x8192xf32, #tpu.memory_space<hbm>>)
    %add3A_901 = arith.constant 104 : i32
    %add3A_902 = arith.addi %mul3A_2, %add3A_901 : i32
    %dma_start3A_903 = arith.constant 2 : i32
    %dma_start3A_904 = arith.constant 0 : i32
    %dma_start3A_905 = arith.constant 0 : i32
    %dma_start3A_906 = tpu.memref_slice %arg4[%arg1, %dma_start3A_903, %dma_start3A_904, %dma_start3A_905] : memref<16x3x4x8192xf32, #tpu.memory_space<vmem_shared>> -> memref<1x1x4x8192xf32, #tpu.memory_space<vmem_shared>>
    %dma_start3A_907 = tpu.memref_squeeze %dma_start3A_906 : memref<1x1x4x8192xf32, #tpu.memory_space<vmem_shared>> -> memref<4x8192xf32, #tpu.memory_space<vmem_shared>>
    %dma_start3A_908 = arith.constant 0 : i32
    %dma_start3A_909 = tpu.memref_slice %arg2[%add3A_902, %dma_start3A_908] : memref<4096x8192xf32, #tpu.memory_space<hbm>> -> memref<4x8192xf32, #tpu.memory_space<hbm>>
    tpu.enqueue_dma source(%dma_start3A_909 : memref<4x8192xf32, #tpu.memory_space<hbm>>) target(%dma_start3A_907 : memref<4x8192xf32, #tpu.memory_space<vmem_shared>>) target_semaphore(%arg7 : memref<!tpu.dma_semaphore, #tpu.memory_space<semaphore_mem>>)
    %add3A_910 = arith.constant 100 : i32
    %add3A_911 = arith.addi %mul3A_2, %add3A_910 : i32
    %dma_wait3A_912 = arith.constant 1 : i32
    %dma_wait3A_913 = arith.constant 0 : i32
    %dma_wait3A_914 = arith.constant 0 : i32
    %dma_wait3A_915 = tpu.memref_slice %arg4[%arg1, %dma_wait3A_912, %dma_wait3A_913, %dma_wait3A_914] : memref<16x3x4x8192xf32, #tpu.memory_space<vmem_shared>> -> memref<1x1x4x8192xf32, #tpu.memory_space<vmem_shared>>
    %dma_wait3A_916 = tpu.memref_squeeze %dma_wait3A_915 : memref<1x1x4x8192xf32, #tpu.memory_space<vmem_shared>> -> memref<4x8192xf32, #tpu.memory_space<vmem_shared>>
    %dma_wait3A_917 = arith.constant 0 : i32
    %dma_wait3A_918 = tpu.memref_slice %arg2[%add3A_911, %dma_wait3A_917] : memref<4096x8192xf32, #tpu.memory_space<hbm>> -> memref<4x8192xf32, #tpu.memory_space<hbm>>
    tpu.wait_dma2 semaphore(%arg6 : memref<!tpu.dma_semaphore, #tpu.memory_space<semaphore_mem>>) src(%dma_wait3A_918 : memref<4x8192xf32, #tpu.memory_space<hbm>>) dst(%dma_wait3A_916 : memref<4x8192xf32, #tpu.memory_space<vmem_shared>>)
    %add3A_919 = arith.constant 100 : i32
    %add3A_920 = arith.addi %mul3A_2, %add3A_919 : i32
    %dma_start3A_921 = arith.constant 1 : i32
    %dma_start3A_922 = arith.constant 0 : i32
    %dma_start3A_923 = tpu.memref_slice %arg3[%add3A_920, %dma_start3A_922] : memref<4096x8192xf32, #tpu.memory_space<hbm>> -> memref<4x8192xf32, #tpu.memory_space<hbm>>
    %dma_start3A_924 = arith.constant 0 : i32
    %dma_start3A_925 = arith.constant 0 : i32
    %dma_start3A_926 = tpu.memref_slice %arg4[%arg1, %dma_start3A_921, %dma_start3A_924, %dma_start3A_925] : memref<16x3x4x8192xf32, #tpu.memory_space<vmem_shared>> -> memref<1x1x4x8192xf32, #tpu.memory_space<vmem_shared>>
    %dma_start3A_927 = tpu.memref_squeeze %dma_start3A_926 : memref<1x1x4x8192xf32, #tpu.memory_space<vmem_shared>> -> memref<4x8192xf32, #tpu.memory_space<vmem_shared>>
    tpu.enqueue_dma source(%dma_start3A_927 : memref<4x8192xf32, #tpu.memory_space<vmem_shared>>) target(%dma_start3A_923 : memref<4x8192xf32, #tpu.memory_space<hbm>>) target_semaphore(%arg9 : memref<!tpu.dma_semaphore, #tpu.memory_space<semaphore_mem>>)
    %add3A_928 = arith.constant 96 : i32
    %add3A_929 = arith.addi %mul3A_2, %add3A_928 : i32
    %dma_wait3A_930 = arith.constant 0 : i32
    %dma_wait3A_931 = arith.constant 0 : i32
    %dma_wait3A_932 = tpu.memref_slice %arg3[%add3A_929, %dma_wait3A_931] : memref<4096x8192xf32, #tpu.memory_space<hbm>> -> memref<4x8192xf32, #tpu.memory_space<hbm>>
    %dma_wait3A_933 = arith.constant 0 : i32
    %dma_wait3A_934 = arith.constant 0 : i32
    %dma_wait3A_935 = tpu.memref_slice %arg4[%arg1, %dma_wait3A_930, %dma_wait3A_933, %dma_wait3A_934] : memref<16x3x4x8192xf32, #tpu.memory_space<vmem_shared>> -> memref<1x1x4x8192xf32, #tpu.memory_space<vmem_shared>>
    %dma_wait3A_936 = tpu.memref_squeeze %dma_wait3A_935 : memref<1x1x4x8192xf32, #tpu.memory_space<vmem_shared>> -> memref<4x8192xf32, #tpu.memory_space<vmem_shared>>
    tpu.wait_dma2 semaphore(%arg8 : memref<!tpu.dma_semaphore, #tpu.memory_space<semaphore_mem>>) src(%dma_wait3A_936 : memref<4x8192xf32, #tpu.memory_space<vmem_shared>>) dst(%dma_wait3A_932 : memref<4x8192xf32, #tpu.memory_space<hbm>>)
    %add3A_937 = arith.constant 108 : i32
    %add3A_938 = arith.addi %mul3A_2, %add3A_937 : i32
    %dma_start3A_939 = arith.constant 0 : i32
    %dma_start3A_940 = arith.constant 0 : i32
    %dma_start3A_941 = arith.constant 0 : i32
    %dma_start3A_942 = tpu.memref_slice %arg4[%arg1, %dma_start3A_939, %dma_start3A_940, %dma_start3A_941] : memref<16x3x4x8192xf32, #tpu.memory_space<vmem_shared>> -> memref<1x1x4x8192xf32, #tpu.memory_space<vmem_shared>>
    %dma_start3A_943 = tpu.memref_squeeze %dma_start3A_942 : memref<1x1x4x8192xf32, #tpu.memory_space<vmem_shared>> -> memref<4x8192xf32, #tpu.memory_space<vmem_shared>>
    %dma_start3A_944 = arith.constant 0 : i32
    %dma_start3A_945 = tpu.memref_slice %arg2[%add3A_938, %dma_start3A_944] : memref<4096x8192xf32, #tpu.memory_space<hbm>> -> memref<4x8192xf32, #tpu.memory_space<hbm>>
    tpu.enqueue_dma source(%dma_start3A_945 : memref<4x8192xf32, #tpu.memory_space<hbm>>) target(%dma_start3A_943 : memref<4x8192xf32, #tpu.memory_space<vmem_shared>>) target_semaphore(%arg5 : memref<!tpu.dma_semaphore, #tpu.memory_space<semaphore_mem>>)
    %add3A_946 = arith.constant 104 : i32
    %add3A_947 = arith.addi %mul3A_2, %add3A_946 : i32
    %dma_wait3A_948 = arith.constant 2 : i32
    %dma_wait3A_949 = arith.constant 0 : i32
    %dma_wait3A_950 = arith.constant 0 : i32
    %dma_wait3A_951 = tpu.memref_slice %arg4[%arg1, %dma_wait3A_948, %dma_wait3A_949, %dma_wait3A_950] : memref<16x3x4x8192xf32, #tpu.memory_space<vmem_shared>> -> memref<1x1x4x8192xf32, #tpu.memory_space<vmem_shared>>
    %dma_wait3A_952 = tpu.memref_squeeze %dma_wait3A_951 : memref<1x1x4x8192xf32, #tpu.memory_space<vmem_shared>> -> memref<4x8192xf32, #tpu.memory_space<vmem_shared>>
    %dma_wait3A_953 = arith.constant 0 : i32
    %dma_wait3A_954 = tpu.memref_slice %arg2[%add3A_947, %dma_wait3A_953] : memref<4096x8192xf32, #tpu.memory_space<hbm>> -> memref<4x8192xf32, #tpu.memory_space<hbm>>
    tpu.wait_dma2 semaphore(%arg7 : memref<!tpu.dma_semaphore, #tpu.memory_space<semaphore_mem>>) src(%dma_wait3A_954 : memref<4x8192xf32, #tpu.memory_space<hbm>>) dst(%dma_wait3A_952 : memref<4x8192xf32, #tpu.memory_space<vmem_shared>>)
    %add3A_955 = arith.constant 104 : i32
    %add3A_956 = arith.addi %mul3A_2, %add3A_955 : i32
    %dma_start3A_957 = arith.constant 2 : i32
    %dma_start3A_958 = arith.constant 0 : i32
    %dma_start3A_959 = tpu.memref_slice %arg3[%add3A_956, %dma_start3A_958] : memref<4096x8192xf32, #tpu.memory_space<hbm>> -> memref<4x8192xf32, #tpu.memory_space<hbm>>
    %dma_start3A_960 = arith.constant 0 : i32
    %dma_start3A_961 = arith.constant 0 : i32
    %dma_start3A_962 = tpu.memref_slice %arg4[%arg1, %dma_start3A_957, %dma_start3A_960, %dma_start3A_961] : memref<16x3x4x8192xf32, #tpu.memory_space<vmem_shared>> -> memref<1x1x4x8192xf32, #tpu.memory_space<vmem_shared>>
    %dma_start3A_963 = tpu.memref_squeeze %dma_start3A_962 : memref<1x1x4x8192xf32, #tpu.memory_space<vmem_shared>> -> memref<4x8192xf32, #tpu.memory_space<vmem_shared>>
    tpu.enqueue_dma source(%dma_start3A_963 : memref<4x8192xf32, #tpu.memory_space<vmem_shared>>) target(%dma_start3A_959 : memref<4x8192xf32, #tpu.memory_space<hbm>>) target_semaphore(%arg10 : memref<!tpu.dma_semaphore, #tpu.memory_space<semaphore_mem>>)
    %add3A_964 = arith.constant 100 : i32
    %add3A_965 = arith.addi %mul3A_2, %add3A_964 : i32
    %dma_wait3A_966 = arith.constant 1 : i32
    %dma_wait3A_967 = arith.constant 0 : i32
    %dma_wait3A_968 = tpu.memref_slice %arg3[%add3A_965, %dma_wait3A_967] : memref<4096x8192xf32, #tpu.memory_space<hbm>> -> memref<4x8192xf32, #tpu.memory_space<hbm>>
    %dma_wait3A_969 = arith.constant 0 : i32
    %dma_wait3A_970 = arith.constant 0 : i32
    %dma_wait3A_971 = tpu.memref_slice %arg4[%arg1, %dma_wait3A_966, %dma_wait3A_969, %dma_wait3A_970] : memref<16x3x4x8192xf32, #tpu.memory_space<vmem_shared>> -> memref<1x1x4x8192xf32, #tpu.memory_space<vmem_shared>>
    %dma_wait3A_972 = tpu.memref_squeeze %dma_wait3A_971 : memref<1x1x4x8192xf32, #tpu.memory_space<vmem_shared>> -> memref<4x8192xf32, #tpu.memory_space<vmem_shared>>
    tpu.wait_dma2 semaphore(%arg9 : memref<!tpu.dma_semaphore, #tpu.memory_space<semaphore_mem>>) src(%dma_wait3A_972 : memref<4x8192xf32, #tpu.memory_space<vmem_shared>>) dst(%dma_wait3A_968 : memref<4x8192xf32, #tpu.memory_space<hbm>>)
    %add3A_973 = arith.constant 112 : i32
    %add3A_974 = arith.addi %mul3A_2, %add3A_973 : i32
    %dma_start3A_975 = arith.constant 1 : i32
    %dma_start3A_976 = arith.constant 0 : i32
    %dma_start3A_977 = arith.constant 0 : i32
    %dma_start3A_978 = tpu.memref_slice %arg4[%arg1, %dma_start3A_975, %dma_start3A_976, %dma_start3A_977] : memref<16x3x4x8192xf32, #tpu.memory_space<vmem_shared>> -> memref<1x1x4x8192xf32, #tpu.memory_space<vmem_shared>>
    %dma_start3A_979 = tpu.memref_squeeze %dma_start3A_978 : memref<1x1x4x8192xf32, #tpu.memory_space<vmem_shared>> -> memref<4x8192xf32, #tpu.memory_space<vmem_shared>>
    %dma_start3A_980 = arith.constant 0 : i32
    %dma_start3A_981 = tpu.memref_slice %arg2[%add3A_974, %dma_start3A_980] : memref<4096x8192xf32, #tpu.memory_space<hbm>> -> memref<4x8192xf32, #tpu.memory_space<hbm>>
    tpu.enqueue_dma source(%dma_start3A_981 : memref<4x8192xf32, #tpu.memory_space<hbm>>) target(%dma_start3A_979 : memref<4x8192xf32, #tpu.memory_space<vmem_shared>>) target_semaphore(%arg6 : memref<!tpu.dma_semaphore, #tpu.memory_space<semaphore_mem>>)
    %add3A_982 = arith.constant 108 : i32
    %add3A_983 = arith.addi %mul3A_2, %add3A_982 : i32
    %dma_wait3A_984 = arith.constant 0 : i32
    %dma_wait3A_985 = arith.constant 0 : i32
    %dma_wait3A_986 = arith.constant 0 : i32
    %dma_wait3A_987 = tpu.memref_slice %arg4[%arg1, %dma_wait3A_984, %dma_wait3A_985, %dma_wait3A_986] : memref<16x3x4x8192xf32, #tpu.memory_space<vmem_shared>> -> memref<1x1x4x8192xf32, #tpu.memory_space<vmem_shared>>
    %dma_wait3A_988 = tpu.memref_squeeze %dma_wait3A_987 : memref<1x1x4x8192xf32, #tpu.memory_space<vmem_shared>> -> memref<4x8192xf32, #tpu.memory_space<vmem_shared>>
    %dma_wait3A_989 = arith.constant 0 : i32
    %dma_wait3A_990 = tpu.memref_slice %arg2[%add3A_983, %dma_wait3A_989] : memref<4096x8192xf32, #tpu.memory_space<hbm>> -> memref<4x8192xf32, #tpu.memory_space<hbm>>
    tpu.wait_dma2 semaphore(%arg5 : memref<!tpu.dma_semaphore, #tpu.memory_space<semaphore_mem>>) src(%dma_wait3A_990 : memref<4x8192xf32, #tpu.memory_space<hbm>>) dst(%dma_wait3A_988 : memref<4x8192xf32, #tpu.memory_space<vmem_shared>>)
    %add3A_991 = arith.constant 108 : i32
    %add3A_992 = arith.addi %mul3A_2, %add3A_991 : i32
    %dma_start3A_993 = arith.constant 0 : i32
    %dma_start3A_994 = arith.constant 0 : i32
    %dma_start3A_995 = tpu.memref_slice %arg3[%add3A_992, %dma_start3A_994] : memref<4096x8192xf32, #tpu.memory_space<hbm>> -> memref<4x8192xf32, #tpu.memory_space<hbm>>
    %dma_start3A_996 = arith.constant 0 : i32
    %dma_start3A_997 = arith.constant 0 : i32
    %dma_start3A_998 = tpu.memref_slice %arg4[%arg1, %dma_start3A_993, %dma_start3A_996, %dma_start3A_997] : memref<16x3x4x8192xf32, #tpu.memory_space<vmem_shared>> -> memref<1x1x4x8192xf32, #tpu.memory_space<vmem_shared>>
    %dma_start3A_999 = tpu.memref_squeeze %dma_start3A_998 : memref<1x1x4x8192xf32, #tpu.memory_space<vmem_shared>> -> memref<4x8192xf32, #tpu.memory_space<vmem_shared>>
    tpu.enqueue_dma source(%dma_start3A_999 : memref<4x8192xf32, #tpu.memory_space<vmem_shared>>) target(%dma_start3A_995 : memref<4x8192xf32, #tpu.memory_space<hbm>>) target_semaphore(%arg8 : memref<!tpu.dma_semaphore, #tpu.memory_space<semaphore_mem>>)
    %add3A_1000 = arith.constant 104 : i32
    %add3A_1001 = arith.addi %mul3A_2, %add3A_1000 : i32
    %dma_wait3A_1002 = arith.constant 2 : i32
    %dma_wait3A_1003 = arith.constant 0 : i32
    %dma_wait3A_1004 = tpu.memref_slice %arg3[%add3A_1001, %dma_wait3A_1003] : memref<4096x8192xf32, #tpu.memory_space<hbm>> -> memref<4x8192xf32, #tpu.memory_space<hbm>>
    %dma_wait3A_1005 = arith.constant 0 : i32
    %dma_wait3A_1006 = arith.constant 0 : i32
    %dma_wait3A_1007 = tpu.memref_slice %arg4[%arg1, %dma_wait3A_1002, %dma_wait3A_1005, %dma_wait3A_1006] : memref<16x3x4x8192xf32, #tpu.memory_space<vmem_shared>> -> memref<1x1x4x8192xf32, #tpu.memory_space<vmem_shared>>
    %dma_wait3A_1008 = tpu.memref_squeeze %dma_wait3A_1007 : memref<1x1x4x8192xf32, #tpu.memory_space<vmem_shared>> -> memref<4x8192xf32, #tpu.memory_space<vmem_shared>>
    tpu.wait_dma2 semaphore(%arg10 : memref<!tpu.dma_semaphore, #tpu.memory_space<semaphore_mem>>) src(%dma_wait3A_1008 : memref<4x8192xf32, #tpu.memory_space<vmem_shared>>) dst(%dma_wait3A_1004 : memref<4x8192xf32, #tpu.memory_space<hbm>>)
    %add3A_1009 = arith.constant 116 : i32
    %add3A_1010 = arith.addi %mul3A_2, %add3A_1009 : i32
    %dma_start3A_1011 = arith.constant 2 : i32
    %dma_start3A_1012 = arith.constant 0 : i32
    %dma_start3A_1013 = arith.constant 0 : i32
    %dma_start3A_1014 = tpu.memref_slice %arg4[%arg1, %dma_start3A_1011, %dma_start3A_1012, %dma_start3A_1013] : memref<16x3x4x8192xf32, #tpu.memory_space<vmem_shared>> -> memref<1x1x4x8192xf32, #tpu.memory_space<vmem_shared>>
    %dma_start3A_1015 = tpu.memref_squeeze %dma_start3A_1014 : memref<1x1x4x8192xf32, #tpu.memory_space<vmem_shared>> -> memref<4x8192xf32, #tpu.memory_space<vmem_shared>>
    %dma_start3A_1016 = arith.constant 0 : i32
    %dma_start3A_1017 = tpu.memref_slice %arg2[%add3A_1010, %dma_start3A_1016] : memref<4096x8192xf32, #tpu.memory_space<hbm>> -> memref<4x8192xf32, #tpu.memory_space<hbm>>
    tpu.enqueue_dma source(%dma_start3A_1017 : memref<4x8192xf32, #tpu.memory_space<hbm>>) target(%dma_start3A_1015 : memref<4x8192xf32, #tpu.memory_space<vmem_shared>>) target_semaphore(%arg7 : memref<!tpu.dma_semaphore, #tpu.memory_space<semaphore_mem>>)
    %add3A_1018 = arith.constant 112 : i32
    %add3A_1019 = arith.addi %mul3A_2, %add3A_1018 : i32
    %dma_wait3A_1020 = arith.constant 1 : i32
    %dma_wait3A_1021 = arith.constant 0 : i32
    %dma_wait3A_1022 = arith.constant 0 : i32
    %dma_wait3A_1023 = tpu.memref_slice %arg4[%arg1, %dma_wait3A_1020, %dma_wait3A_1021, %dma_wait3A_1022] : memref<16x3x4x8192xf32, #tpu.memory_space<vmem_shared>> -> memref<1x1x4x8192xf32, #tpu.memory_space<vmem_shared>>
    %dma_wait3A_1024 = tpu.memref_squeeze %dma_wait3A_1023 : memref<1x1x4x8192xf32, #tpu.memory_space<vmem_shared>> -> memref<4x8192xf32, #tpu.memory_space<vmem_shared>>
    %dma_wait3A_1025 = arith.constant 0 : i32
    %dma_wait3A_1026 = tpu.memref_slice %arg2[%add3A_1019, %dma_wait3A_1025] : memref<4096x8192xf32, #tpu.memory_space<hbm>> -> memref<4x8192xf32, #tpu.memory_space<hbm>>
    tpu.wait_dma2 semaphore(%arg6 : memref<!tpu.dma_semaphore, #tpu.memory_space<semaphore_mem>>) src(%dma_wait3A_1026 : memref<4x8192xf32, #tpu.memory_space<hbm>>) dst(%dma_wait3A_1024 : memref<4x8192xf32, #tpu.memory_space<vmem_shared>>)
    %add3A_1027 = arith.constant 112 : i32
    %add3A_1028 = arith.addi %mul3A_2, %add3A_1027 : i32
    %dma_start3A_1029 = arith.constant 1 : i32
    %dma_start3A_1030 = arith.constant 0 : i32
    %dma_start3A_1031 = tpu.memref_slice %arg3[%add3A_1028, %dma_start3A_1030] : memref<4096x8192xf32, #tpu.memory_space<hbm>> -> memref<4x8192xf32, #tpu.memory_space<hbm>>
    %dma_start3A_1032 = arith.constant 0 : i32
    %dma_start3A_1033 = arith.constant 0 : i32
    %dma_start3A_1034 = tpu.memref_slice %arg4[%arg1, %dma_start3A_1029, %dma_start3A_1032, %dma_start3A_1033] : memref<16x3x4x8192xf32, #tpu.memory_space<vmem_shared>> -> memref<1x1x4x8192xf32, #tpu.memory_space<vmem_shared>>
    %dma_start3A_1035 = tpu.memref_squeeze %dma_start3A_1034 : memref<1x1x4x8192xf32, #tpu.memory_space<vmem_shared>> -> memref<4x8192xf32, #tpu.memory_space<vmem_shared>>
    tpu.enqueue_dma source(%dma_start3A_1035 : memref<4x8192xf32, #tpu.memory_space<vmem_shared>>) target(%dma_start3A_1031 : memref<4x8192xf32, #tpu.memory_space<hbm>>) target_semaphore(%arg9 : memref<!tpu.dma_semaphore, #tpu.memory_space<semaphore_mem>>)
    %add3A_1036 = arith.constant 108 : i32
    %add3A_1037 = arith.addi %mul3A_2, %add3A_1036 : i32
    %dma_wait3A_1038 = arith.constant 0 : i32
    %dma_wait3A_1039 = arith.constant 0 : i32
    %dma_wait3A_1040 = tpu.memref_slice %arg3[%add3A_1037, %dma_wait3A_1039] : memref<4096x8192xf32, #tpu.memory_space<hbm>> -> memref<4x8192xf32, #tpu.memory_space<hbm>>
    %dma_wait3A_1041 = arith.constant 0 : i32
    %dma_wait3A_1042 = arith.constant 0 : i32
    %dma_wait3A_1043 = tpu.memref_slice %arg4[%arg1, %dma_wait3A_1038, %dma_wait3A_1041, %dma_wait3A_1042] : memref<16x3x4x8192xf32, #tpu.memory_space<vmem_shared>> -> memref<1x1x4x8192xf32, #tpu.memory_space<vmem_shared>>
    %dma_wait3A_1044 = tpu.memref_squeeze %dma_wait3A_1043 : memref<1x1x4x8192xf32, #tpu.memory_space<vmem_shared>> -> memref<4x8192xf32, #tpu.memory_space<vmem_shared>>
    tpu.wait_dma2 semaphore(%arg8 : memref<!tpu.dma_semaphore, #tpu.memory_space<semaphore_mem>>) src(%dma_wait3A_1044 : memref<4x8192xf32, #tpu.memory_space<vmem_shared>>) dst(%dma_wait3A_1040 : memref<4x8192xf32, #tpu.memory_space<hbm>>)
    %add3A_1045 = arith.constant 120 : i32
    %add3A_1046 = arith.addi %mul3A_2, %add3A_1045 : i32
    %dma_start3A_1047 = arith.constant 0 : i32
    %dma_start3A_1048 = arith.constant 0 : i32
    %dma_start3A_1049 = arith.constant 0 : i32
    %dma_start3A_1050 = tpu.memref_slice %arg4[%arg1, %dma_start3A_1047, %dma_start3A_1048, %dma_start3A_1049] : memref<16x3x4x8192xf32, #tpu.memory_space<vmem_shared>> -> memref<1x1x4x8192xf32, #tpu.memory_space<vmem_shared>>
    %dma_start3A_1051 = tpu.memref_squeeze %dma_start3A_1050 : memref<1x1x4x8192xf32, #tpu.memory_space<vmem_shared>> -> memref<4x8192xf32, #tpu.memory_space<vmem_shared>>
    %dma_start3A_1052 = arith.constant 0 : i32
    %dma_start3A_1053 = tpu.memref_slice %arg2[%add3A_1046, %dma_start3A_1052] : memref<4096x8192xf32, #tpu.memory_space<hbm>> -> memref<4x8192xf32, #tpu.memory_space<hbm>>
    tpu.enqueue_dma source(%dma_start3A_1053 : memref<4x8192xf32, #tpu.memory_space<hbm>>) target(%dma_start3A_1051 : memref<4x8192xf32, #tpu.memory_space<vmem_shared>>) target_semaphore(%arg5 : memref<!tpu.dma_semaphore, #tpu.memory_space<semaphore_mem>>)
    %add3A_1054 = arith.constant 116 : i32
    %add3A_1055 = arith.addi %mul3A_2, %add3A_1054 : i32
    %dma_wait3A_1056 = arith.constant 2 : i32
    %dma_wait3A_1057 = arith.constant 0 : i32
    %dma_wait3A_1058 = arith.constant 0 : i32
    %dma_wait3A_1059 = tpu.memref_slice %arg4[%arg1, %dma_wait3A_1056, %dma_wait3A_1057, %dma_wait3A_1058] : memref<16x3x4x8192xf32, #tpu.memory_space<vmem_shared>> -> memref<1x1x4x8192xf32, #tpu.memory_space<vmem_shared>>
    %dma_wait3A_1060 = tpu.memref_squeeze %dma_wait3A_1059 : memref<1x1x4x8192xf32, #tpu.memory_space<vmem_shared>> -> memref<4x8192xf32, #tpu.memory_space<vmem_shared>>
    %dma_wait3A_1061 = arith.constant 0 : i32
    %dma_wait3A_1062 = tpu.memref_slice %arg2[%add3A_1055, %dma_wait3A_1061] : memref<4096x8192xf32, #tpu.memory_space<hbm>> -> memref<4x8192xf32, #tpu.memory_space<hbm>>
    tpu.wait_dma2 semaphore(%arg7 : memref<!tpu.dma_semaphore, #tpu.memory_space<semaphore_mem>>) src(%dma_wait3A_1062 : memref<4x8192xf32, #tpu.memory_space<hbm>>) dst(%dma_wait3A_1060 : memref<4x8192xf32, #tpu.memory_space<vmem_shared>>)
    %add3A_1063 = arith.constant 116 : i32
    %add3A_1064 = arith.addi %mul3A_2, %add3A_1063 : i32
    %dma_start3A_1065 = arith.constant 2 : i32
    %dma_start3A_1066 = arith.constant 0 : i32
    %dma_start3A_1067 = tpu.memref_slice %arg3[%add3A_1064, %dma_start3A_1066] : memref<4096x8192xf32, #tpu.memory_space<hbm>> -> memref<4x8192xf32, #tpu.memory_space<hbm>>
    %dma_start3A_1068 = arith.constant 0 : i32
    %dma_start3A_1069 = arith.constant 0 : i32
    %dma_start3A_1070 = tpu.memref_slice %arg4[%arg1, %dma_start3A_1065, %dma_start3A_1068, %dma_start3A_1069] : memref<16x3x4x8192xf32, #tpu.memory_space<vmem_shared>> -> memref<1x1x4x8192xf32, #tpu.memory_space<vmem_shared>>
    %dma_start3A_1071 = tpu.memref_squeeze %dma_start3A_1070 : memref<1x1x4x8192xf32, #tpu.memory_space<vmem_shared>> -> memref<4x8192xf32, #tpu.memory_space<vmem_shared>>
    tpu.enqueue_dma source(%dma_start3A_1071 : memref<4x8192xf32, #tpu.memory_space<vmem_shared>>) target(%dma_start3A_1067 : memref<4x8192xf32, #tpu.memory_space<hbm>>) target_semaphore(%arg10 : memref<!tpu.dma_semaphore, #tpu.memory_space<semaphore_mem>>)
    %add3A_1072 = arith.constant 112 : i32
    %add3A_1073 = arith.addi %mul3A_2, %add3A_1072 : i32
    %dma_wait3A_1074 = arith.constant 1 : i32
    %dma_wait3A_1075 = arith.constant 0 : i32
    %dma_wait3A_1076 = tpu.memref_slice %arg3[%add3A_1073, %dma_wait3A_1075] : memref<4096x8192xf32, #tpu.memory_space<hbm>> -> memref<4x8192xf32, #tpu.memory_space<hbm>>
    %dma_wait3A_1077 = arith.constant 0 : i32
    %dma_wait3A_1078 = arith.constant 0 : i32
    %dma_wait3A_1079 = tpu.memref_slice %arg4[%arg1, %dma_wait3A_1074, %dma_wait3A_1077, %dma_wait3A_1078] : memref<16x3x4x8192xf32, #tpu.memory_space<vmem_shared>> -> memref<1x1x4x8192xf32, #tpu.memory_space<vmem_shared>>
    %dma_wait3A_1080 = tpu.memref_squeeze %dma_wait3A_1079 : memref<1x1x4x8192xf32, #tpu.memory_space<vmem_shared>> -> memref<4x8192xf32, #tpu.memory_space<vmem_shared>>
    tpu.wait_dma2 semaphore(%arg9 : memref<!tpu.dma_semaphore, #tpu.memory_space<semaphore_mem>>) src(%dma_wait3A_1080 : memref<4x8192xf32, #tpu.memory_space<vmem_shared>>) dst(%dma_wait3A_1076 : memref<4x8192xf32, #tpu.memory_space<hbm>>)
    %add3A_1081 = arith.constant 124 : i32
    %add3A_1082 = arith.addi %mul3A_2, %add3A_1081 : i32
    %dma_start3A_1083 = arith.constant 1 : i32
    %dma_start3A_1084 = arith.constant 0 : i32
    %dma_start3A_1085 = arith.constant 0 : i32
    %dma_start3A_1086 = tpu.memref_slice %arg4[%arg1, %dma_start3A_1083, %dma_start3A_1084, %dma_start3A_1085] : memref<16x3x4x8192xf32, #tpu.memory_space<vmem_shared>> -> memref<1x1x4x8192xf32, #tpu.memory_space<vmem_shared>>
    %dma_start3A_1087 = tpu.memref_squeeze %dma_start3A_1086 : memref<1x1x4x8192xf32, #tpu.memory_space<vmem_shared>> -> memref<4x8192xf32, #tpu.memory_space<vmem_shared>>
    %dma_start3A_1088 = arith.constant 0 : i32
    %dma_start3A_1089 = tpu.memref_slice %arg2[%add3A_1082, %dma_start3A_1088] : memref<4096x8192xf32, #tpu.memory_space<hbm>> -> memref<4x8192xf32, #tpu.memory_space<hbm>>
    tpu.enqueue_dma source(%dma_start3A_1089 : memref<4x8192xf32, #tpu.memory_space<hbm>>) target(%dma_start3A_1087 : memref<4x8192xf32, #tpu.memory_space<vmem_shared>>) target_semaphore(%arg6 : memref<!tpu.dma_semaphore, #tpu.memory_space<semaphore_mem>>)
    %add3A_1090 = arith.constant 120 : i32
    %add3A_1091 = arith.addi %mul3A_2, %add3A_1090 : i32
    %dma_wait3A_1092 = arith.constant 0 : i32
    %dma_wait3A_1093 = arith.constant 0 : i32
    %dma_wait3A_1094 = arith.constant 0 : i32
    %dma_wait3A_1095 = tpu.memref_slice %arg4[%arg1, %dma_wait3A_1092, %dma_wait3A_1093, %dma_wait3A_1094] : memref<16x3x4x8192xf32, #tpu.memory_space<vmem_shared>> -> memref<1x1x4x8192xf32, #tpu.memory_space<vmem_shared>>
    %dma_wait3A_1096 = tpu.memref_squeeze %dma_wait3A_1095 : memref<1x1x4x8192xf32, #tpu.memory_space<vmem_shared>> -> memref<4x8192xf32, #tpu.memory_space<vmem_shared>>
    %dma_wait3A_1097 = arith.constant 0 : i32
    %dma_wait3A_1098 = tpu.memref_slice %arg2[%add3A_1091, %dma_wait3A_1097] : memref<4096x8192xf32, #tpu.memory_space<hbm>> -> memref<4x8192xf32, #tpu.memory_space<hbm>>
    tpu.wait_dma2 semaphore(%arg5 : memref<!tpu.dma_semaphore, #tpu.memory_space<semaphore_mem>>) src(%dma_wait3A_1098 : memref<4x8192xf32, #tpu.memory_space<hbm>>) dst(%dma_wait3A_1096 : memref<4x8192xf32, #tpu.memory_space<vmem_shared>>)
    %add3A_1099 = arith.constant 120 : i32
    %add3A_1100 = arith.addi %mul3A_2, %add3A_1099 : i32
    %dma_start3A_1101 = arith.constant 0 : i32
    %dma_start3A_1102 = arith.constant 0 : i32
    %dma_start3A_1103 = tpu.memref_slice %arg3[%add3A_1100, %dma_start3A_1102] : memref<4096x8192xf32, #tpu.memory_space<hbm>> -> memref<4x8192xf32, #tpu.memory_space<hbm>>
    %dma_start3A_1104 = arith.constant 0 : i32
    %dma_start3A_1105 = arith.constant 0 : i32
    %dma_start3A_1106 = tpu.memref_slice %arg4[%arg1, %dma_start3A_1101, %dma_start3A_1104, %dma_start3A_1105] : memref<16x3x4x8192xf32, #tpu.memory_space<vmem_shared>> -> memref<1x1x4x8192xf32, #tpu.memory_space<vmem_shared>>
    %dma_start3A_1107 = tpu.memref_squeeze %dma_start3A_1106 : memref<1x1x4x8192xf32, #tpu.memory_space<vmem_shared>> -> memref<4x8192xf32, #tpu.memory_space<vmem_shared>>
    tpu.enqueue_dma source(%dma_start3A_1107 : memref<4x8192xf32, #tpu.memory_space<vmem_shared>>) target(%dma_start3A_1103 : memref<4x8192xf32, #tpu.memory_space<hbm>>) target_semaphore(%arg8 : memref<!tpu.dma_semaphore, #tpu.memory_space<semaphore_mem>>)
    %add3A_1108 = arith.constant 124 : i32
    %add3A_1109 = arith.addi %mul3A_2, %add3A_1108 : i32
    %dma_wait3A_1110 = arith.constant 1 : i32
    %dma_wait3A_1111 = arith.constant 0 : i32
    %dma_wait3A_1112 = arith.constant 0 : i32
    %dma_wait3A_1113 = tpu.memref_slice %arg4[%arg1, %dma_wait3A_1110, %dma_wait3A_1111, %dma_wait3A_1112] : memref<16x3x4x8192xf32, #tpu.memory_space<vmem_shared>> -> memref<1x1x4x8192xf32, #tpu.memory_space<vmem_shared>>
    %dma_wait3A_1114 = tpu.memref_squeeze %dma_wait3A_1113 : memref<1x1x4x8192xf32, #tpu.memory_space<vmem_shared>> -> memref<4x8192xf32, #tpu.memory_space<vmem_shared>>
    %dma_wait3A_1115 = arith.constant 0 : i32
    %dma_wait3A_1116 = tpu.memref_slice %arg2[%add3A_1109, %dma_wait3A_1115] : memref<4096x8192xf32, #tpu.memory_space<hbm>> -> memref<4x8192xf32, #tpu.memory_space<hbm>>
    tpu.wait_dma2 semaphore(%arg6 : memref<!tpu.dma_semaphore, #tpu.memory_space<semaphore_mem>>) src(%dma_wait3A_1116 : memref<4x8192xf32, #tpu.memory_space<hbm>>) dst(%dma_wait3A_1114 : memref<4x8192xf32, #tpu.memory_space<vmem_shared>>)
    %add3A_1117 = arith.constant 124 : i32
    %add3A_1118 = arith.addi %mul3A_2, %add3A_1117 : i32
    %dma_start3A_1119 = arith.constant 1 : i32
    %dma_start3A_1120 = arith.constant 0 : i32
    %dma_start3A_1121 = tpu.memref_slice %arg3[%add3A_1118, %dma_start3A_1120] : memref<4096x8192xf32, #tpu.memory_space<hbm>> -> memref<4x8192xf32, #tpu.memory_space<hbm>>
    %dma_start3A_1122 = arith.constant 0 : i32
    %dma_start3A_1123 = arith.constant 0 : i32
    %dma_start3A_1124 = tpu.memref_slice %arg4[%arg1, %dma_start3A_1119, %dma_start3A_1122, %dma_start3A_1123] : memref<16x3x4x8192xf32, #tpu.memory_space<vmem_shared>> -> memref<1x1x4x8192xf32, #tpu.memory_space<vmem_shared>>
    %dma_start3A_1125 = tpu.memref_squeeze %dma_start3A_1124 : memref<1x1x4x8192xf32, #tpu.memory_space<vmem_shared>> -> memref<4x8192xf32, #tpu.memory_space<vmem_shared>>
    tpu.enqueue_dma source(%dma_start3A_1125 : memref<4x8192xf32, #tpu.memory_space<vmem_shared>>) target(%dma_start3A_1121 : memref<4x8192xf32, #tpu.memory_space<hbm>>) target_semaphore(%arg9 : memref<!tpu.dma_semaphore, #tpu.memory_space<semaphore_mem>>)
    %add3A_1126 = arith.constant 116 : i32
    %add3A_1127 = arith.addi %mul3A_2, %add3A_1126 : i32
    %dma_wait3A_1128 = arith.constant 2 : i32
    %dma_wait3A_1129 = arith.constant 0 : i32
    %dma_wait3A_1130 = tpu.memref_slice %arg3[%add3A_1127, %dma_wait3A_1129] : memref<4096x8192xf32, #tpu.memory_space<hbm>> -> memref<4x8192xf32, #tpu.memory_space<hbm>>
    %dma_wait3A_1131 = arith.constant 0 : i32
    %dma_wait3A_1132 = arith.constant 0 : i32
    %dma_wait3A_1133 = tpu.memref_slice %arg4[%arg1, %dma_wait3A_1128, %dma_wait3A_1131, %dma_wait3A_1132] : memref<16x3x4x8192xf32, #tpu.memory_space<vmem_shared>> -> memref<1x1x4x8192xf32, #tpu.memory_space<vmem_shared>>
    %dma_wait3A_1134 = tpu.memref_squeeze %dma_wait3A_1133 : memref<1x1x4x8192xf32, #tpu.memory_space<vmem_shared>> -> memref<4x8192xf32, #tpu.memory_space<vmem_shared>>
    tpu.wait_dma2 semaphore(%arg10 : memref<!tpu.dma_semaphore, #tpu.memory_space<semaphore_mem>>) src(%dma_wait3A_1134 : memref<4x8192xf32, #tpu.memory_space<vmem_shared>>) dst(%dma_wait3A_1130 : memref<4x8192xf32, #tpu.memory_space<hbm>>)
    %add3A_1135 = arith.constant 120 : i32
    %add3A_1136 = arith.addi %mul3A_2, %add3A_1135 : i32
    %dma_wait3A_1137 = arith.constant 0 : i32
    %dma_wait3A_1138 = arith.constant 0 : i32
    %dma_wait3A_1139 = tpu.memref_slice %arg3[%add3A_1136, %dma_wait3A_1138] : memref<4096x8192xf32, #tpu.memory_space<hbm>> -> memref<4x8192xf32, #tpu.memory_space<hbm>>
    %dma_wait3A_1140 = arith.constant 0 : i32
    %dma_wait3A_1141 = arith.constant 0 : i32
    %dma_wait3A_1142 = tpu.memref_slice %arg4[%arg1, %dma_wait3A_1137, %dma_wait3A_1140, %dma_wait3A_1141] : memref<16x3x4x8192xf32, #tpu.memory_space<vmem_shared>> -> memref<1x1x4x8192xf32, #tpu.memory_space<vmem_shared>>
    %dma_wait3A_1143 = tpu.memref_squeeze %dma_wait3A_1142 : memref<1x1x4x8192xf32, #tpu.memory_space<vmem_shared>> -> memref<4x8192xf32, #tpu.memory_space<vmem_shared>>
    tpu.wait_dma2 semaphore(%arg8 : memref<!tpu.dma_semaphore, #tpu.memory_space<semaphore_mem>>) src(%dma_wait3A_1143 : memref<4x8192xf32, #tpu.memory_space<vmem_shared>>) dst(%dma_wait3A_1139 : memref<4x8192xf32, #tpu.memory_space<hbm>>)
    %add3A_1144 = arith.constant 124 : i32
    %add3A_1145 = arith.addi %mul3A_2, %add3A_1144 : i32
    %dma_wait3A_1146 = arith.constant 1 : i32
    %dma_wait3A_1147 = arith.constant 0 : i32
    %dma_wait3A_1148 = tpu.memref_slice %arg3[%add3A_1145, %dma_wait3A_1147] : memref<4096x8192xf32, #tpu.memory_space<hbm>> -> memref<4x8192xf32, #tpu.memory_space<hbm>>
    %dma_wait3A_1149 = arith.constant 0 : i32
    %dma_wait3A_1150 = arith.constant 0 : i32
    %dma_wait3A_1151 = tpu.memref_slice %arg4[%arg1, %dma_wait3A_1146, %dma_wait3A_1149, %dma_wait3A_1150] : memref<16x3x4x8192xf32, #tpu.memory_space<vmem_shared>> -> memref<1x1x4x8192xf32, #tpu.memory_space<vmem_shared>>
    %dma_wait3A_1152 = tpu.memref_squeeze %dma_wait3A_1151 : memref<1x1x4x8192xf32, #tpu.memory_space<vmem_shared>> -> memref<4x8192xf32, #tpu.memory_space<vmem_shared>>
    tpu.wait_dma2 semaphore(%arg9 : memref<!tpu.dma_semaphore, #tpu.memory_space<semaphore_mem>>) src(%dma_wait3A_1152 : memref<4x8192xf32, #tpu.memory_space<vmem_shared>>) dst(%dma_wait3A_1148 : memref<4x8192xf32, #tpu.memory_space<hbm>>)
    return
  }
}

</mosaic_0001>

<sc_bundles>
// kernel: kernel.3.cloned.1.call-start
scs
__scs_entry_jumppad:
0x0: {  	(pc) =	sbr.rel $0x88, $3  }
0x1: {  	(tag) =	ssettag $0x0;
	lr =	simm.s32 $0x1  }
0x2: {  	[smem:$0x3FA0] =	sst lr;
	_ =	strace $0xD0000000  }
0x3: {  	_ = 	snop  }
0x4: {  	_ = 	snop  }
0x5: {  	_ = 	snop  }
0x6: {  	_ = 	snop  }
0x7: {  	_ = 	snop  }
__scs_overlays_trampoline_lowered:
0x8: {  	[smem:$0x3FAF] =	sst s0  }
0x9: {  	[smem:$0x3FB0] =	sst s1  }
0xa: {  	[smem:$0x3FB1] =	sst s2  }
0xb: {  	[smem:$0x3FB2] =	sst s3  }
0xc: {  	[smem:$0x3FB3] =	sst s4  }
0xd: {  	[smem:$0x3FB4] =	sst s5  }
0xe: {  	[smem:$0x3FB5] =	sst s6  }
0xf: {  	[smem:$0x3FB6] =	sst s7  }
0x10: {  	[smem:$0x3FB7] =	sst s8  }
0x11: {  	[smem:$0x3FB8] =	sst s9;
	s0 =	simm.s32 @!p0 $0x0  }
0x12: {  	s1 =	sld [smem:$0x3F9E];
	s0 =	simm.s32 @p0 $0x1  }
0x13: {  	[smem:$0x3FB9] =	sst s0;
	s0 =	simm.s32 @!p1 $0x0  }
0x14: {  	s2 =	sld [smem:$0x3F9D];
	s0 =	simm.s32 @p1 $0x1  }
0x15: {  	[smem:$0x3FBA] =	sst s0;
	s0 =	simm.s32 @!p2 $0x0  }
0x16: {  	s3 =	sld [smem:$0x3FDB];
	s0 =	simm.s32 @p2 $0x1  }
0x17: {  	s4 =	simm.s32 $0x1BF5;
	[smem:$0x3FBC] =	sst s0  }
0x18: {  	s0 =	sld [smem:$0x3F9F];
	_ =	swait.ge [sflag:s4], $0x0  }
0x19: {  	s7 =	sld [smem:$0x3FA0]  }
0x1a: {  	s8 =	sadd.s32 $0xFFFFE003, lr  }
0x1b: {  	s9 =	sadd.s32 $0xFFFFFEF7, lr;
	s5 =	simm.s32 $0xFFFFFFFF;
	p2 =	slt.u32 s8, $0xFFFFF086  }
0x1c: {  	p1 =	slt.u32 s9, $0xF7A;
	s5 =	simm.s32 @!p2 $0x0  }
0x1d: {  	s5 =	simm.s32 @p1 $0x1;
	p0 =	seq.s32 s7, s2  }
0x1e: {  	s7 =	smul.u32 @!p0 $0xF7A, s2;
	p2 =	seq.s32 @!p0 s5, $0x0  }
0x1f: {  	s9 =	smul.u32 $0xF7A, s1;
	s8 =	simm.s32 @!p0 $0x1BF5;
	p2 =	por !p2, p0  }
0x20: {  	[sflag:s8] =	ssyncset.s32 @!p0 $0xFFFFF086;
	s6 =	sadd.s32 @!p0 s3, s7;
	s7 =	simm.s32 @!p0 $0x108  }
0x21: {  	s3 =	sadd.s32 s3, s9;
	s6 =	sadd.s32 @!p0 $0x88, s6;
	s7 =	simm.s32 @p2 $0x1082  }
0x22: {  	[simem:s7], [sflag:s8] =	dma.local @!p0 [hbm:s6], $0xF7A  }
0x23: {  	s9 =	sor.u32 $0xD0000000, s2;
	s6 =	simm.s32 $0x108;
	_ =	swait.ge @!p0 [sflag:s8], $0x0  }
0x24: {  	s3 =	sadd.s32 $0x88, s3;
	s6 =	simm.s32 @!p1 $0x1082;
	[sflag:s4] =	ssyncset.s32 $0xFFFFF086  }
0x25: {  	[simem:s6], [sflag:s4] =	dma.local [hbm:s3], $0xF7A  }
0x26: {  	[smem:$0x3FA0] =	sst s1;
	(tag) =	ssettag s2;
	_ =	strace s9  }
0x27: {  	s1 =	sld [smem:$0x3FB0]  }
0x28: {  	s2 =	sld [smem:$0x3FB1]  }
0x29: {  	s4 =	sld [smem:$0x3FB3]  }
0x2a: {  	p0 =	seq.s32 s5, $0x0;
	s5 =	sld [smem:$0x3FB4]  }
0x2b: {  	s6 =	sld [smem:$0x3FB5]  }
0x2c: {  	s7 =	sld [smem:$0x3FB6]  }
0x2d: {  	s3 =	simm.s32 $0x108;
	s8 =	sld [smem:$0x3FB7]  }
0x2e: {  	s3 =	simm.s32 @!p0 $0x1082;
	s9 =	sld [smem:$0x3FB8]  }
0x2f: {  	lr =	sadd.s32 s0, s3;
	s0 =	sld [smem:$0x3FAF]  }
0x30: {  	s3 =	sld [smem:$0x3FB2]  }
0x31: {  	[smem:$0x3FBB] =	sst s10  }
0x32: {  	s10 =	sld [smem:$0x3FB9];
	_ =	sdelay $0x3  }
0x33: {  	p0 =	seq.s32 s10, $0x1;
	s10 =	sld [smem:$0x3FBB];
	_ =	sdelay $0x3  }
0x34: {  	[smem:$0x3FBB] =	sst s10  }
0x35: {  	s10 =	sld [smem:$0x3FBA];
	_ =	sdelay $0x3  }
0x36: {  	p1 =	seq.s32 s10, $0x1;
	s10 =	sld [smem:$0x3FBB];
	_ =	sdelay $0x3  }
0x37: {  	[smem:$0x3FBB] =	sst s10  }
0x38: {  	s10 =	sld [smem:$0x3FBC]  }
0x39: {  	_ = 	snop;
	(pc) =	sbr.ind lr, $3  }
0x3a: {  	_ = 	snop  }
0x3b: {  	_ = 	snop  }
0x3c: {  	p2 =	seq.s32 s10, $0x1;
	s10 =	sld [smem:$0x3FBB]  }
0x3d: {  	_ =	shalt  }
0x3e: {  	_ =	shalt  }
0x3f: {  	_ =	shalt  }
0x40: {  	_ =	shalt  }
0x41: {  	_ =	shalt  }
0x42: {  	_ =	shalt  }
0x43: {  	_ =	shalt  }
0x44: {  	_ =	shalt  }
0x45: {  	_ =	shalt  }
0x46: {  	_ =	shalt  }
0x47: {  	_ =	shalt  }
0x48: {  	_ =	shalt  }
0x49: {  	_ =	shalt  }
0x4a: {  	_ =	shalt  }
0x4b: {  	_ =	shalt  }
0x4c: {  	_ =	shalt  }
0x4d: {  	_ =	shalt  }
0x4e: {  	_ =	shalt  }
0x4f: {  	_ =	shalt  }
0x50: {  	_ =	shalt  }
0x51: {  	_ =	shalt  }
0x52: {  	_ =	shalt  }
0x53: {  	_ =	shalt  }
0x54: {  	_ =	shalt  }
0x55: {  	_ =	shalt  }
0x56: {  	_ =	shalt  }
0x57: {  	_ =	shalt  }
0x58: {  	_ =	shalt  }
0x59: {  	_ =	shalt  }
0x5a: {  	_ =	shalt  }
0x5b: {  	_ =	shalt  }
0x5c: {  	_ =	shalt  }
0x5d: {  	_ =	shalt  }
0x5e: {  	_ =	shalt  }
0x5f: {  	_ =	shalt  }
0x60: {  	_ =	shalt  }
0x61: {  	_ =	shalt  }
0x62: {  	_ =	shalt  }
0x63: {  	_ =	shalt  }
0x64: {  	_ =	shalt  }
0x65: {  	_ =	shalt  }
0x66: {  	_ =	shalt  }
0x67: {  	_ =	shalt  }
0x68: {  	_ =	shalt  }
0x69: {  	_ =	shalt  }
0x6a: {  	_ =	shalt  }
0x6b: {  	_ =	shalt  }
0x6c: {  	_ =	shalt  }
0x6d: {  	_ =	shalt  }
0x6e: {  	_ =	shalt  }
0x6f: {  	_ =	shalt  }
0x70: {  	_ =	shalt  }
0x71: {  	_ =	shalt  }
0x72: {  	_ =	shalt  }
0x73: {  	_ =	shalt  }
0x74: {  	_ =	shalt  }
0x75: {  	_ =	shalt  }
0x76: {  	_ =	shalt  }
0x77: {  	_ =	shalt  }
0x78: {  	_ =	shalt  }
0x79: {  	_ =	shalt  }
0x7a: {  	_ =	shalt  }
0x7b: {  	_ =	shalt  }
0x7c: {  	_ =	shalt  }
0x7d: {  	_ =	shalt  }
0x7e: {  	_ =	shalt  }
0x7f: {  	_ =	shalt  }
0x80: {  	_ =	shalt  }
0x81: {  	_ =	shalt  }
0x82: {  	_ =	shalt  }
0x83: {  	_ =	shalt  }
0x84: {  	_ =	shalt  }
0x85: {  	_ =	shalt  }
0x86: {  	_ =	shalt  }
0x87: {  	_ =	shalt  }
.Lfunc_end0:
.L_simem_size_0:
called_computation_lowered:
.L_overlay_start_0:
0x88: {  	s2 =	sld [smem:$0x3FD9]  }
0x89: {  	s3 =	sld [smem:$0x3FFE];
	_ =	sdelay $0x1  }
0x8a: {  	s1 =	srdreg.scid  }
0x8b: {  	s0 =	sand.u32 $0x1, s1  }
0x8c: {  	s18 =	sshll.u32 s0, $0xA;
	s2 =	sadd.s32 s3, s2  }
0x8d: {  	s2 =	sadd.s32 s2, s18  }
0x8e: {  	[smem:$0x3FC7] =	sst s2  }
0x8f: {  	_ = 	snop  }
0x90: {  	s2 =	sld [smem:$0x3FC9]  }
0x91: {  	s19 =	sld [smem:$0x3FD0];
	(tm) =	ssettm $0x1  }
0x92: {  	s4 =	sld [smem:$0x3FFB];
	_ =	sdelay $0x3  }
0x93: {  	_ =	strace s4  }
0x94: {  	s4 =	sld [smem:$0x3FFC];
	_ =	sdelay $0x3  }
0x95: {  	_ =	strace s4  }
0x96: {  	s4 =	sld [smem:$0x3FFD];
	_ =	sdelay $0x3  }
0x97: {  	_ =	strace s4  }
0x98: {  	_ =	strace $0x8FFFFFFF  }
0x99: {  	s20 =	sld [smem:$0x3FDB];
	_ =	sdelay $0x1  }
0x9a: {  	s5 =	simm.s32 $_scs_section_size  }
0x9b: {  	s6 =	simm.s32 $_size__tile_overlayer_lowered;
	s7 =	simm.s32 $_tile_overlayer_lowered  }
0x9c: {  	s23 =	simm.s32 $0x1BFF;
	s22 =	sshll.u32 s7, $0x1;
	s4 =	sadd.s32 s5, s20  }
0x9d: {  	s8 =	simm.s32 $0x0;
	s21 =	sshll.u32 s6, $0x1;
	s6 =	sadd.s32 s22, s4  }
0x9e: {  	[timem:s8], [sflag:s23] =	dma.local [hbm:s6], s21  }
0x9f: {  	_ =	swait.ge [sflag:s23], s21  }
0xa0: {  	s5 =	ssub.s32 $0x0, s21;
	[sflag:s23] =	ssyncset.done $0x0  }
0xa1: {  	[sflag:s23] =	ssyncadd.s32 s5;
	_ =	sdelay $0x1  }
0xa2: {  	s24 =	simm.s32 $0x1B8B  }
0xa3: {  	_ =	swait.ge [sflag:s24], $0x1  }
0xa4: {  	[sflag:s24] =	ssyncset.done $0x0  }
0xa5: {  	s25 =	simm.s32 $0x1B8E;
	[sflag:s24] =	ssyncadd.s32 $0xFFFFFFFF  }
0xa6: {  	s26 =	simm.s32 $execute0_lowered;
	[smem:$0x3FD2] =	sst s25  }
0xa7: {  	s5 =	sshll.u32 s26, $0x1;
	_ =	strace $0x80000046;
	[dreg:$0x1] =	wrdreg $0xFFFFFFFF  }
0xa8: {  	s28 =	simm.s32 $_size_execute0_lowered;
	s4 =	sadd.s32 s4, s5;
	[dreg:$0x0] =	wrdreg $0x0  }
0xa9: {  	s5 =	sshll.u32 s28, $0x1;
	[dreg:$0x2] =	wrdreg s4  }
0xaa: {  	[dreg:$0x3] =	wrdreg s5  }
0xab: {  	[dreg:$0x4] =	wrdreg $0xC0  }
0xac: {  	_ =	task [dreg:s8], $0x5FFFF  }
0xad: {  	[dreg:$0x1] =	wrdreg $0xFFFFFFFF  }
0xae: {  	[dreg:$0x0] =	wrdreg $0x60  }
0xaf: {  	[dreg:$0x2] =	wrdreg s2  }
0xb0: {  	[dreg:$0x3] =	wrdreg s19  }
0xb1: {  	[dreg:$0x4] =	wrdreg $0x0  }
0xb2: {  	[dreg:$0x5] =	wrdreg $0x9  }
0xb3: {  	_ =	task.clear_ibuf [dreg:s8], $0x6FFFF;
	_ =	strace $0x90000046  }
0xb4: {  	s29 =	simm.s32 $0x9;
	_ =	strace $0x80000048  }
0xb5: {  	_ =	swait.ge [sflag:s29], $0x1  }
0xb6: {  	[sflag:s29] =	ssyncadd.s32 $0xFFFFFFFF  }
0xb7: {  	_ =	strace $0x90000048  }
0xb8: {  	_ =	sfence  }
0xb9: {  	s30 =	sld [smem:$0x0];
	_ =	sdelay $0x2  }
0xba: {  	s31 =	sshll.u32 s1, $0xD;
	s1 =	sshrl.u32 s1, $0x2  }
0xbb: {  	s3 =	sand.u32 $0x4000, s31;
	s1 =	sadd.s32 s1, s30  }
0xbc: {  	s0 =	sor.u32 s3, s0;
	s1 =	sshll.u32 s1, $0x11  }
0xbd: {  	s0 =	sor.u32 s1, s0  }
0xbe: {  	s0 =	sadd.s32 $0x8F2B, s0  }
0xbf: {  	[sflag:s0] =	ssyncadd.remote.s32 $0x1  }
0xc0: {  	_ =	sfence.sel $0xFFFF  }
0xc1: {  	[dreg:$0x0] =	wrdreg $0xFFFFFFFF;
	(pc) =	sbr.abs _section_cstart, $3  }
0xc2: {  	[dreg:$0x1] =	wrdreg $0xFFFFFFFF  }
0xc3: {  	_ =	task.clear_ibuf [dreg:s8], $0x2FFFF;
	_ =	strace $0x9FFFFFFF  }
0xc4: {  	(tm) =	ssettm $0x7FFFFFFF  }
0xc5: {  	_ =	shalt  }
tec
execute0_lowered:
.L_overlay_start_1:
0x0: {  	(tag) =	ssettag $0x1  }
0x1: {  	s3 =	rddreg [dreg:$0x0]  }
0x2: {  	s0 =	rddreg [dreg:$0x1];
	s1 =	srdreg.scid  }
0x3: {  	s2 =	rddreg [dreg:$0x2];
	s31 =	stileid.u32;
	s5 =	sand.u32 $0x1, s1  }
0x4: {  	s24 =	simm.s32 $0x0;
	s4 =	sshll.u32 s31, $0x12;
	s6 =	sshll.u32 s5, $0x11  }
0x5: {  	[smem:$0x7FF] =	sst s24;
	s4 =	sor.u32 s6, s4  }
0x6: {  	s30 =	rddreg [dreg:$0x3];
	_ =	strace $0x80000047;
	s25 =	sadd.s32 s3, s4  }
0x7: {  	s6 =	sor.u32 $0x40, s4;
	s28 =	sadd.s32 s0, s4;
	[dreg:$0x4] =	wrdreg s25  }
0x8: {  	s7 =	sor.u32 $0x2000, s4;
	s26 =	sadd.s32 s3, s6;
	[dreg:$0x6] =	wrdreg s28  }
0x9: {  	s29 =	sadd.s32 s3, s7;
	[dreg:$0x5] =	wrdreg s26  }
0xa: {  	s9 =	sor.u32 $0x2040, s4;
	s8 =	sadd.s32 s0, s6;
	[dreg:$0x7] =	wrdreg s29  }
0xb: {  	s10 =	sadd.s32 s3, s9;
	[dreg:$0x8] =	wrdreg s8  }
0xc: {  	s12 =	sor.u32 $0x4000, s4;
	s11 =	sadd.s32 s0, s7;
	[dreg:$0x9] =	wrdreg s10  }
0xd: {  	s13 =	sadd.s32 s3, s12;
	[dreg:$0xa] =	wrdreg s11  }
0xe: {  	s15 =	sor.u32 $0x4040, s4;
	s14 =	sadd.s32 s0, s9;
	[dreg:$0xb] =	wrdreg s13  }
0xf: {  	s16 =	sadd.s32 s3, s15;
	[dreg:$0xc] =	wrdreg s14  }
0x10: {  	s18 =	sor.u32 $0x6000, s4;
	s17 =	sadd.s32 s0, s12;
	[dreg:$0xd] =	wrdreg s16  }
0x11: {  	s19 =	sadd.s32 s3, s18;
	[dreg:$0xe] =	wrdreg s17  }
0x12: {  	s21 =	sor.u32 $0x6040, s4;
	s20 =	sadd.s32 s0, s15;
	[dreg:$0xf] =	wrdreg s19  }
0x13: {  	s22 =	sadd.s32 s3, s21;
	[dreg:$0x10] =	wrdreg s20  }
0x14: {  	s24 =	sor.u32 $0x8000, s4;
	s23 =	sadd.s32 s0, s18;
	[dreg:$0x11] =	wrdreg s22  }
0x15: {  	s25 =	sadd.s32 s3, s24;
	[dreg:$0x12] =	wrdreg s23  }
0x16: {  	[dreg:$0x13] =	wrdreg s25  }
0x17: {  	s28 =	sor.u32 $0x8040, s4;
	s26 =	sadd.s32 s0, s21;
	s1 =	rddreg [dreg:$0x4]  }
0x18: {  	s29 =	sadd.s32 s3, s28;
	[dreg:$0x14] =	wrdreg s26  }
0x19: {  	s9 =	sor.u32 $0xA000, s4;
	s8 =	sadd.s32 s0, s24;
	[dreg:$0x15] =	wrdreg s29  }
0x1a: {  	s10 =	sadd.s32 s3, s9;
	[dreg:$0x16] =	wrdreg s8  }
0x1b: {  	s12 =	sor.u32 $0xA040, s4;
	s11 =	sadd.s32 s0, s28;
	[dreg:$0x17] =	wrdreg s10  }
0x1c: {  	s13 =	sadd.s32 s3, s12;
	[dreg:$0x18] =	wrdreg s11  }
0x1d: {  	s15 =	sor.u32 $0xC000, s4;
	s14 =	sadd.s32 s0, s9;
	[dreg:$0x19] =	wrdreg s13  }
0x1e: {  	s16 =	sadd.s32 s3, s15;
	[dreg:$0x1a] =	wrdreg s14  }
0x1f: {  	s18 =	sor.u32 $0xC040, s4;
	s17 =	sadd.s32 s0, s12;
	[dreg:$0x1b] =	wrdreg s16  }
0x20: {  	s19 =	sadd.s32 s3, s18;
	[dreg:$0x1c] =	wrdreg s17  }
0x21: {  	s20 =	sadd.s32 s0, s15;
	[dreg:$0x1d] =	wrdreg s19  }
0x22: {  	s21 =	sor.u32 $0xE000, s4;
	s23 =	sadd.s32 s0, s18;
	[dreg:$0x1e] =	wrdreg s20  }
0x23: {  	s24 =	sor.u32 $0xE040, s4;
	s22 =	sadd.s32 s3, s21;
	[smem:$0x7E5] =	sst s23  }
0x24: {  	p0 =	por $0x0, $0x0;
	s25 =	sadd.s32 s3, s24;
	[dreg:$0x1f] =	wrdreg s22  }
0x25: {  	s28 =	sor.u32 $0x10000, s4;
	s26 =	sadd.s32 s0, s21;
	[smem:$0x7E6] =	sst s25  }
0x26: {  	s5 =	ssub.s32 $0x2, s5;
	s29 =	sadd.s32 s3, s28;
	[smem:$0x7E7] =	sst s26  }
0x27: {  	s9 =	sor.u32 $0x10040, s4;
	s8 =	sadd.s32 s0, s24;
	[smem:$0x7E8] =	sst s29  }
0x28: {  	s7 =	simm.s32 $0x40;
	s10 =	sadd.s32 s3, s9;
	[smem:$0x7E9] =	sst s8  }
0x29: {  	s12 =	sor.u32 $0x12000, s4;
	s11 =	sadd.s32 s0, s28;
	[smem:$0x7EA] =	sst s10  }
0x2a: {  	s15 =	sor.u32 $0x12040, s4;
	s13 =	sadd.s32 s3, s12;
	[smem:$0x7EB] =	sst s11  }
0x2b: {  	s18 =	sor.u32 $0x14000, s4;
	s14 =	sadd.s32 s0, s9;
	[smem:$0x7EC] =	sst s13  }
0x2c: {  	s16 =	sadd.s32 s3, s15;
	s17 =	sadd.s32 s0, s12;
	[smem:$0x7ED] =	sst s14  }
0x2d: {  	s19 =	sadd.s32 s3, s18;
	s20 =	sadd.s32 s0, s15;
	[smem:$0x7EE] =	sst s16  }
0x2e: {  	s21 =	sor.u32 $0x14040, s4;
	s24 =	sadd.s32 s0, s18;
	[smem:$0x7EF] =	sst s17  }
0x2f: {  	s8 =	sshrl.u32 s5, $0x1;
	[smem:$0x7F0] =	sst s19;
	s22 =	smul.u32 $0x60000, s31  }
0x30: {  	[smem:$0x7F1] =	sst s20;
	s23 =	sadd.s32 s3, s21;
	s25 =	sor.u32 $0x16000, s4  }
0x31: {  	[smem:$0x7F3] =	sst s24;
	s28 =	sadd.s32 s0, s21;
	s29 =	sor.u32 $0x16040, s4  }
0x32: {  	s10 =	sor.u32 $0x18000, s4;
	s13 =	sor.u32 $0x18040, s4;
	[smem:$0x7F2] =	sst s23  }
0x33: {  	s17 =	sor.u32 $0x1A000, s4;
	s26 =	sadd.s32 s3, s25;
	[smem:$0x7F5] =	sst s28  }
0x34: {  	s20 =	sor.u32 $0x1A040, s4;
	s9 =	sadd.s32 s0, s25;
	[smem:$0x7F4] =	sst s26  }
0x35: {  	s5 =	ssub.s32 s5, s8;
	s11 =	sadd.s32 s3, s10;
	[smem:$0x7F7] =	sst s9  }
0x36: {  	s25 =	sshll.u32 s31, $0x6;
	s12 =	sadd.s32 s0, s29;
	[smem:$0x7F8] =	sst s11  }
0x37: {  	s14 =	sadd.s32 s3, s13;
	s16 =	sadd.s32 s0, s10;
	[smem:$0x7F9] =	sst s12  }
0x38: {  	s18 =	sadd.s32 s3, s17;
	s19 =	sadd.s32 s0, s13;
	[smem:$0x7FA] =	sst s14  }
0x39: {  	s24 =	sadd.s32 s3, s20;
	s23 =	sadd.s32 s0, s17;
	[smem:$0x7FB] =	sst s16  }
0x3a: {  	s28 =	sor.u32 $0x1E000, s4;
	s13 =	simm.s32 $0x1;
	[smem:$0x7FC] =	sst s18  }
0x3b: {  	s8 =	sshrl.u32 s22, $0x2;
	[smem:$0x7FD] =	sst s19;
	s22 =	sor.u32 $0x1C000, s4  }
0x3c: {  	s26 =	sor.u32 $0x1C040, s4;
	s19 =	sadd.s32 s0, s20;
	s4 =	sor.u32 $0x1E040, s4  }
0x3d: {  	s14 =	sadd.s32 s3, s28;
	s6 =	sadd.s32 s0, s28;
	s15 =	sadd.s32 s8, s2  }
0x3e: {  	s8 =	sadd.s32 s3, s29;
	s2 =	sor.u32 $0x1C01, s25;
	s21 =	sadd.s32 s3, s22  }
0x3f: {  	s17 =	sadd.s32 s3, s26;
	s16 =	sadd.s32 s0, s22;
	s29 =	smax.u32 s5, $0x1  }
0x40: {  	s11 =	sadd.s32 s0, s26;
	s10 =	sadd.s32 s3, s4;
	p1 =	sne.s32 s29, $0x1  }
.Ltmp0:
0x41: {  	s4 =	sadd.s32 s0, s4;
	s3 =	simm.s32 $0x4;
	(pc) =	sbr.rel @!p1 .LBB2_5-.Ltmp0, $4  }
0x42: {  	s22 =	simm.s32 $0x3;
	s5 =	simm.s32 $0x5;
	[smem:$0x7F6] =	sst s8  }
0x43: {  	s9 =	sadd.s32 $0x8000, s15;
	s12 =	sadd.s32 $0x10000, s15;
	s8 =	simm.s32 $0x80  }
0x44: {  	s0 =	sadd.s32 $0xFFFFFFFF, s29;
	s18 =	sshrl.u32 s15, $0x3;
	s15 =	simm.s32 $0x6  }
0x45: {  	s9 =	sshrl.u32 s9, $0x3;
	s20 =	sshrl.u32 s12, $0x3;
	s12 =	simm.s32 $0x2  }
0x46: {  	[spmem:s18@s7], [sflag:s2] =	dma.strided [hbm:s1@s8], $0x1000, s3, $0x10   }
0x47: {  	s26 =	sor.u32 $0x1C02, s25;
	s1 =	rddreg [dreg:$0x5]  }
0x48: {  	[spmem:s9@s7], [sflag:s26] =	dma.strided [hbm:s1@s8], $0x1000, s3, $0x10   }
0x49: {  	_ =	swait.ge [sflag:s13], $0x1000  }
0x4a: {  	[sflag:s13] =	ssyncset.done $0x0  }
0x4b: {  	s28 =	sor.u32 $0x1C04, s25;
	s1 =	rddreg [dreg:$0x6];
	[sflag:s13] =	ssyncadd.s32 $0xFFFFF000  }
0x4c: {  	[hbm:s1@s8], [sflag:s28] =	dma.strided [spmem:s18@s7], $0x1000, s3, $0x10   }
0x4d: {  	s29 =	sor.u32 $0x1C03, s25;
	s1 =	rddreg [dreg:$0x7]  }
0x4e: {  	[spmem:s20@s7], [sflag:s29] =	dma.strided [hbm:s1@s8], $0x1000, s3, $0x10   }
0x4f: {  	_ =	swait.ge [sflag:s12], $0x1000  }
0x50: {  	[sflag:s12] =	ssyncset.done $0x0  }
0x51: {  	s30 =	sor.u32 $0x1C05, s25;
	s1 =	rddreg [dreg:$0x8];
	[sflag:s12] =	ssyncadd.s32 $0xFFFFF000  }
0x52: {  	[hbm:s1@s8], [sflag:s30] =	dma.strided [spmem:s9@s7], $0x1000, s3, $0x10   }
0x53: {  	_ =	swait.ge [sflag:s3], $0x1000  }
0x54: {  	[sflag:s3] =	ssyncset.done $0x0  }
0x55: {  	s1 =	rddreg [dreg:$0x9];
	[sflag:s3] =	ssyncadd.s32 $0xFFFFF000  }
0x56: {  	[spmem:s18@s7], [sflag:s2] =	dma.strided [hbm:s1@s8], $0x1000, s3, $0x10   }
0x57: {  	_ =	swait.ge [sflag:s22], $0x1000  }
0x58: {  	[sflag:s22] =	ssyncset.done $0x0  }
0x59: {  	s31 =	sor.u32 $0x1C06, s25;
	s1 =	rddreg [dreg:$0xa];
	[sflag:s22] =	ssyncadd.s32 $0xFFFFF000  }
0x5a: {  	[hbm:s1@s8], [sflag:s31] =	dma.strided [spmem:s20@s7], $0x1000, s3, $0x10   }
0x5b: {  	_ =	swait.ge [sflag:s5], $0x1000  }
0x5c: {  	[sflag:s5] =	ssyncset.done $0x0  }
0x5d: {  	s1 =	rddreg [dreg:$0xb];
	[sflag:s5] =	ssyncadd.s32 $0xFFFFF000  }
0x5e: {  	[spmem:s9@s7], [sflag:s26] =	dma.strided [hbm:s1@s8], $0x1000, s3, $0x10   }
0x5f: {  	_ =	swait.ge [sflag:s13], $0x1000  }
0x60: {  	[sflag:s13] =	ssyncset.done $0x0  }
0x61: {  	s1 =	rddreg [dreg:$0xc];
	[sflag:s13] =	ssyncadd.s32 $0xFFFFF000  }
0x62: {  	[hbm:s1@s8], [sflag:s28] =	dma.strided [spmem:s18@s7], $0x1000, s3, $0x10   }
0x63: {  	_ =	swait.ge [sflag:s15], $0x1000  }
0x64: {  	[sflag:s15] =	ssyncset.done $0x0  }
0x65: {  	s1 =	rddreg [dreg:$0xd];
	[sflag:s15] =	ssyncadd.s32 $0xFFFFF000  }
0x66: {  	[spmem:s20@s7], [sflag:s29] =	dma.strided [hbm:s1@s8], $0x1000, s3, $0x10   }
0x67: {  	_ =	swait.ge [sflag:s12], $0x1000  }
0x68: {  	[sflag:s12] =	ssyncset.done $0x0  }
0x69: {  	s1 =	rddreg [dreg:$0xe];
	[sflag:s12] =	ssyncadd.s32 $0xFFFFF000  }
0x6a: {  	[hbm:s1@s8], [sflag:s30] =	dma.strided [spmem:s9@s7], $0x1000, s3, $0x10   }
0x6b: {  	_ =	swait.ge [sflag:s3], $0x1000  }
0x6c: {  	[sflag:s3] =	ssyncset.done $0x0  }
0x6d: {  	s1 =	rddreg [dreg:$0xf];
	[sflag:s3] =	ssyncadd.s32 $0xFFFFF000  }
0x6e: {  	[spmem:s18@s7], [sflag:s2] =	dma.strided [hbm:s1@s8], $0x1000, s3, $0x10   }
0x6f: {  	_ =	swait.ge [sflag:s22], $0x1000  }
0x70: {  	[sflag:s22] =	ssyncset.done $0x0  }
0x71: {  	s1 =	rddreg [dreg:$0x10];
	[sflag:s22] =	ssyncadd.s32 $0xFFFFF000  }
0x72: {  	[hbm:s1@s8], [sflag:s31] =	dma.strided [spmem:s20@s7], $0x1000, s3, $0x10   }
0x73: {  	_ =	swait.ge [sflag:s5], $0x1000  }
0x74: {  	[sflag:s5] =	ssyncset.done $0x0  }
0x75: {  	s1 =	rddreg [dreg:$0x11];
	[sflag:s5] =	ssyncadd.s32 $0xFFFFF000  }
0x76: {  	[spmem:s9@s7], [sflag:s26] =	dma.strided [hbm:s1@s8], $0x1000, s3, $0x10   }
0x77: {  	_ =	swait.ge [sflag:s13], $0x1000  }
0x78: {  	[sflag:s13] =	ssyncset.done $0x0  }
0x79: {  	s1 =	rddreg [dreg:$0x12];
	[sflag:s13] =	ssyncadd.s32 $0xFFFFF000  }
0x7a: {  	[hbm:s1@s8], [sflag:s28] =	dma.strided [spmem:s18@s7], $0x1000, s3, $0x10   }
0x7b: {  	_ =	swait.ge [sflag:s15], $0x1000  }
0x7c: {  	[sflag:s15] =	ssyncset.done $0x0  }
0x7d: {  	s1 =	rddreg [dreg:$0x13];
	[sflag:s15] =	ssyncadd.s32 $0xFFFFF000  }
0x7e: {  	[spmem:s20@s7], [sflag:s29] =	dma.strided [hbm:s1@s8], $0x1000, s3, $0x10   }
0x7f: {  	_ =	swait.ge [sflag:s12], $0x1000  }
0x80: {  	[sflag:s12] =	ssyncset.done $0x0  }
0x81: {  	s1 =	rddreg [dreg:$0x14];
	[sflag:s12] =	ssyncadd.s32 $0xFFFFF000  }
0x82: {  	[hbm:s1@s8], [sflag:s30] =	dma.strided [spmem:s9@s7], $0x1000, s3, $0x10   }
0x83: {  	_ =	swait.ge [sflag:s3], $0x1000  }
0x84: {  	[sflag:s3] =	ssyncset.done $0x0  }
0x85: {  	s1 =	rddreg [dreg:$0x15];
	[sflag:s3] =	ssyncadd.s32 $0xFFFFF000  }
0x86: {  	[spmem:s18@s7], [sflag:s2] =	dma.strided [hbm:s1@s8], $0x1000, s3, $0x10   }
0x87: {  	_ =	swait.ge [sflag:s22], $0x1000  }
0x88: {  	[sflag:s22] =	ssyncset.done $0x0  }
0x89: {  	s1 =	rddreg [dreg:$0x16];
	[sflag:s22] =	ssyncadd.s32 $0xFFFFF000  }
0x8a: {  	[hbm:s1@s8], [sflag:s31] =	dma.strided [spmem:s20@s7], $0x1000, s3, $0x10   }
0x8b: {  	_ =	swait.ge [sflag:s5], $0x1000  }
0x8c: {  	[sflag:s5] =	ssyncset.done $0x0  }
0x8d: {  	s1 =	rddreg [dreg:$0x17];
	[sflag:s5] =	ssyncadd.s32 $0xFFFFF000  }
0x8e: {  	[spmem:s9@s7], [sflag:s26] =	dma.strided [hbm:s1@s8], $0x1000, s3, $0x10   }
0x8f: {  	_ =	swait.ge [sflag:s13], $0x1000  }
0x90: {  	[sflag:s13] =	ssyncset.done $0x0  }
0x91: {  	s1 =	rddreg [dreg:$0x18];
	[sflag:s13] =	ssyncadd.s32 $0xFFFFF000  }
0x92: {  	[hbm:s1@s8], [sflag:s28] =	dma.strided [spmem:s18@s7], $0x1000, s3, $0x10   }
0x93: {  	_ =	swait.ge [sflag:s15], $0x1000  }
0x94: {  	[sflag:s15] =	ssyncset.done $0x0  }
0x95: {  	s1 =	rddreg [dreg:$0x19];
	[sflag:s15] =	ssyncadd.s32 $0xFFFFF000  }
0x96: {  	[spmem:s20@s7], [sflag:s29] =	dma.strided [hbm:s1@s8], $0x1000, s3, $0x10   }
0x97: {  	_ =	swait.ge [sflag:s12], $0x1000  }
0x98: {  	[sflag:s12] =	ssyncset.done $0x0  }
0x99: {  	s1 =	rddreg [dreg:$0x1a];
	[sflag:s12] =	ssyncadd.s32 $0xFFFFF000  }
0x9a: {  	[hbm:s1@s8], [sflag:s30] =	dma.strided [spmem:s9@s7], $0x1000, s3, $0x10   }
0x9b: {  	_ =	swait.ge [sflag:s3], $0x1000  }
0x9c: {  	[sflag:s3] =	ssyncset.done $0x0  }
0x9d: {  	s1 =	rddreg [dreg:$0x1b];
	[sflag:s3] =	ssyncadd.s32 $0xFFFFF000  }
0x9e: {  	[spmem:s18@s7], [sflag:s2] =	dma.strided [hbm:s1@s8], $0x1000, s3, $0x10   }
0x9f: {  	_ =	swait.ge [sflag:s22], $0x1000  }
0xa0: {  	[sflag:s22] =	ssyncset.done $0x0  }
0xa1: {  	s1 =	rddreg [dreg:$0x1c];
	[sflag:s22] =	ssyncadd.s32 $0xFFFFF000  }
0xa2: {  	[hbm:s1@s8], [sflag:s31] =	dma.strided [spmem:s20@s7], $0x1000, s3, $0x10   }
0xa3: {  	_ =	swait.ge [sflag:s5], $0x1000  }
0xa4: {  	[sflag:s5] =	ssyncset.done $0x0  }
0xa5: {  	s1 =	rddreg [dreg:$0x1d];
	[sflag:s5] =	ssyncadd.s32 $0xFFFFF000  }
0xa6: {  	[spmem:s9@s7], [sflag:s26] =	dma.strided [hbm:s1@s8], $0x1000, s3, $0x10   }
0xa7: {  	_ =	swait.ge [sflag:s13], $0x1000  }
0xa8: {  	[sflag:s13] =	ssyncset.done $0x0  }
0xa9: {  	s1 =	rddreg [dreg:$0x1e];
	[sflag:s13] =	ssyncadd.s32 $0xFFFFF000  }
0xaa: {  	[hbm:s1@s8], [sflag:s28] =	dma.strided [spmem:s18@s7], $0x1000, s3, $0x10   }
0xab: {  	_ =	swait.ge [sflag:s15], $0x1000  }
0xac: {  	[sflag:s15] =	ssyncset.done $0x0  }
0xad: {  	s1 =	rddreg [dreg:$0x1f];
	[sflag:s15] =	ssyncadd.s32 $0xFFFFF000  }
0xae: {  	[spmem:s20@s7], [sflag:s29] =	dma.strided [hbm:s1@s8], $0x1000, s3, $0x10   }
0xaf: {  	_ =	swait.ge [sflag:s12], $0x1000  }
0xb0: {  	s1 =	sld [smem:$0x7E5]  }
0xb1: {  	[sflag:s12] =	ssyncset.done $0x0  }
0xb2: {  	[sflag:s12] =	ssyncadd.s32 $0xFFFFF000  }
0xb3: {  	[hbm:s1@s8], [sflag:s30] =	dma.strided [spmem:s9@s7], $0x1000, s3, $0x10   }
0xb4: {  	_ =	swait.ge [sflag:s3], $0x1000  }
0xb5: {  	s1 =	sld [smem:$0x7E6]  }
0xb6: {  	[sflag:s3] =	ssyncset.done $0x0  }
0xb7: {  	[sflag:s3] =	ssyncadd.s32 $0xFFFFF000  }
0xb8: {  	[spmem:s18@s7], [sflag:s2] =	dma.strided [hbm:s1@s8], $0x1000, s3, $0x10   }
0xb9: {  	_ =	swait.ge [sflag:s22], $0x1000  }
0xba: {  	s1 =	sld [smem:$0x7E7]  }
0xbb: {  	[sflag:s22] =	ssyncset.done $0x0  }
0xbc: {  	[sflag:s22] =	ssyncadd.s32 $0xFFFFF000  }
0xbd: {  	[hbm:s1@s8], [sflag:s31] =	dma.strided [spmem:s20@s7], $0x1000, s3, $0x10   }
0xbe: {  	_ =	swait.ge [sflag:s5], $0x1000  }
0xbf: {  	s1 =	sld [smem:$0x7E8]  }
0xc0: {  	[sflag:s5] =	ssyncset.done $0x0  }
0xc1: {  	[sflag:s5] =	ssyncadd.s32 $0xFFFFF000  }
0xc2: {  	[spmem:s9@s7], [sflag:s26] =	dma.strided [hbm:s1@s8], $0x1000, s3, $0x10   }
0xc3: {  	_ =	swait.ge [sflag:s13], $0x1000  }
0xc4: {  	s1 =	sld [smem:$0x7E9]  }
0xc5: {  	[sflag:s13] =	ssyncset.done $0x0  }
0xc6: {  	[sflag:s13] =	ssyncadd.s32 $0xFFFFF000  }
0xc7: {  	[hbm:s1@s8], [sflag:s28] =	dma.strided [spmem:s18@s7], $0x1000, s3, $0x10   }
0xc8: {  	_ =	swait.ge [sflag:s15], $0x1000  }
0xc9: {  	s1 =	sld [smem:$0x7EA]  }
0xca: {  	[sflag:s15] =	ssyncset.done $0x0  }
0xcb: {  	[sflag:s15] =	ssyncadd.s32 $0xFFFFF000  }
0xcc: {  	[spmem:s20@s7], [sflag:s29] =	dma.strided [hbm:s1@s8], $0x1000, s3, $0x10   }
0xcd: {  	_ =	swait.ge [sflag:s12], $0x1000  }
0xce: {  	s1 =	sld [smem:$0x7EB]  }
0xcf: {  	[sflag:s12] =	ssyncset.done $0x0  }
0xd0: {  	[sflag:s12] =	ssyncadd.s32 $0xFFFFF000  }
0xd1: {  	[hbm:s1@s8], [sflag:s30] =	dma.strided [spmem:s9@s7], $0x1000, s3, $0x10   }
0xd2: {  	_ =	swait.ge [sflag:s3], $0x1000  }
0xd3: {  	s1 =	sld [smem:$0x7EC]  }
0xd4: {  	[sflag:s3] =	ssyncset.done $0x0  }
0xd5: {  	[sflag:s3] =	ssyncadd.s32 $0xFFFFF000  }
0xd6: {  	[spmem:s18@s7], [sflag:s2] =	dma.strided [hbm:s1@s8], $0x1000, s3, $0x10   }
0xd7: {  	_ =	swait.ge [sflag:s22], $0x1000  }
0xd8: {  	s1 =	sld [smem:$0x7ED]  }
0xd9: {  	[sflag:s22] =	ssyncset.done $0x0  }
0xda: {  	[sflag:s22] =	ssyncadd.s32 $0xFFFFF000  }
0xdb: {  	[hbm:s1@s8], [sflag:s31] =	dma.strided [spmem:s20@s7], $0x1000, s3, $0x10   }
0xdc: {  	_ =	swait.ge [sflag:s5], $0x1000  }
0xdd: {  	s1 =	sld [smem:$0x7EE]  }
0xde: {  	[sflag:s5] =	ssyncset.done $0x0  }
0xdf: {  	[sflag:s5] =	ssyncadd.s32 $0xFFFFF000  }
0xe0: {  	[spmem:s9@s7], [sflag:s26] =	dma.strided [hbm:s1@s8], $0x1000, s3, $0x10   }
0xe1: {  	_ =	swait.ge [sflag:s13], $0x1000  }
0xe2: {  	s1 =	sld [smem:$0x7EF]  }
0xe3: {  	[sflag:s13] =	ssyncset.done $0x0  }
0xe4: {  	[sflag:s13] =	ssyncadd.s32 $0xFFFFF000  }
0xe5: {  	[hbm:s1@s8], [sflag:s28] =	dma.strided [spmem:s18@s7], $0x1000, s3, $0x10   }
0xe6: {  	_ =	swait.ge [sflag:s15], $0x1000  }
0xe7: {  	s1 =	sld [smem:$0x7F0]  }
0xe8: {  	[sflag:s15] =	ssyncset.done $0x0  }
0xe9: {  	[sflag:s15] =	ssyncadd.s32 $0xFFFFF000  }
0xea: {  	[spmem:s20@s7], [sflag:s29] =	dma.strided [hbm:s1@s8], $0x1000, s3, $0x10   }
0xeb: {  	_ =	swait.ge [sflag:s12], $0x1000  }
0xec: {  	s1 =	sld [smem:$0x7F1]  }
0xed: {  	[sflag:s12] =	ssyncset.done $0x0  }
0xee: {  	[sflag:s12] =	ssyncadd.s32 $0xFFFFF000  }
0xef: {  	[hbm:s1@s8], [sflag:s30] =	dma.strided [spmem:s9@s7], $0x1000, s3, $0x10   }
0xf0: {  	_ =	swait.ge [sflag:s3], $0x1000  }
0xf1: {  	s1 =	sld [smem:$0x7F2]  }
0xf2: {  	[sflag:s3] =	ssyncset.done $0x0  }
0xf3: {  	[sflag:s3] =	ssyncadd.s32 $0xFFFFF000  }
0xf4: {  	[spmem:s18@s7], [sflag:s2] =	dma.strided [hbm:s1@s8], $0x1000, s3, $0x10   }
0xf5: {  	_ =	swait.ge [sflag:s22], $0x1000  }
0xf6: {  	s1 =	sld [smem:$0x7F3]  }
0xf7: {  	[sflag:s22] =	ssyncset.done $0x0  }
0xf8: {  	[sflag:s22] =	ssyncadd.s32 $0xFFFFF000  }
0xf9: {  	[hbm:s1@s8], [sflag:s31] =	dma.strided [spmem:s20@s7], $0x1000, s3, $0x10   }
0xfa: {  	_ =	swait.ge [sflag:s5], $0x1000  }
0xfb: {  	s1 =	sld [smem:$0x7F4]  }
0xfc: {  	[sflag:s5] =	ssyncset.done $0x0  }
0xfd: {  	[sflag:s5] =	ssyncadd.s32 $0xFFFFF000  }
0xfe: {  	[spmem:s9@s7], [sflag:s26] =	dma.strided [hbm:s1@s8], $0x1000, s3, $0x10   }
0xff: {  	_ =	swait.ge [sflag:s13], $0x1000  }
0x100: {  	s1 =	sld [smem:$0x7F5]  }
0x101: {  	[sflag:s13] =	ssyncset.done $0x0  }
0x102: {  	[sflag:s13] =	ssyncadd.s32 $0xFFFFF000  }
0x103: {  	[hbm:s1@s8], [sflag:s28] =	dma.strided [spmem:s18@s7], $0x1000, s3, $0x10   }
0x104: {  	_ =	swait.ge [sflag:s15], $0x1000  }
0x105: {  	s1 =	sld [smem:$0x7F6]  }
0x106: {  	[sflag:s15] =	ssyncset.done $0x0  }
0x107: {  	[sflag:s15] =	ssyncadd.s32 $0xFFFFF000  }
0x108: {  	[spmem:s20@s7], [sflag:s29] =	dma.strided [hbm:s1@s8], $0x1000, s3, $0x10   }
0x109: {  	_ =	swait.ge [sflag:s12], $0x1000  }
0x10a: {  	s1 =	sld [smem:$0x7F7]  }
0x10b: {  	[sflag:s12] =	ssyncset.done $0x0  }
0x10c: {  	[sflag:s12] =	ssyncadd.s32 $0xFFFFF000  }
0x10d: {  	[hbm:s1@s8], [sflag:s30] =	dma.strided [spmem:s9@s7], $0x1000, s3, $0x10   }
0x10e: {  	_ =	swait.ge [sflag:s3], $0x1000  }
0x10f: {  	s1 =	sld [smem:$0x7F8]  }
0x110: {  	[sflag:s3] =	ssyncset.done $0x0  }
0x111: {  	[sflag:s3] =	ssyncadd.s32 $0xFFFFF000  }
0x112: {  	[spmem:s18@s7], [sflag:s2] =	dma.strided [hbm:s1@s8], $0x1000, s3, $0x10   }
0x113: {  	_ =	swait.ge [sflag:s22], $0x1000  }
0x114: {  	s1 =	sld [smem:$0x7F9]  }
0x115: {  	[sflag:s22] =	ssyncset.done $0x0  }
0x116: {  	[sflag:s22] =	ssyncadd.s32 $0xFFFFF000  }
0x117: {  	[hbm:s1@s8], [sflag:s31] =	dma.strided [spmem:s20@s7], $0x1000, s3, $0x10   }
0x118: {  	_ =	swait.ge [sflag:s5], $0x1000  }
0x119: {  	s1 =	sld [smem:$0x7FA]  }
0x11a: {  	[sflag:s5] =	ssyncset.done $0x0  }
0x11b: {  	[sflag:s5] =	ssyncadd.s32 $0xFFFFF000  }
0x11c: {  	[spmem:s9@s7], [sflag:s26] =	dma.strided [hbm:s1@s8], $0x1000, s3, $0x10   }
0x11d: {  	_ =	swait.ge [sflag:s13], $0x1000  }
0x11e: {  	s1 =	sld [smem:$0x7FB]  }
0x11f: {  	[sflag:s13] =	ssyncset.done $0x0  }
0x120: {  	[sflag:s13] =	ssyncadd.s32 $0xFFFFF000  }
0x121: {  	[hbm:s1@s8], [sflag:s28] =	dma.strided [spmem:s18@s7], $0x1000, s3, $0x10   }
0x122: {  	_ =	swait.ge [sflag:s15], $0x1000  }
0x123: {  	s1 =	sld [smem:$0x7FC]  }
0x124: {  	[sflag:s15] =	ssyncset.done $0x0  }
0x125: {  	[sflag:s15] =	ssyncadd.s32 $0xFFFFF000  }
0x126: {  	[spmem:s20@s7], [sflag:s29] =	dma.strided [hbm:s1@s8], $0x1000, s3, $0x10   }
0x127: {  	_ =	swait.ge [sflag:s12], $0x1000  }
0x128: {  	s1 =	sld [smem:$0x7FD]  }
0x129: {  	[sflag:s12] =	ssyncset.done $0x0  }
0x12a: {  	[sflag:s12] =	ssyncadd.s32 $0xFFFFF000  }
0x12b: {  	[hbm:s1@s8], [sflag:s30] =	dma.strided [spmem:s9@s7], $0x1000, s3, $0x10   }
0x12c: {  	_ =	swait.ge [sflag:s3], $0x1000  }
0x12d: {  	[sflag:s3] =	ssyncset.done $0x0  }
0x12e: {  	[sflag:s3] =	ssyncadd.s32 $0xFFFFF000  }
0x12f: {  	[spmem:s18@s7], [sflag:s2] =	dma.strided [hbm:s24@s8], $0x1000, s3, $0x10   }
0x130: {  	_ =	swait.ge [sflag:s22], $0x1000  }
0x131: {  	[sflag:s22] =	ssyncset.done $0x0  }
0x132: {  	[sflag:s22] =	ssyncadd.s32 $0xFFFFF000  }
0x133: {  	[hbm:s23@s8], [sflag:s31] =	dma.strided [spmem:s20@s7], $0x1000, s3, $0x10   }
0x134: {  	_ =	swait.ge [sflag:s5], $0x1000  }
0x135: {  	[sflag:s5] =	ssyncset.done $0x0  }
0x136: {  	[sflag:s5] =	ssyncadd.s32 $0xFFFFF000  }
0x137: {  	[spmem:s9@s7], [sflag:s26] =	dma.strided [hbm:s21@s8], $0x1000, s3, $0x10   }
0x138: {  	_ =	swait.ge [sflag:s13], $0x1000  }
0x139: {  	[sflag:s13] =	ssyncset.done $0x0  }
0x13a: {  	[sflag:s13] =	ssyncadd.s32 $0xFFFFF000  }
0x13b: {  	[hbm:s19@s8], [sflag:s28] =	dma.strided [spmem:s18@s7], $0x1000, s3, $0x10   }
0x13c: {  	_ =	swait.ge [sflag:s15], $0x1000  }
0x13d: {  	[sflag:s15] =	ssyncset.done $0x0  }
0x13e: {  	[sflag:s15] =	ssyncadd.s32 $0xFFFFF000  }
0x13f: {  	[spmem:s20@s7], [sflag:s29] =	dma.strided [hbm:s17@s8], $0x1000, s3, $0x10   }
0x140: {  	_ =	swait.ge [sflag:s12], $0x1000  }
0x141: {  	[sflag:s12] =	ssyncset.done $0x0  }
0x142: {  	[sflag:s12] =	ssyncadd.s32 $0xFFFFF000  }
0x143: {  	[hbm:s16@s8], [sflag:s30] =	dma.strided [spmem:s9@s7], $0x1000, s3, $0x10   }
0x144: {  	_ =	swait.ge [sflag:s3], $0x1000  }
0x145: {  	[sflag:s3] =	ssyncset.done $0x0  }
0x146: {  	[sflag:s3] =	ssyncadd.s32 $0xFFFFF000  }
0x147: {  	[spmem:s18@s7], [sflag:s2] =	dma.strided [hbm:s14@s8], $0x1000, s3, $0x10   }
0x148: {  	_ =	swait.ge [sflag:s22], $0x1000  }
0x149: {  	[sflag:s22] =	ssyncset.done $0x0  }
0x14a: {  	[sflag:s22] =	ssyncadd.s32 $0xFFFFF000  }
0x14b: {  	[hbm:s11@s8], [sflag:s31] =	dma.strided [spmem:s20@s7], $0x1000, s3, $0x10   }
0x14c: {  	_ =	swait.ge [sflag:s5], $0x1000  }
0x14d: {  	[sflag:s5] =	ssyncset.done $0x0  }
0x14e: {  	[sflag:s5] =	ssyncadd.s32 $0xFFFFF000  }
0x14f: {  	[spmem:s9@s7], [sflag:s26] =	dma.strided [hbm:s10@s8], $0x1000, s3, $0x10   }
0x150: {  	_ =	swait.ge [sflag:s13], $0x1000  }
0x151: {  	[sflag:s13] =	ssyncset.done $0x0  }
0x152: {  	[sflag:s13] =	ssyncadd.s32 $0xFFFFF000  }
0x153: {  	[hbm:s6@s8], [sflag:s28] =	dma.strided [spmem:s18@s7], $0x1000, s3, $0x10   }
0x154: {  	_ =	swait.ge [sflag:s12], $0x1000  }
0x155: {  	[sflag:s12] =	ssyncset.done $0x0  }
0x156: {  	[sflag:s12] =	ssyncadd.s32 $0xFFFFF000  }
0x157: {  	[hbm:s4@s8], [sflag:s30] =	dma.strided [spmem:s9@s7], $0x1000, s3, $0x10   }
0x158: {  	_ =	swait.ge [sflag:s15], $0x1000  }
0x159: {  	[sflag:s15] =	ssyncset.done $0x0  }
0x15a: {  	p1 =	sne.s32 s0, $0x1;
	[sflag:s15] =	ssyncadd.s32 $0xFFFFF000  }
.Ltmp1:
0x15b: {  	_ =	swait.ge [sflag:s3], $0x1000;
	(pc) =	sbr.rel @!p1 .LBB2_2-.Ltmp1, $4  }
0x15c: {  	[sflag:s3] =	ssyncset.done $0x0  }
0x15d: {  	[sflag:s3] =	ssyncadd.s32 $0xFFFFF000  }
0x15e: {  	s0 =	sadd.s32 $0xFFFFFFFF, s0;
	_ =	swait.ge [sflag:s5], $0x1000  }
0x15f: {  	p0 =	por $0x1, $0x1;
	s1 =	rddreg [dreg:$0x4];
	[sflag:s5] =	ssyncset.done $0x0  }
.LBB2_3:
0x160: {  	[sflag:s5] =	ssyncadd.s32 $0xFFFFF000  }
0x161: {  	[spmem:s18@s7], [sflag:s2] =	dma.strided [hbm:s1@s8], $0x1000, s3, $0x10   }
0x162: {  	s1 =	rddreg [dreg:$0x5]  }
0x163: {  	[spmem:s9@s7], [sflag:s26] =	dma.strided [hbm:s1@s8], $0x1000, s3, $0x10   }
0x164: {  	_ =	swait.ge [sflag:s13], $0x1000  }
0x165: {  	[sflag:s13] =	ssyncset.done $0x0  }
0x166: {  	s1 =	rddreg [dreg:$0x6];
	[sflag:s13] =	ssyncadd.s32 $0xFFFFF000  }
0x167: {  	[hbm:s1@s8], [sflag:s28] =	dma.strided [spmem:s18@s7], $0x1000, s3, $0x10   }
0x168: {  	s1 =	rddreg [dreg:$0x7]  }
0x169: {  	[spmem:s20@s7], [sflag:s29] =	dma.strided [hbm:s1@s8], $0x1000, s3, $0x10   }
0x16a: {  	_ =	swait.ge [sflag:s12], $0x1000  }
0x16b: {  	[sflag:s12] =	ssyncset.done $0x0  }
0x16c: {  	s1 =	rddreg [dreg:$0x8];
	[sflag:s12] =	ssyncadd.s32 $0xFFFFF000  }
0x16d: {  	[hbm:s1@s8], [sflag:s30] =	dma.strided [spmem:s9@s7], $0x1000, s3, $0x10   }
0x16e: {  	_ =	swait.ge [sflag:s3], $0x1000  }
0x16f: {  	[sflag:s3] =	ssyncset.done $0x0  }
0x170: {  	s1 =	rddreg [dreg:$0x9];
	[sflag:s3] =	ssyncadd.s32 $0xFFFFF000  }
0x171: {  	[spmem:s18@s7], [sflag:s2] =	dma.strided [hbm:s1@s8], $0x1000, s3, $0x10   }
0x172: {  	_ =	swait.ge [sflag:s22], $0x1000  }
0x173: {  	[sflag:s22] =	ssyncset.done $0x0  }
0x174: {  	s1 =	rddreg [dreg:$0xa];
	[sflag:s22] =	ssyncadd.s32 $0xFFFFF000  }
0x175: {  	[hbm:s1@s8], [sflag:s31] =	dma.strided [spmem:s20@s7], $0x1000, s3, $0x10   }
0x176: {  	_ =	swait.ge [sflag:s5], $0x1000  }
0x177: {  	[sflag:s5] =	ssyncset.done $0x0  }
0x178: {  	s1 =	rddreg [dreg:$0xb];
	[sflag:s5] =	ssyncadd.s32 $0xFFFFF000  }
0x179: {  	[spmem:s9@s7], [sflag:s26] =	dma.strided [hbm:s1@s8], $0x1000, s3, $0x10   }
0x17a: {  	_ =	swait.ge [sflag:s13], $0x1000  }
0x17b: {  	[sflag:s13] =	ssyncset.done $0x0  }
0x17c: {  	s1 =	rddreg [dreg:$0xc];
	[sflag:s13] =	ssyncadd.s32 $0xFFFFF000  }
0x17d: {  	[hbm:s1@s8], [sflag:s28] =	dma.strided [spmem:s18@s7], $0x1000, s3, $0x10   }
0x17e: {  	_ =	swait.ge [sflag:s15], $0x1000  }
0x17f: {  	[sflag:s15] =	ssyncset.done $0x0  }
0x180: {  	s1 =	rddreg [dreg:$0xd];
	[sflag:s15] =	ssyncadd.s32 $0xFFFFF000  }
0x181: {  	[spmem:s20@s7], [sflag:s29] =	dma.strided [hbm:s1@s8], $0x1000, s3, $0x10   }
0x182: {  	_ =	swait.ge [sflag:s12], $0x1000  }
0x183: {  	[sflag:s12] =	ssyncset.done $0x0  }
0x184: {  	s1 =	rddreg [dreg:$0xe];
	[sflag:s12] =	ssyncadd.s32 $0xFFFFF000  }
0x185: {  	[hbm:s1@s8], [sflag:s30] =	dma.strided [spmem:s9@s7], $0x1000, s3, $0x10   }
0x186: {  	_ =	swait.ge [sflag:s3], $0x1000  }
0x187: {  	[sflag:s3] =	ssyncset.done $0x0  }
0x188: {  	s1 =	rddreg [dreg:$0xf];
	[sflag:s3] =	ssyncadd.s32 $0xFFFFF000  }
0x189: {  	[spmem:s18@s7], [sflag:s2] =	dma.strided [hbm:s1@s8], $0x1000, s3, $0x10   }
0x18a: {  	_ =	swait.ge [sflag:s22], $0x1000  }
0x18b: {  	[sflag:s22] =	ssyncset.done $0x0  }
0x18c: {  	s1 =	rddreg [dreg:$0x10];
	[sflag:s22] =	ssyncadd.s32 $0xFFFFF000  }
0x18d: {  	[hbm:s1@s8], [sflag:s31] =	dma.strided [spmem:s20@s7], $0x1000, s3, $0x10   }
0x18e: {  	_ =	swait.ge [sflag:s5], $0x1000  }
0x18f: {  	[sflag:s5] =	ssyncset.done $0x0  }
0x190: {  	s1 =	rddreg [dreg:$0x11];
	[sflag:s5] =	ssyncadd.s32 $0xFFFFF000  }
0x191: {  	[spmem:s9@s7], [sflag:s26] =	dma.strided [hbm:s1@s8], $0x1000, s3, $0x10   }
0x192: {  	_ =	swait.ge [sflag:s13], $0x1000  }
0x193: {  	[sflag:s13] =	ssyncset.done $0x0  }
0x194: {  	s1 =	rddreg [dreg:$0x12];
	[sflag:s13] =	ssyncadd.s32 $0xFFFFF000  }
0x195: {  	[hbm:s1@s8], [sflag:s28] =	dma.strided [spmem:s18@s7], $0x1000, s3, $0x10   }
0x196: {  	_ =	swait.ge [sflag:s15], $0x1000  }
0x197: {  	[sflag:s15] =	ssyncset.done $0x0  }
0x198: {  	s1 =	rddreg [dreg:$0x13];
	[sflag:s15] =	ssyncadd.s32 $0xFFFFF000  }
0x199: {  	[spmem:s20@s7], [sflag:s29] =	dma.strided [hbm:s1@s8], $0x1000, s3, $0x10   }
0x19a: {  	_ =	swait.ge [sflag:s12], $0x1000  }
0x19b: {  	[sflag:s12] =	ssyncset.done $0x0  }
0x19c: {  	s1 =	rddreg [dreg:$0x14];
	[sflag:s12] =	ssyncadd.s32 $0xFFFFF000  }
0x19d: {  	[hbm:s1@s8], [sflag:s30] =	dma.strided [spmem:s9@s7], $0x1000, s3, $0x10   }
0x19e: {  	_ =	swait.ge [sflag:s3], $0x1000  }
0x19f: {  	[sflag:s3] =	ssyncset.done $0x0  }
0x1a0: {  	s1 =	rddreg [dreg:$0x15];
	[sflag:s3] =	ssyncadd.s32 $0xFFFFF000  }
0x1a1: {  	[spmem:s18@s7], [sflag:s2] =	dma.strided [hbm:s1@s8], $0x1000, s3, $0x10   }
0x1a2: {  	_ =	swait.ge [sflag:s22], $0x1000  }
0x1a3: {  	[sflag:s22] =	ssyncset.done $0x0  }
0x1a4: {  	s1 =	rddreg [dreg:$0x16];
	[sflag:s22] =	ssyncadd.s32 $0xFFFFF000  }
0x1a5: {  	[hbm:s1@s8], [sflag:s31] =	dma.strided [spmem:s20@s7], $0x1000, s3, $0x10   }
0x1a6: {  	_ =	swait.ge [sflag:s5], $0x1000  }
0x1a7: {  	[sflag:s5] =	ssyncset.done $0x0  }
0x1a8: {  	s1 =	rddreg [dreg:$0x17];
	[sflag:s5] =	ssyncadd.s32 $0xFFFFF000  }
0x1a9: {  	[spmem:s9@s7], [sflag:s26] =	dma.strided [hbm:s1@s8], $0x1000, s3, $0x10   }
0x1aa: {  	_ =	swait.ge [sflag:s13], $0x1000  }
0x1ab: {  	[sflag:s13] =	ssyncset.done $0x0  }
0x1ac: {  	s1 =	rddreg [dreg:$0x18];
	[sflag:s13] =	ssyncadd.s32 $0xFFFFF000  }
0x1ad: {  	[hbm:s1@s8], [sflag:s28] =	dma.strided [spmem:s18@s7], $0x1000, s3, $0x10   }
0x1ae: {  	_ =	swait.ge [sflag:s15], $0x1000  }
0x1af: {  	[sflag:s15] =	ssyncset.done $0x0  }
0x1b0: {  	s1 =	rddreg [dreg:$0x19];
	[sflag:s15] =	ssyncadd.s32 $0xFFFFF000  }
0x1b1: {  	[spmem:s20@s7], [sflag:s29] =	dma.strided [hbm:s1@s8], $0x1000, s3, $0x10   }
0x1b2: {  	_ =	swait.ge [sflag:s12], $0x1000  }
0x1b3: {  	[sflag:s12] =	ssyncset.done $0x0  }
0x1b4: {  	s1 =	rddreg [dreg:$0x1a];
	[sflag:s12] =	ssyncadd.s32 $0xFFFFF000  }
0x1b5: {  	[hbm:s1@s8], [sflag:s30] =	dma.strided [spmem:s9@s7], $0x1000, s3, $0x10   }
0x1b6: {  	_ =	swait.ge [sflag:s3], $0x1000  }
0x1b7: {  	[sflag:s3] =	ssyncset.done $0x0  }
0x1b8: {  	s1 =	rddreg [dreg:$0x1b];
	[sflag:s3] =	ssyncadd.s32 $0xFFFFF000  }
0x1b9: {  	[spmem:s18@s7], [sflag:s2] =	dma.strided [hbm:s1@s8], $0x1000, s3, $0x10   }
0x1ba: {  	_ =	swait.ge [sflag:s22], $0x1000  }
0x1bb: {  	[sflag:s22] =	ssyncset.done $0x0  }
0x1bc: {  	s1 =	rddreg [dreg:$0x1c];
	[sflag:s22] =	ssyncadd.s32 $0xFFFFF000  }
0x1bd: {  	[hbm:s1@s8], [sflag:s31] =	dma.strided [spmem:s20@s7], $0x1000, s3, $0x10   }
0x1be: {  	_ =	swait.ge [sflag:s5], $0x1000  }
0x1bf: {  	[sflag:s5] =	ssyncset.done $0x0  }
0x1c0: {  	s1 =	rddreg [dreg:$0x1d];
	[sflag:s5] =	ssyncadd.s32 $0xFFFFF000  }
0x1c1: {  	[spmem:s9@s7], [sflag:s26] =	dma.strided [hbm:s1@s8], $0x1000, s3, $0x10   }
0x1c2: {  	_ =	swait.ge [sflag:s13], $0x1000  }
0x1c3: {  	[sflag:s13] =	ssyncset.done $0x0  }
0x1c4: {  	s1 =	rddreg [dreg:$0x1e];
	[sflag:s13] =	ssyncadd.s32 $0xFFFFF000  }
0x1c5: {  	[hbm:s1@s8], [sflag:s28] =	dma.strided [spmem:s18@s7], $0x1000, s3, $0x10   }
0x1c6: {  	_ =	swait.ge [sflag:s15], $0x1000  }
0x1c7: {  	[sflag:s15] =	ssyncset.done $0x0  }
0x1c8: {  	s1 =	rddreg [dreg:$0x1f];
	[sflag:s15] =	ssyncadd.s32 $0xFFFFF000  }
0x1c9: {  	[spmem:s20@s7], [sflag:s29] =	dma.strided [hbm:s1@s8], $0x1000, s3, $0x10   }
0x1ca: {  	_ =	swait.ge [sflag:s12], $0x1000  }
0x1cb: {  	s1 =	sld [smem:$0x7E5]  }
0x1cc: {  	[sflag:s12] =	ssyncset.done $0x0  }
0x1cd: {  	[sflag:s12] =	ssyncadd.s32 $0xFFFFF000  }
0x1ce: {  	[hbm:s1@s8], [sflag:s30] =	dma.strided [spmem:s9@s7], $0x1000, s3, $0x10   }
0x1cf: {  	_ =	swait.ge [sflag:s3], $0x1000  }
0x1d0: {  	s1 =	sld [smem:$0x7E6]  }
0x1d1: {  	[sflag:s3] =	ssyncset.done $0x0  }
0x1d2: {  	[sflag:s3] =	ssyncadd.s32 $0xFFFFF000  }
0x1d3: {  	[spmem:s18@s7], [sflag:s2] =	dma.strided [hbm:s1@s8], $0x1000, s3, $0x10   }
0x1d4: {  	_ =	swait.ge [sflag:s22], $0x1000  }
0x1d5: {  	s1 =	sld [smem:$0x7E7]  }
0x1d6: {  	[sflag:s22] =	ssyncset.done $0x0  }
0x1d7: {  	[sflag:s22] =	ssyncadd.s32 $0xFFFFF000  }
0x1d8: {  	[hbm:s1@s8], [sflag:s31] =	dma.strided [spmem:s20@s7], $0x1000, s3, $0x10   }
0x1d9: {  	_ =	swait.ge [sflag:s5], $0x1000  }
0x1da: {  	s1 =	sld [smem:$0x7E8]  }
0x1db: {  	[sflag:s5] =	ssyncset.done $0x0  }
0x1dc: {  	[sflag:s5] =	ssyncadd.s32 $0xFFFFF000  }
0x1dd: {  	[spmem:s9@s7], [sflag:s26] =	dma.strided [hbm:s1@s8], $0x1000, s3, $0x10   }
0x1de: {  	_ =	swait.ge [sflag:s13], $0x1000  }
0x1df: {  	s1 =	sld [smem:$0x7E9]  }
0x1e0: {  	[sflag:s13] =	ssyncset.done $0x0  }
0x1e1: {  	[sflag:s13] =	ssyncadd.s32 $0xFFFFF000  }
0x1e2: {  	[hbm:s1@s8], [sflag:s28] =	dma.strided [spmem:s18@s7], $0x1000, s3, $0x10   }
0x1e3: {  	_ =	swait.ge [sflag:s15], $0x1000  }
0x1e4: {  	s1 =	sld [smem:$0x7EA]  }
0x1e5: {  	[sflag:s15] =	ssyncset.done $0x0  }
0x1e6: {  	[sflag:s15] =	ssyncadd.s32 $0xFFFFF000  }
0x1e7: {  	[spmem:s20@s7], [sflag:s29] =	dma.strided [hbm:s1@s8], $0x1000, s3, $0x10   }
0x1e8: {  	_ =	swait.ge [sflag:s12], $0x1000  }
0x1e9: {  	s1 =	sld [smem:$0x7EB]  }
0x1ea: {  	[sflag:s12] =	ssyncset.done $0x0  }
0x1eb: {  	[sflag:s12] =	ssyncadd.s32 $0xFFFFF000  }
0x1ec: {  	[hbm:s1@s8], [sflag:s30] =	dma.strided [spmem:s9@s7], $0x1000, s3, $0x10   }
0x1ed: {  	_ =	swait.ge [sflag:s3], $0x1000  }
0x1ee: {  	s1 =	sld [smem:$0x7EC]  }
0x1ef: {  	[sflag:s3] =	ssyncset.done $0x0  }
0x1f0: {  	[sflag:s3] =	ssyncadd.s32 $0xFFFFF000  }
0x1f1: {  	[spmem:s18@s7], [sflag:s2] =	dma.strided [hbm:s1@s8], $0x1000, s3, $0x10   }
0x1f2: {  	_ =	swait.ge [sflag:s22], $0x1000  }
0x1f3: {  	s1 =	sld [smem:$0x7ED]  }
0x1f4: {  	[sflag:s22] =	ssyncset.done $0x0  }
0x1f5: {  	[sflag:s22] =	ssyncadd.s32 $0xFFFFF000  }
0x1f6: {  	[hbm:s1@s8], [sflag:s31] =	dma.strided [spmem:s20@s7], $0x1000, s3, $0x10   }
0x1f7: {  	_ =	swait.ge [sflag:s5], $0x1000  }
0x1f8: {  	s1 =	sld [smem:$0x7EE]  }
0x1f9: {  	[sflag:s5] =	ssyncset.done $0x0  }
0x1fa: {  	[sflag:s5] =	ssyncadd.s32 $0xFFFFF000  }
0x1fb: {  	[spmem:s9@s7], [sflag:s26] =	dma.strided [hbm:s1@s8], $0x1000, s3, $0x10   }
0x1fc: {  	_ =	swait.ge [sflag:s13], $0x1000  }
0x1fd: {  	s1 =	sld [smem:$0x7EF]  }
0x1fe: {  	[sflag:s13] =	ssyncset.done $0x0  }
0x1ff: {  	[sflag:s13] =	ssyncadd.s32 $0xFFFFF000  }
0x200: {  	[hbm:s1@s8], [sflag:s28] =	dma.strided [spmem:s18@s7], $0x1000, s3, $0x10   }
0x201: {  	_ =	swait.ge [sflag:s15], $0x1000  }
0x202: {  	s1 =	sld [smem:$0x7F0]  }
0x203: {  	[sflag:s15] =	ssyncset.done $0x0  }
0x204: {  	[sflag:s15] =	ssyncadd.s32 $0xFFFFF000  }
0x205: {  	[spmem:s20@s7], [sflag:s29] =	dma.strided [hbm:s1@s8], $0x1000, s3, $0x10   }
0x206: {  	_ =	swait.ge [sflag:s12], $0x1000  }
0x207: {  	s1 =	sld [smem:$0x7F1]  }
0x208: {  	[sflag:s12] =	ssyncset.done $0x0  }
0x209: {  	[sflag:s12] =	ssyncadd.s32 $0xFFFFF000  }
0x20a: {  	[hbm:s1@s8], [sflag:s30] =	dma.strided [spmem:s9@s7], $0x1000, s3, $0x10   }
0x20b: {  	_ =	swait.ge [sflag:s3], $0x1000  }
0x20c: {  	s1 =	sld [smem:$0x7F2]  }
0x20d: {  	[sflag:s3] =	ssyncset.done $0x0  }
0x20e: {  	[sflag:s3] =	ssyncadd.s32 $0xFFFFF000  }
0x20f: {  	[spmem:s18@s7], [sflag:s2] =	dma.strided [hbm:s1@s8], $0x1000, s3, $0x10   }
0x210: {  	_ =	swait.ge [sflag:s22], $0x1000  }
0x211: {  	s1 =	sld [smem:$0x7F3]  }
0x212: {  	[sflag:s22] =	ssyncset.done $0x0  }
0x213: {  	[sflag:s22] =	ssyncadd.s32 $0xFFFFF000  }
0x214: {  	[hbm:s1@s8], [sflag:s31] =	dma.strided [spmem:s20@s7], $0x1000, s3, $0x10   }
0x215: {  	_ =	swait.ge [sflag:s5], $0x1000  }
0x216: {  	s1 =	sld [smem:$0x7F4]  }
0x217: {  	[sflag:s5] =	ssyncset.done $0x0  }
0x218: {  	[sflag:s5] =	ssyncadd.s32 $0xFFFFF000  }
0x219: {  	[spmem:s9@s7], [sflag:s26] =	dma.strided [hbm:s1@s8], $0x1000, s3, $0x10   }
0x21a: {  	_ =	swait.ge [sflag:s13], $0x1000  }
0x21b: {  	s1 =	sld [smem:$0x7F5]  }
0x21c: {  	[sflag:s13] =	ssyncset.done $0x0  }
0x21d: {  	[sflag:s13] =	ssyncadd.s32 $0xFFFFF000  }
0x21e: {  	[hbm:s1@s8], [sflag:s28] =	dma.strided [spmem:s18@s7], $0x1000, s3, $0x10   }
0x21f: {  	_ =	swait.ge [sflag:s15], $0x1000  }
0x220: {  	s1 =	sld [smem:$0x7F6]  }
0x221: {  	[sflag:s15] =	ssyncset.done $0x0  }
0x222: {  	[sflag:s15] =	ssyncadd.s32 $0xFFFFF000  }
0x223: {  	[spmem:s20@s7], [sflag:s29] =	dma.strided [hbm:s1@s8], $0x1000, s3, $0x10   }
0x224: {  	_ =	swait.ge [sflag:s12], $0x1000  }
0x225: {  	s1 =	sld [smem:$0x7F7]  }
0x226: {  	[sflag:s12] =	ssyncset.done $0x0  }
0x227: {  	[sflag:s12] =	ssyncadd.s32 $0xFFFFF000  }
0x228: {  	[hbm:s1@s8], [sflag:s30] =	dma.strided [spmem:s9@s7], $0x1000, s3, $0x10   }
0x229: {  	_ =	swait.ge [sflag:s3], $0x1000  }
0x22a: {  	s1 =	sld [smem:$0x7F8]  }
0x22b: {  	[sflag:s3] =	ssyncset.done $0x0  }
0x22c: {  	[sflag:s3] =	ssyncadd.s32 $0xFFFFF000  }
0x22d: {  	[spmem:s18@s7], [sflag:s2] =	dma.strided [hbm:s1@s8], $0x1000, s3, $0x10   }
0x22e: {  	_ =	swait.ge [sflag:s22], $0x1000  }
0x22f: {  	s1 =	sld [smem:$0x7F9]  }
0x230: {  	[sflag:s22] =	ssyncset.done $0x0  }
0x231: {  	[sflag:s22] =	ssyncadd.s32 $0xFFFFF000  }
0x232: {  	[hbm:s1@s8], [sflag:s31] =	dma.strided [spmem:s20@s7], $0x1000, s3, $0x10   }
0x233: {  	_ =	swait.ge [sflag:s5], $0x1000  }
0x234: {  	s1 =	sld [smem:$0x7FA]  }
0x235: {  	[sflag:s5] =	ssyncset.done $0x0  }
0x236: {  	[sflag:s5] =	ssyncadd.s32 $0xFFFFF000  }
0x237: {  	[spmem:s9@s7], [sflag:s26] =	dma.strided [hbm:s1@s8], $0x1000, s3, $0x10   }
0x238: {  	_ =	swait.ge [sflag:s13], $0x1000  }
0x239: {  	s1 =	sld [smem:$0x7FB]  }
0x23a: {  	[sflag:s13] =	ssyncset.done $0x0  }
0x23b: {  	[sflag:s13] =	ssyncadd.s32 $0xFFFFF000  }
0x23c: {  	[hbm:s1@s8], [sflag:s28] =	dma.strided [spmem:s18@s7], $0x1000, s3, $0x10   }
0x23d: {  	_ =	swait.ge [sflag:s15], $0x1000  }
0x23e: {  	s1 =	sld [smem:$0x7FC]  }
0x23f: {  	[sflag:s15] =	ssyncset.done $0x0  }
0x240: {  	[sflag:s15] =	ssyncadd.s32 $0xFFFFF000  }
0x241: {  	[spmem:s20@s7], [sflag:s29] =	dma.strided [hbm:s1@s8], $0x1000, s3, $0x10   }
0x242: {  	_ =	swait.ge [sflag:s12], $0x1000  }
0x243: {  	s1 =	sld [smem:$0x7FD]  }
0x244: {  	[sflag:s12] =	ssyncset.done $0x0  }
0x245: {  	[sflag:s12] =	ssyncadd.s32 $0xFFFFF000  }
0x246: {  	[hbm:s1@s8], [sflag:s30] =	dma.strided [spmem:s9@s7], $0x1000, s3, $0x10   }
0x247: {  	_ =	swait.ge [sflag:s3], $0x1000  }
0x248: {  	[sflag:s3] =	ssyncset.done $0x0  }
0x249: {  	[sflag:s3] =	ssyncadd.s32 $0xFFFFF000  }
0x24a: {  	[spmem:s18@s7], [sflag:s2] =	dma.strided [hbm:s24@s8], $0x1000, s3, $0x10   }
0x24b: {  	_ =	swait.ge [sflag:s22], $0x1000  }
0x24c: {  	[sflag:s22] =	ssyncset.done $0x0  }
0x24d: {  	[sflag:s22] =	ssyncadd.s32 $0xFFFFF000  }
0x24e: {  	[hbm:s23@s8], [sflag:s31] =	dma.strided [spmem:s20@s7], $0x1000, s3, $0x10   }
0x24f: {  	_ =	swait.ge [sflag:s5], $0x1000  }
0x250: {  	[sflag:s5] =	ssyncset.done $0x0  }
0x251: {  	[sflag:s5] =	ssyncadd.s32 $0xFFFFF000  }
0x252: {  	[spmem:s9@s7], [sflag:s26] =	dma.strided [hbm:s21@s8], $0x1000, s3, $0x10   }
0x253: {  	_ =	swait.ge [sflag:s13], $0x1000  }
0x254: {  	[sflag:s13] =	ssyncset.done $0x0  }
0x255: {  	[sflag:s13] =	ssyncadd.s32 $0xFFFFF000  }
0x256: {  	[hbm:s19@s8], [sflag:s28] =	dma.strided [spmem:s18@s7], $0x1000, s3, $0x10   }
0x257: {  	_ =	swait.ge [sflag:s15], $0x1000  }
0x258: {  	[sflag:s15] =	ssyncset.done $0x0  }
0x259: {  	[sflag:s15] =	ssyncadd.s32 $0xFFFFF000  }
0x25a: {  	[spmem:s20@s7], [sflag:s29] =	dma.strided [hbm:s17@s8], $0x1000, s3, $0x10   }
0x25b: {  	_ =	swait.ge [sflag:s12], $0x1000  }
0x25c: {  	[sflag:s12] =	ssyncset.done $0x0  }
0x25d: {  	[sflag:s12] =	ssyncadd.s32 $0xFFFFF000  }
0x25e: {  	[hbm:s16@s8], [sflag:s30] =	dma.strided [spmem:s9@s7], $0x1000, s3, $0x10   }
0x25f: {  	_ =	swait.ge [sflag:s3], $0x1000  }
0x260: {  	[sflag:s3] =	ssyncset.done $0x0  }
0x261: {  	[sflag:s3] =	ssyncadd.s32 $0xFFFFF000  }
0x262: {  	[spmem:s18@s7], [sflag:s2] =	dma.strided [hbm:s14@s8], $0x1000, s3, $0x10   }
0x263: {  	_ =	swait.ge [sflag:s22], $0x1000  }
0x264: {  	[sflag:s22] =	ssyncset.done $0x0  }
0x265: {  	[sflag:s22] =	ssyncadd.s32 $0xFFFFF000  }
0x266: {  	[hbm:s11@s8], [sflag:s31] =	dma.strided [spmem:s20@s7], $0x1000, s3, $0x10   }
0x267: {  	_ =	swait.ge [sflag:s5], $0x1000  }
0x268: {  	[sflag:s5] =	ssyncset.done $0x0  }
0x269: {  	[sflag:s5] =	ssyncadd.s32 $0xFFFFF000  }
0x26a: {  	[spmem:s9@s7], [sflag:s26] =	dma.strided [hbm:s10@s8], $0x1000, s3, $0x10   }
0x26b: {  	_ =	swait.ge [sflag:s13], $0x1000  }
0x26c: {  	[sflag:s13] =	ssyncset.done $0x0  }
0x26d: {  	[sflag:s13] =	ssyncadd.s32 $0xFFFFF000  }
0x26e: {  	[hbm:s6@s8], [sflag:s28] =	dma.strided [spmem:s18@s7], $0x1000, s3, $0x10   }
0x26f: {  	_ =	swait.ge [sflag:s12], $0x1000  }
0x270: {  	[sflag:s12] =	ssyncset.done $0x0  }
0x271: {  	[sflag:s12] =	ssyncadd.s32 $0xFFFFF000  }
0x272: {  	[hbm:s4@s8], [sflag:s30] =	dma.strided [spmem:s9@s7], $0x1000, s3, $0x10   }
0x273: {  	_ =	swait.ge [sflag:s15], $0x1000  }
0x274: {  	[sflag:s15] =	ssyncset.done $0x0  }
0x275: {  	p1 =	sne.s32 s0, $0x1;
	[sflag:s15] =	ssyncadd.s32 $0xFFFFF000  }
.Ltmp2:
0x276: {  	_ =	swait.ge [sflag:s3], $0x1000;
	(pc) =	sbr.rel @p1 .LBB2_3-.Ltmp2, $4  }
0x277: {  	[sflag:s3] =	ssyncset.done $0x0  }
0x278: {  	[sflag:s3] =	ssyncadd.s32 $0xFFFFF000  }
0x279: {  	_ =	swait.ge [sflag:s5], $0x1000  }
0x27a: {  	s0 =	sadd.s32 $0xFFFFFFFF, s0;
	s1 =	rddreg [dreg:$0x4];
	[sflag:s5] =	ssyncset.done $0x0  }
0x27b: {  	s30 =	rddreg [dreg:$0x3];
	s31 =	stileid.u32  }
.LBB2_5:
0x27c: {  	[sflag:s5] =	ssyncadd.s32 @p0 $0xFFFFF000  }
0x27d: {  	[spmem:s18@s7], [sflag:s2] =	dma.strided [hbm:s1@s8], $0x1000, s3, $0x10   }
0x27e: {  	s0 =	sor.u32 $0x1C02, s25;
	s1 =	rddreg [dreg:$0x5]  }
0x27f: {  	[spmem:s9@s7], [sflag:s0] =	dma.strided [hbm:s1@s8], $0x1000, s3, $0x10   }
0x280: {  	_ =	swait.ge [sflag:s13], $0x1000  }
0x281: {  	[sflag:s13] =	ssyncset.done $0x0  }
0x282: {  	s26 =	sor.u32 $0x1C04, s25;
	s29 =	rddreg [dreg:$0x6];
	[sflag:s13] =	ssyncadd.s32 $0xFFFFF000  }
0x283: {  	[hbm:s29@s8], [sflag:s26] =	dma.strided [spmem:s18@s7], $0x1000, s3, $0x10   }
0x284: {  	s29 =	sor.u32 $0x1C03, s25;
	s1 =	rddreg [dreg:$0x7]  }
0x285: {  	[spmem:s20@s7], [sflag:s29] =	dma.strided [hbm:s1@s8], $0x1000, s3, $0x10   }
0x286: {  	_ =	swait.ge [sflag:s12], $0x1000  }
0x287: {  	[sflag:s12] =	ssyncset.done $0x0  }
0x288: {  	s28 =	sor.u32 $0x1C05, s25;
	s1 =	rddreg [dreg:$0x8];
	[sflag:s12] =	ssyncadd.s32 $0xFFFFF000  }
0x289: {  	[hbm:s1@s8], [sflag:s28] =	dma.strided [spmem:s9@s7], $0x1000, s3, $0x10   }
0x28a: {  	_ =	swait.ge [sflag:s3], $0x1000  }
0x28b: {  	[sflag:s3] =	ssyncset.done $0x0  }
0x28c: {  	s1 =	rddreg [dreg:$0x9];
	[sflag:s3] =	ssyncadd.s32 $0xFFFFF000  }
0x28d: {  	[spmem:s18@s7], [sflag:s2] =	dma.strided [hbm:s1@s8], $0x1000, s3, $0x10   }
0x28e: {  	_ =	swait.ge [sflag:s22], $0x1000  }
0x28f: {  	[sflag:s22] =	ssyncset.done $0x0  }
0x290: {  	s25 =	sor.u32 $0x1C06, s25;
	s1 =	rddreg [dreg:$0xa];
	[sflag:s22] =	ssyncadd.s32 $0xFFFFF000  }
0x291: {  	[hbm:s1@s8], [sflag:s25] =	dma.strided [spmem:s20@s7], $0x1000, s3, $0x10   }
0x292: {  	_ =	swait.ge [sflag:s5], $0x1000  }
0x293: {  	[sflag:s5] =	ssyncset.done $0x0  }
0x294: {  	s1 =	rddreg [dreg:$0xb];
	[sflag:s5] =	ssyncadd.s32 $0xFFFFF000  }
0x295: {  	[spmem:s9@s7], [sflag:s0] =	dma.strided [hbm:s1@s8], $0x1000, s3, $0x10   }
0x296: {  	_ =	swait.ge [sflag:s13], $0x1000  }
0x297: {  	[sflag:s13] =	ssyncset.done $0x0  }
0x298: {  	s1 =	rddreg [dreg:$0xc];
	[sflag:s13] =	ssyncadd.s32 $0xFFFFF000  }
0x299: {  	[hbm:s1@s8], [sflag:s26] =	dma.strided [spmem:s18@s7], $0x1000, s3, $0x10   }
0x29a: {  	_ =	swait.ge [sflag:s15], $0x1000  }
0x29b: {  	[sflag:s15] =	ssyncset.done $0x0  }
0x29c: {  	s1 =	rddreg [dreg:$0xd];
	[sflag:s15] =	ssyncadd.s32 $0xFFFFF000  }
0x29d: {  	[spmem:s20@s7], [sflag:s29] =	dma.strided [hbm:s1@s8], $0x1000, s3, $0x10   }
0x29e: {  	_ =	swait.ge [sflag:s12], $0x1000  }
0x29f: {  	[sflag:s12] =	ssyncset.done $0x0  }
0x2a0: {  	s1 =	rddreg [dreg:$0xe];
	[sflag:s12] =	ssyncadd.s32 $0xFFFFF000  }
0x2a1: {  	[hbm:s1@s8], [sflag:s28] =	dma.strided [spmem:s9@s7], $0x1000, s3, $0x10   }
0x2a2: {  	_ =	swait.ge [sflag:s3], $0x1000  }
0x2a3: {  	[sflag:s3] =	ssyncset.done $0x0  }
0x2a4: {  	s1 =	rddreg [dreg:$0xf];
	[sflag:s3] =	ssyncadd.s32 $0xFFFFF000  }
0x2a5: {  	[spmem:s18@s7], [sflag:s2] =	dma.strided [hbm:s1@s8], $0x1000, s3, $0x10   }
0x2a6: {  	_ =	swait.ge [sflag:s22], $0x1000  }
0x2a7: {  	[sflag:s22] =	ssyncset.done $0x0  }
0x2a8: {  	s1 =	rddreg [dreg:$0x10];
	[sflag:s22] =	ssyncadd.s32 $0xFFFFF000  }
0x2a9: {  	[hbm:s1@s8], [sflag:s25] =	dma.strided [spmem:s20@s7], $0x1000, s3, $0x10   }
0x2aa: {  	_ =	swait.ge [sflag:s5], $0x1000  }
0x2ab: {  	[sflag:s5] =	ssyncset.done $0x0  }
0x2ac: {  	s1 =	rddreg [dreg:$0x11];
	[sflag:s5] =	ssyncadd.s32 $0xFFFFF000  }
0x2ad: {  	[spmem:s9@s7], [sflag:s0] =	dma.strided [hbm:s1@s8], $0x1000, s3, $0x10   }
0x2ae: {  	_ =	swait.ge [sflag:s13], $0x1000  }
0x2af: {  	[sflag:s13] =	ssyncset.done $0x0  }
0x2b0: {  	s1 =	rddreg [dreg:$0x12];
	[sflag:s13] =	ssyncadd.s32 $0xFFFFF000  }
0x2b1: {  	[hbm:s1@s8], [sflag:s26] =	dma.strided [spmem:s18@s7], $0x1000, s3, $0x10   }
0x2b2: {  	_ =	swait.ge [sflag:s15], $0x1000  }
0x2b3: {  	[sflag:s15] =	ssyncset.done $0x0  }
0x2b4: {  	s1 =	rddreg [dreg:$0x13];
	[sflag:s15] =	ssyncadd.s32 $0xFFFFF000  }
0x2b5: {  	[spmem:s20@s7], [sflag:s29] =	dma.strided [hbm:s1@s8], $0x1000, s3, $0x10   }
0x2b6: {  	_ =	swait.ge [sflag:s12], $0x1000  }
0x2b7: {  	[sflag:s12] =	ssyncset.done $0x0  }
0x2b8: {  	s1 =	rddreg [dreg:$0x14];
	[sflag:s12] =	ssyncadd.s32 $0xFFFFF000  }
0x2b9: {  	[hbm:s1@s8], [sflag:s28] =	dma.strided [spmem:s9@s7], $0x1000, s3, $0x10   }
0x2ba: {  	_ =	swait.ge [sflag:s3], $0x1000  }
0x2bb: {  	[sflag:s3] =	ssyncset.done $0x0  }
0x2bc: {  	s1 =	rddreg [dreg:$0x15];
	[sflag:s3] =	ssyncadd.s32 $0xFFFFF000  }
0x2bd: {  	[spmem:s18@s7], [sflag:s2] =	dma.strided [hbm:s1@s8], $0x1000, s3, $0x10   }
0x2be: {  	_ =	swait.ge [sflag:s22], $0x1000  }
0x2bf: {  	[sflag:s22] =	ssyncset.done $0x0  }
0x2c0: {  	s1 =	rddreg [dreg:$0x16];
	[sflag:s22] =	ssyncadd.s32 $0xFFFFF000  }
0x2c1: {  	[hbm:s1@s8], [sflag:s25] =	dma.strided [spmem:s20@s7], $0x1000, s3, $0x10   }
0x2c2: {  	_ =	swait.ge [sflag:s5], $0x1000  }
0x2c3: {  	[sflag:s5] =	ssyncset.done $0x0  }
0x2c4: {  	s1 =	rddreg [dreg:$0x17];
	[sflag:s5] =	ssyncadd.s32 $0xFFFFF000  }
0x2c5: {  	[spmem:s9@s7], [sflag:s0] =	dma.strided [hbm:s1@s8], $0x1000, s3, $0x10   }
0x2c6: {  	_ =	swait.ge [sflag:s13], $0x1000  }
0x2c7: {  	[sflag:s13] =	ssyncset.done $0x0  }
0x2c8: {  	s1 =	rddreg [dreg:$0x18];
	[sflag:s13] =	ssyncadd.s32 $0xFFFFF000  }
0x2c9: {  	[hbm:s1@s8], [sflag:s26] =	dma.strided [spmem:s18@s7], $0x1000, s3, $0x10   }
0x2ca: {  	_ =	swait.ge [sflag:s15], $0x1000  }
0x2cb: {  	[sflag:s15] =	ssyncset.done $0x0  }
0x2cc: {  	s1 =	rddreg [dreg:$0x19];
	[sflag:s15] =	ssyncadd.s32 $0xFFFFF000  }
0x2cd: {  	[spmem:s20@s7], [sflag:s29] =	dma.strided [hbm:s1@s8], $0x1000, s3, $0x10   }
0x2ce: {  	_ =	swait.ge [sflag:s12], $0x1000  }
0x2cf: {  	[sflag:s12] =	ssyncset.done $0x0  }
0x2d0: {  	s1 =	rddreg [dreg:$0x1a];
	[sflag:s12] =	ssyncadd.s32 $0xFFFFF000  }
0x2d1: {  	[hbm:s1@s8], [sflag:s28] =	dma.strided [spmem:s9@s7], $0x1000, s3, $0x10   }
0x2d2: {  	_ =	swait.ge [sflag:s3], $0x1000  }
0x2d3: {  	[sflag:s3] =	ssyncset.done $0x0  }
0x2d4: {  	s1 =	rddreg [dreg:$0x1b];
	[sflag:s3] =	ssyncadd.s32 $0xFFFFF000  }
0x2d5: {  	[spmem:s18@s7], [sflag:s2] =	dma.strided [hbm:s1@s8], $0x1000, s3, $0x10   }
0x2d6: {  	_ =	swait.ge [sflag:s22], $0x1000  }
0x2d7: {  	[sflag:s22] =	ssyncset.done $0x0  }
0x2d8: {  	s1 =	rddreg [dreg:$0x1c];
	[sflag:s22] =	ssyncadd.s32 $0xFFFFF000  }
0x2d9: {  	[hbm:s1@s8], [sflag:s25] =	dma.strided [spmem:s20@s7], $0x1000, s3, $0x10   }
0x2da: {  	_ =	swait.ge [sflag:s5], $0x1000  }
0x2db: {  	[sflag:s5] =	ssyncset.done $0x0  }
0x2dc: {  	s1 =	rddreg [dreg:$0x1d];
	[sflag:s5] =	ssyncadd.s32 $0xFFFFF000  }
0x2dd: {  	[spmem:s9@s7], [sflag:s0] =	dma.strided [hbm:s1@s8], $0x1000, s3, $0x10   }
0x2de: {  	_ =	swait.ge [sflag:s13], $0x1000  }
0x2df: {  	[sflag:s13] =	ssyncset.done $0x0  }
0x2e0: {  	s1 =	rddreg [dreg:$0x1e];
	[sflag:s13] =	ssyncadd.s32 $0xFFFFF000  }
0x2e1: {  	[hbm:s1@s8], [sflag:s26] =	dma.strided [spmem:s18@s7], $0x1000, s3, $0x10   }
0x2e2: {  	_ =	swait.ge [sflag:s15], $0x1000  }
0x2e3: {  	[sflag:s15] =	ssyncset.done $0x0  }
0x2e4: {  	s1 =	rddreg [dreg:$0x1f];
	[sflag:s15] =	ssyncadd.s32 $0xFFFFF000  }
0x2e5: {  	[spmem:s20@s7], [sflag:s29] =	dma.strided [hbm:s1@s8], $0x1000, s3, $0x10   }
0x2e6: {  	_ =	swait.ge [sflag:s12], $0x1000  }
0x2e7: {  	s1 =	sld [smem:$0x7E5]  }
0x2e8: {  	[sflag:s12] =	ssyncset.done $0x0  }
0x2e9: {  	[sflag:s12] =	ssyncadd.s32 $0xFFFFF000  }
0x2ea: {  	[hbm:s1@s8], [sflag:s28] =	dma.strided [spmem:s9@s7], $0x1000, s3, $0x10   }
0x2eb: {  	_ =	swait.ge [sflag:s3], $0x1000  }
0x2ec: {  	s1 =	sld [smem:$0x7E6]  }
0x2ed: {  	[sflag:s3] =	ssyncset.done $0x0  }
0x2ee: {  	[sflag:s3] =	ssyncadd.s32 $0xFFFFF000  }
0x2ef: {  	[spmem:s18@s7], [sflag:s2] =	dma.strided [hbm:s1@s8], $0x1000, s3, $0x10   }
0x2f0: {  	_ =	swait.ge [sflag:s22], $0x1000  }
0x2f1: {  	s1 =	sld [smem:$0x7E7]  }
0x2f2: {  	[sflag:s22] =	ssyncset.done $0x0  }
0x2f3: {  	[sflag:s22] =	ssyncadd.s32 $0xFFFFF000  }
0x2f4: {  	[hbm:s1@s8], [sflag:s25] =	dma.strided [spmem:s20@s7], $0x1000, s3, $0x10   }
0x2f5: {  	_ =	swait.ge [sflag:s5], $0x1000  }
0x2f6: {  	s1 =	sld [smem:$0x7E8]  }
0x2f7: {  	[sflag:s5] =	ssyncset.done $0x0  }
0x2f8: {  	[sflag:s5] =	ssyncadd.s32 $0xFFFFF000  }
0x2f9: {  	[spmem:s9@s7], [sflag:s0] =	dma.strided [hbm:s1@s8], $0x1000, s3, $0x10   }
0x2fa: {  	_ =	swait.ge [sflag:s13], $0x1000  }
0x2fb: {  	s1 =	sld [smem:$0x7E9]  }
0x2fc: {  	[sflag:s13] =	ssyncset.done $0x0  }
0x2fd: {  	[sflag:s13] =	ssyncadd.s32 $0xFFFFF000  }
0x2fe: {  	[hbm:s1@s8], [sflag:s26] =	dma.strided [spmem:s18@s7], $0x1000, s3, $0x10   }
0x2ff: {  	_ =	swait.ge [sflag:s15], $0x1000  }
0x300: {  	s1 =	sld [smem:$0x7EA]  }
0x301: {  	[sflag:s15] =	ssyncset.done $0x0  }
0x302: {  	[sflag:s15] =	ssyncadd.s32 $0xFFFFF000  }
0x303: {  	[spmem:s20@s7], [sflag:s29] =	dma.strided [hbm:s1@s8], $0x1000, s3, $0x10   }
0x304: {  	_ =	swait.ge [sflag:s12], $0x1000  }
0x305: {  	s1 =	sld [smem:$0x7EB]  }
0x306: {  	[sflag:s12] =	ssyncset.done $0x0  }
0x307: {  	[sflag:s12] =	ssyncadd.s32 $0xFFFFF000  }
0x308: {  	[hbm:s1@s8], [sflag:s28] =	dma.strided [spmem:s9@s7], $0x1000, s3, $0x10   }
0x309: {  	_ =	swait.ge [sflag:s3], $0x1000  }
0x30a: {  	s1 =	sld [smem:$0x7EC]  }
0x30b: {  	[sflag:s3] =	ssyncset.done $0x0  }
0x30c: {  	[sflag:s3] =	ssyncadd.s32 $0xFFFFF000  }
0x30d: {  	[spmem:s18@s7], [sflag:s2] =	dma.strided [hbm:s1@s8], $0x1000, s3, $0x10   }
0x30e: {  	_ =	swait.ge [sflag:s22], $0x1000  }
0x30f: {  	s1 =	sld [smem:$0x7ED]  }
0x310: {  	[sflag:s22] =	ssyncset.done $0x0  }
0x311: {  	[sflag:s22] =	ssyncadd.s32 $0xFFFFF000  }
0x312: {  	[hbm:s1@s8], [sflag:s25] =	dma.strided [spmem:s20@s7], $0x1000, s3, $0x10   }
0x313: {  	_ =	swait.ge [sflag:s5], $0x1000  }
0x314: {  	s1 =	sld [smem:$0x7EE]  }
0x315: {  	[sflag:s5] =	ssyncset.done $0x0  }
0x316: {  	[sflag:s5] =	ssyncadd.s32 $0xFFFFF000  }
0x317: {  	[spmem:s9@s7], [sflag:s0] =	dma.strided [hbm:s1@s8], $0x1000, s3, $0x10   }
0x318: {  	_ =	swait.ge [sflag:s13], $0x1000  }
0x319: {  	s1 =	sld [smem:$0x7EF]  }
0x31a: {  	[sflag:s13] =	ssyncset.done $0x0  }
0x31b: {  	[sflag:s13] =	ssyncadd.s32 $0xFFFFF000  }
0x31c: {  	[hbm:s1@s8], [sflag:s26] =	dma.strided [spmem:s18@s7], $0x1000, s3, $0x10   }
0x31d: {  	_ =	swait.ge [sflag:s15], $0x1000  }
0x31e: {  	s1 =	sld [smem:$0x7F0]  }
0x31f: {  	[sflag:s15] =	ssyncset.done $0x0  }
0x320: {  	[sflag:s15] =	ssyncadd.s32 $0xFFFFF000  }
0x321: {  	[spmem:s20@s7], [sflag:s29] =	dma.strided [hbm:s1@s8], $0x1000, s3, $0x10   }
0x322: {  	_ =	swait.ge [sflag:s12], $0x1000  }
0x323: {  	s1 =	sld [smem:$0x7F1]  }
0x324: {  	[sflag:s12] =	ssyncset.done $0x0  }
0x325: {  	[sflag:s12] =	ssyncadd.s32 $0xFFFFF000  }
0x326: {  	[hbm:s1@s8], [sflag:s28] =	dma.strided [spmem:s9@s7], $0x1000, s3, $0x10   }
0x327: {  	_ =	swait.ge [sflag:s3], $0x1000  }
0x328: {  	s1 =	sld [smem:$0x7F2]  }
0x329: {  	[sflag:s3] =	ssyncset.done $0x0  }
0x32a: {  	[sflag:s3] =	ssyncadd.s32 $0xFFFFF000  }
0x32b: {  	[spmem:s18@s7], [sflag:s2] =	dma.strided [hbm:s1@s8], $0x1000, s3, $0x10   }
0x32c: {  	_ =	swait.ge [sflag:s22], $0x1000  }
0x32d: {  	s1 =	sld [smem:$0x7F3]  }
0x32e: {  	[sflag:s22] =	ssyncset.done $0x0  }
0x32f: {  	[sflag:s22] =	ssyncadd.s32 $0xFFFFF000  }
0x330: {  	[hbm:s1@s8], [sflag:s25] =	dma.strided [spmem:s20@s7], $0x1000, s3, $0x10   }
0x331: {  	_ =	swait.ge [sflag:s5], $0x1000  }
0x332: {  	s1 =	sld [smem:$0x7F4]  }
0x333: {  	[sflag:s5] =	ssyncset.done $0x0  }
0x334: {  	[sflag:s5] =	ssyncadd.s32 $0xFFFFF000  }
0x335: {  	[spmem:s9@s7], [sflag:s0] =	dma.strided [hbm:s1@s8], $0x1000, s3, $0x10   }
0x336: {  	_ =	swait.ge [sflag:s13], $0x1000  }
0x337: {  	s1 =	sld [smem:$0x7F5]  }
0x338: {  	[sflag:s13] =	ssyncset.done $0x0  }
0x339: {  	[sflag:s13] =	ssyncadd.s32 $0xFFFFF000  }
0x33a: {  	[hbm:s1@s8], [sflag:s26] =	dma.strided [spmem:s18@s7], $0x1000, s3, $0x10   }
0x33b: {  	_ =	swait.ge [sflag:s15], $0x1000  }
0x33c: {  	s1 =	sld [smem:$0x7F6]  }
0x33d: {  	[sflag:s15] =	ssyncset.done $0x0  }
0x33e: {  	[sflag:s15] =	ssyncadd.s32 $0xFFFFF000  }
0x33f: {  	[spmem:s20@s7], [sflag:s29] =	dma.strided [hbm:s1@s8], $0x1000, s3, $0x10   }
0x340: {  	_ =	swait.ge [sflag:s12], $0x1000  }
0x341: {  	s1 =	sld [smem:$0x7F7]  }
0x342: {  	[sflag:s12] =	ssyncset.done $0x0  }
0x343: {  	[sflag:s12] =	ssyncadd.s32 $0xFFFFF000  }
0x344: {  	[hbm:s1@s8], [sflag:s28] =	dma.strided [spmem:s9@s7], $0x1000, s3, $0x10   }
0x345: {  	_ =	swait.ge [sflag:s3], $0x1000  }
0x346: {  	s1 =	sld [smem:$0x7F8]  }
0x347: {  	[sflag:s3] =	ssyncset.done $0x0  }
0x348: {  	[sflag:s3] =	ssyncadd.s32 $0xFFFFF000  }
0x349: {  	[spmem:s18@s7], [sflag:s2] =	dma.strided [hbm:s1@s8], $0x1000, s3, $0x10   }
0x34a: {  	_ =	swait.ge [sflag:s22], $0x1000  }
0x34b: {  	s1 =	sld [smem:$0x7F9]  }
0x34c: {  	[sflag:s22] =	ssyncset.done $0x0  }
0x34d: {  	[sflag:s22] =	ssyncadd.s32 $0xFFFFF000  }
0x34e: {  	[hbm:s1@s8], [sflag:s25] =	dma.strided [spmem:s20@s7], $0x1000, s3, $0x10   }
0x34f: {  	_ =	swait.ge [sflag:s5], $0x1000  }
0x350: {  	s1 =	sld [smem:$0x7FA]  }
0x351: {  	[sflag:s5] =	ssyncset.done $0x0  }
0x352: {  	[sflag:s5] =	ssyncadd.s32 $0xFFFFF000  }
0x353: {  	[spmem:s9@s7], [sflag:s0] =	dma.strided [hbm:s1@s8], $0x1000, s3, $0x10   }
0x354: {  	_ =	swait.ge [sflag:s13], $0x1000  }
0x355: {  	s1 =	sld [smem:$0x7FB]  }
0x356: {  	[sflag:s13] =	ssyncset.done $0x0  }
0x357: {  	[sflag:s13] =	ssyncadd.s32 $0xFFFFF000  }
0x358: {  	[hbm:s1@s8], [sflag:s26] =	dma.strided [spmem:s18@s7], $0x1000, s3, $0x10   }
0x359: {  	_ =	swait.ge [sflag:s15], $0x1000  }
0x35a: {  	s1 =	sld [smem:$0x7FC]  }
0x35b: {  	[sflag:s15] =	ssyncset.done $0x0  }
0x35c: {  	[sflag:s15] =	ssyncadd.s32 $0xFFFFF000  }
0x35d: {  	[spmem:s20@s7], [sflag:s29] =	dma.strided [hbm:s1@s8], $0x1000, s3, $0x10   }
0x35e: {  	_ =	swait.ge [sflag:s12], $0x1000  }
0x35f: {  	s1 =	sld [smem:$0x7FD]  }
0x360: {  	[sflag:s12] =	ssyncset.done $0x0  }
0x361: {  	[sflag:s12] =	ssyncadd.s32 $0xFFFFF000  }
0x362: {  	[hbm:s1@s8], [sflag:s28] =	dma.strided [spmem:s9@s7], $0x1000, s3, $0x10   }
0x363: {  	_ =	swait.ge [sflag:s3], $0x1000  }
0x364: {  	[sflag:s3] =	ssyncset.done $0x0  }
0x365: {  	[sflag:s3] =	ssyncadd.s32 $0xFFFFF000  }
0x366: {  	[spmem:s18@s7], [sflag:s2] =	dma.strided [hbm:s24@s8], $0x1000, s3, $0x10   }
0x367: {  	_ =	swait.ge [sflag:s22], $0x1000  }
0x368: {  	[sflag:s22] =	ssyncset.done $0x0  }
0x369: {  	[sflag:s22] =	ssyncadd.s32 $0xFFFFF000  }
0x36a: {  	[hbm:s23@s8], [sflag:s25] =	dma.strided [spmem:s20@s7], $0x1000, s3, $0x10   }
0x36b: {  	_ =	swait.ge [sflag:s5], $0x1000  }
0x36c: {  	[sflag:s5] =	ssyncset.done $0x0  }
0x36d: {  	[sflag:s5] =	ssyncadd.s32 $0xFFFFF000  }
0x36e: {  	[spmem:s9@s7], [sflag:s0] =	dma.strided [hbm:s21@s8], $0x1000, s3, $0x10   }
0x36f: {  	_ =	swait.ge [sflag:s13], $0x1000  }
0x370: {  	[sflag:s13] =	ssyncset.done $0x0  }
0x371: {  	[sflag:s13] =	ssyncadd.s32 $0xFFFFF000  }
0x372: {  	[hbm:s19@s8], [sflag:s26] =	dma.strided [spmem:s18@s7], $0x1000, s3, $0x10   }
0x373: {  	_ =	swait.ge [sflag:s15], $0x1000  }
0x374: {  	[sflag:s15] =	ssyncset.done $0x0  }
0x375: {  	[sflag:s15] =	ssyncadd.s32 $0xFFFFF000  }
0x376: {  	[spmem:s20@s7], [sflag:s29] =	dma.strided [hbm:s17@s8], $0x1000, s3, $0x10   }
0x377: {  	_ =	swait.ge [sflag:s12], $0x1000  }
0x378: {  	[sflag:s12] =	ssyncset.done $0x0  }
0x379: {  	[sflag:s12] =	ssyncadd.s32 $0xFFFFF000  }
0x37a: {  	[hbm:s16@s8], [sflag:s28] =	dma.strided [spmem:s9@s7], $0x1000, s3, $0x10   }
0x37b: {  	_ =	swait.ge [sflag:s3], $0x1000  }
0x37c: {  	[sflag:s3] =	ssyncset.done $0x0  }
0x37d: {  	[sflag:s3] =	ssyncadd.s32 $0xFFFFF000  }
0x37e: {  	[spmem:s18@s7], [sflag:s2] =	dma.strided [hbm:s14@s8], $0x1000, s3, $0x10   }
0x37f: {  	_ =	swait.ge [sflag:s22], $0x1000  }
0x380: {  	[sflag:s22] =	ssyncset.done $0x0  }
0x381: {  	[sflag:s22] =	ssyncadd.s32 $0xFFFFF000  }
0x382: {  	[hbm:s11@s8], [sflag:s25] =	dma.strided [spmem:s20@s7], $0x1000, s3, $0x10   }
0x383: {  	_ =	swait.ge [sflag:s5], $0x1000  }
0x384: {  	[sflag:s5] =	ssyncset.done $0x0  }
0x385: {  	[sflag:s5] =	ssyncadd.s32 $0xFFFFF000  }
0x386: {  	[spmem:s9@s7], [sflag:s0] =	dma.strided [hbm:s10@s8], $0x1000, s3, $0x10   }
0x387: {  	_ =	swait.ge [sflag:s13], $0x1000  }
0x388: {  	[sflag:s13] =	ssyncset.done $0x0  }
0x389: {  	[sflag:s13] =	ssyncadd.s32 $0xFFFFF000  }
0x38a: {  	[hbm:s6@s8], [sflag:s26] =	dma.strided [spmem:s18@s7], $0x1000, s3, $0x10   }
0x38b: {  	_ =	swait.ge [sflag:s12], $0x1000  }
0x38c: {  	[sflag:s12] =	ssyncset.done $0x0  }
0x38d: {  	[sflag:s12] =	ssyncadd.s32 $0xFFFFF000  }
0x38e: {  	[hbm:s4@s8], [sflag:s28] =	dma.strided [spmem:s9@s7], $0x1000, s3, $0x10   }
0x38f: {  	_ =	swait.ge [sflag:s15], $0x1000  }
0x390: {  	[sflag:s15] =	ssyncset.done $0x0  }
0x391: {  	[sflag:s15] =	ssyncadd.s32 $0xFFFFF000  }
0x392: {  	_ =	swait.ge [sflag:s3], $0x1000  }
0x393: {  	[sflag:s3] =	ssyncset.done $0x0  }
0x394: {  	[sflag:s3] =	ssyncadd.s32 $0xFFFFF000  }
0x395: {  	_ =	swait.ge [sflag:s5], $0x1000  }
0x396: {  	[sflag:s5] =	ssyncset.done $0x0  }
0x397: {  	[sflag:s5] =	ssyncadd.s32 $0xFFFFF000  }
0x398: {  	_ =	sfence.sel $0x180000  }
0x399: {  	[bflag:$0x0] =	sbarrier.arrive $0xFFFF  }
0x39a: {  	p0 =	sne.s32 s31, $0x0;
	_ =	strace $0x90000047  }
0x39b: {  	s0 =	sadd.s32 @!p0 $0x100000, s30;
	[bflag:$0x2] =	sbarrier.arrive $0xFFFF  }
0x39c: {  	[sflag:s0] =	ssyncadd.tile.s32 @!p0 $0x1;
	_ =	shalt  }
.LBB2_2:
.Ltmp3:
0x39d: {  	(pc) =	sbr.rel .LBB2_5-.Ltmp3, $2  }
0x39e: {  	_ =	sdelay $0x2  }
0x39f: {  	s30 =	rddreg [dreg:$0x3];
	s31 =	stileid.u32  }
.Lfunc_end2:
_tile_overlayer_lowered:
.L_overlay_start_2:
0x3a0: {  	(tag) =	ssettag $0x2  }
0x3a1: {  	s0 =	rddreg [dreg:$0x0];
	s2 =	stileid.u32  }
0x3a2: {  	s1 =	rddreg [dreg:$0x1];
	p0 =	sne.s32 s2, $0x0  }
0x3a3: {  	s3 =	rddreg [dreg:$0x2];
	[bflag:$0x3] =	sbarrier.arrive $0xFFFF;
	s2 =	simm.s32 @!p0 $0x1C07  }
0x3a4: {  	[timem:s3], [sflag:s2] =	dma.local @!p0 [hbm:s0], s1  }
0x3a5: {  	s0 =	simm.s32 @!p0 $0x7  }
0x3a6: {  	_ =	swait.ge @!p0 [sflag:s0], s1  }
0x3a7: {  	s1 =	ssub.s32 @!p0 $0x0, s1;
	[sflag:s0] =	ssyncset.done @!p0 $0x0  }
0x3a8: {  	[sflag:s0] =	ssyncadd.s32 @!p0 s1  }
0x3a9: {  	[bflag:$0x3] =	sbarrier.arrive $0xFFFF  }
0x3aa: {  	_ =	shalt  }

</sc_bundles>
